<compile_context>
chip_gen: v7x
topology: tpu7x:2x2x1
jax: 0.10.2.dev20260603
libtpu: 0.0.44.dev20260713+nightly
codegen_flags: <defaults>
</compile_context>

<pallas_src>
import functools

import jax
import jax.numpy as jnp
from jax import lax
from jax.experimental import pallas as pl
from jax.experimental.pallas import tpu as pltpu
from jax.experimental.pallas import tpu_sc as plsc

_NC = 2
_NS = 16
_NW = _NC * _NS


def _attn_body(x1_ref, x2_ref, m1_ref, m2_ref, wq_ref, wk_ref, attn_ref):
  x1 = x1_ref[...]
  wq = wq_ref[...]
  wk = wk_ref[...]
  d_k = float(wq.shape[0])
  q = lax.dot_general(x1, wq, (((1,), (1,)), ((), ())),
                      preferred_element_type=jnp.float32)
  qk = lax.dot_general(q, wk, (((1,), (0,)), ((), ())),
                       preferred_element_type=jnp.float32)
  x2 = x2_ref[...]
  scores = jnp.sum(x2 * qk[:, None, :], axis=-1) * (1.0 / (d_k ** 0.5))
  sm = m1_ref[...][:, None] * m2_ref[...]
  scores = jnp.where(sm > 0, scores, jnp.float32(-1e9))
  mx = jnp.max(scores, axis=1, keepdims=True)
  e = jnp.exp(scores - mx)
  s = jnp.sum(e, axis=1, keepdims=True)
  attn_ref[...] = (e / s) * sm


def _attn_weights(x1, x2, m1, m2, wq, wk):
  B, L2, H = x2.shape
  Q = x1.shape[1]
  TB = 128
  grid = (B // TB,)
  return pl.pallas_call(
      _attn_body,
      grid=grid,
      in_specs=[
          pl.BlockSpec((TB, Q), lambda i: (i, 0)),
          pl.BlockSpec((TB, L2, H), lambda i: (i, 0, 0)),
          pl.BlockSpec((TB,), lambda i: (i,)),
          pl.BlockSpec((TB, L2), lambda i: (i, 0)),
          pl.BlockSpec((H, Q), lambda i: (0, 0)),
          pl.BlockSpec((H, H), lambda i: (0, 0)),
      ],
      out_specs=pl.BlockSpec((TB, L2), lambda i: (i, 0)),
      out_shape=jax.ShapeDtypeStruct((B, L2), jnp.float32),
  )(x1, x2, m1, m2, wq, wk)


def _make_sc_scatter(B, LP, V):
  rows_per_worker = B // _NW
  n_chunks = LP // 16
  CT = -(-V // 128)
  mesh = plsc.VectorSubcoreMesh(core_axis_name="c", subcore_axis_name="s",
                                num_cores=_NC)

  @functools.partial(
      pl.kernel,
      out_type=jax.ShapeDtypeStruct((B // 8, CT, 8, 128), jnp.float32),
      mesh=mesh,
      compiler_params=pltpu.CompilerParams(needs_layout_passes=False),
      scratch_types=[
          pltpu.VMEM((LP,), jnp.int32),
          pltpu.VMEM((LP,), jnp.float32),
          pltpu.VMEM((CT, 128), jnp.float32),
      ],
  )
  def sc_scatter(widx_hbm, attw_hbm, out_hbm, wbuf, vbuf, slab):
    cid = lax.axis_index("c")
    sid = lax.axis_index("s")
    wid = sid * _NC + cid
    row0 = wid * rows_per_worker

    z16 = jnp.zeros((16,), jnp.float32)

    def slab_zero(i, carry):
      for j in range(8):
        slab[i, pl.ds(j * 16, 16)] = z16
      return carry
    lax.fori_loop(0, CT, slab_zero, 0)

    lane = lax.broadcasted_iota(jnp.int32, (16,), 0)
    lane_masks = [lane == k for k in range(16)]

    def row_body(r, carry):
      b = row0 + r
      pltpu.sync_copy(widx_hbm.at[pl.ds(b * LP, LP)], wbuf)
      pltpu.sync_copy(attw_hbm.at[pl.ds(b * LP, LP)], vbuf)
      for c in range(n_chunks):
        w = wbuf[pl.ds(c * 16, 16)]
        v = vbuf[pl.ds(c * 16, 16)]
        wt = lax.shift_right_logical(w, 7)
        wl = lax.bitwise_and(w, 127)
        for k in range(16):
          plsc.addupdate_scatter(slab, [wt, wl], v, mask=lane_masks[k])
      pltpu.sync_copy(slab, out_hbm.at[b // 8, :, b % 8, :])
      for c in range(n_chunks):
        w = wbuf[pl.ds(c * 16, 16)]
        wt = lax.shift_right_logical(w, 7)
        wl = lax.bitwise_and(w, 127)
        for k in range(16):
          plsc.store_scatter(slab, [wt, wl], z16, mask=lane_masks[k])
      return carry

    lax.fori_loop(0, rows_per_worker, row_body, 0)

  return sc_scatter


def kernel(input_1, input_2, mask_1, mask_2, word_inds, vocab, Wq, Wk, Wv):
  del Wv
  B, L1, Q = input_1.shape
  L2 = input_2.shape[1]
  V = 100000

  x1 = input_1.reshape(B, Q).astype(jnp.float32)
  m1 = mask_1.reshape(B * L1)[:B].astype(jnp.float32)
  attn = _attn_weights(x1, input_2.astype(jnp.float32), m1,
                       mask_2.astype(jnp.float32), Wq, Wk)

  LP = 256
  idx = (word_inds - 1 + (vocab - V)).astype(jnp.int32)
  idx_p = jnp.pad(idx, ((0, 0), (0, LP - L2))).reshape(B * LP)
  att_p = jnp.pad(attn, ((0, 0), (0, LP - L2))).reshape(B * LP)
  CT = -(-V // 128)
  t4 = _make_sc_scatter(B, LP, V)(idx_p, att_p)
  dist = t4.transpose(0, 2, 1, 3).reshape(B, CT * 128)[:, :V]
  attn_heads = attn.reshape(B, 1, L1, L2)
  return (dist, attn_heads)

# --- scband reference (transcript-rebuilt; emitter-appended) ---
"""Pipeline reference for scband-pointer-31035433681578 (READ-ONLY COPY).

The authoritative reference and input builder live on the scoring server;
editing this copy changes nothing except your own understanding.
"""

import jax, jax.numpy as jnp
import numpy as np

def setup_inputs(seed: int = 0) -> dict:
    key = jax.random.key(seed)
    ks = jax.random.split(key, 8)
    B, L1, L2, H, Q, V = 1024, 1, 200, 128, 128, 100000
    input_1 = jax.random.normal(ks[0], (B, L1, Q), dtype=jnp.float32)
    input_2 = jax.random.normal(ks[1], (B, L2, H), dtype=jnp.float32)
    mask_1 = jnp.ones((B, L1), dtype=jnp.float32)
    mask_2 = jnp.ones((B, L2), dtype=jnp.float32)
    word_inds = jax.random.randint(ks[2], (B, L2), 1, V + 1)
    Wq = jax.random.normal(ks[3], (H, Q), dtype=jnp.float32) * (1.0 / np.sqrt(Q))
    Wk = jax.random.normal(ks[4], (H, H), dtype=jnp.float32) * (1.0 / np.sqrt(H))
    Wv = jax.random.normal(ks[5], (H, H), dtype=jnp.float32) * (1.0 / np.sqrt(H))
    return {"input_1": input_1, "input_2": input_2, "mask_1": mask_1, "mask_2": mask_2,
            "word_inds": word_inds, "vocab": V, "Wq": Wq, "Wk": Wk, "Wv": Wv}

def reference(input_1, input_2, mask_1, mask_2, word_inds, vocab, Wq, Wk, Wv):
    # Pointer.forward: masked single-head attention (input_1 queries over input_2),
    # then att2dist scatter-adds attention mass into a vocab-sized distribution.
    B = input_1.shape[0]
    d_k = jnp.float32(Wq.shape[0])
    # squared_mask = bmm(mask_1.unsqueeze(-1), mask_2.unsqueeze(1)) : B x L1 x L2
    squared_mask = mask_1[:, :, None] * mask_2[:, None, :]
    # MultiHeadAttention (n_head=1, scaled dot-product, masked softmax)
    q = jnp.einsum('bld,hd->blh', input_1, Wq)
    k = jnp.einsum('bld,hd->blh', input_2, Wk)
    v = jnp.einsum('bld,hd->blh', input_2, Wv)
    scores = jnp.einsum('bqh,bkh->bqk', q, k) / jnp.sqrt(d_k)
    scores = jnp.where(squared_mask > 0, scores, jnp.float32(-1e9))
    attn = jax.nn.softmax(scores, axis=-1) * squared_mask  # B x L1 x L2
    output = jnp.einsum('bqk,bkh->bqh', attn, v)  # first return of MHA, discarded by Pointer
    attn_heads = attn[:, None, :, :]  # B x n_head(=1) x L1 x L2, as returned by MHA
    # att2dist: one-hot bmm == scatter-add of attn mass by (word_inds - 1)
    a = attn.reshape(B, -1)  # B x (L1*L2), L1 == 1
    V = 100000
    idx = word_inds - 1 + (vocab - V)  # vocab indices start at 1 in the original
    dist = jnp.zeros((B, V), dtype=a.dtype).at[jnp.arange(B)[:, None], idx].add(a)
    return (dist, attn_heads)

if __name__ == "__main__":
    import jax
    _d = setup_inputs()
    print(jax.jit(kernel)(*tuple(_d.values())))

</pallas_src>

<mosaic_0001>
#map = affine_map<(d0, d1) -> (0)>
#map1 = affine_map<(d0, d1) -> (0, 0, 0, 0)>
module attributes {stable_mosaic.version = 14 : i64} {
  func.func @sc_scatter(%arg0: i32, %arg1: i32, %arg2: memref<262144xi32, #tpu.memory_space<hbm>>, %arg3: memref<262144xf32, #tpu.memory_space<hbm>>, %arg4: memref<128x782x8x128xf32, #tpu.memory_space<hbm>>, %arg5: memref<256xi32, #tpu.memory_space<vmem>>, %arg6: memref<256xf32, #tpu.memory_space<vmem>>, %arg7: memref<782x128xf32, #tpu.memory_space<vmem>>) attributes {dimension_semantics = [#tpu.dimension_semantics<core_parallel>, #tpu.dimension_semantics<subcore_parallel>], iteration_bounds = array<i64: 2, 16>, scalar_prefetch = 0 : i64, scratch_operands = 3 : i64, tpu.core_type = #tpu.core_type<sc_vector_subcore>, window_params = [{transform_indices = #map}, {transform_indices = #map}, {transform_indices = #map1}]} {
    %mul3A = arith.constant 2 : i32
    %mul3A_0 = arith.muli %arg1, %mul3A : i32
    %add3A = arith.addi %mul3A_0, %arg0 : i32
    %mul3A_1 = arith.constant 32 : i32
    %mul3A_2 = arith.muli %add3A, %mul3A_1 : i32
    %broadcast_in_dim3A = arith.constant 0.000000e+00 : f32
    %broadcast_in_dim3A_3 = vector.broadcast %broadcast_in_dim3A : f32 to vector<16xf32>
    %scan3A = arith.constant 0 : i32
    %scan3A_4 = arith.constant 0 : i32
    %scan3A_5 = arith.constant 782 : i32
    %scan3A_6 = arith.addi %scan3A_4, %scan3A_5 : i32
    %scan3A_7 = arith.constant 1 : i32
    scf.for %scan3A_62 = %scan3A_4 to %scan3A_6 step %scan3A_7  : i32 {
      %swap3A = arith.index_cast %scan3A_62 : i32 to index
      %swap3A_63 = arith.constant 0 : index
      %swap3A_64 = tpu.vector_load %arg7[%swap3A, %swap3A_63] {strides = array<i32>} : memref<782x128xf32, #tpu.memory_space<vmem>>, vector<16xf32>,
      tpu.vector_store %arg7[%swap3A, %swap3A_63], %broadcast_in_dim3A_3 {strides = array<i32>} : memref<782x128xf32, #tpu.memory_space<vmem>>, vector<16xf32>,
      %swap3A_65 = arith.index_cast %scan3A_62 : i32 to index
      %swap3A_66 = arith.constant 16 : index
      %swap3A_67 = tpu.vector_load %arg7[%swap3A_65, %swap3A_66] {strides = array<i32>} : memref<782x128xf32, #tpu.memory_space<vmem>>, vector<16xf32>,
      tpu.vector_store %arg7[%swap3A_65, %swap3A_66], %broadcast_in_dim3A_3 {strides = array<i32>} : memref<782x128xf32, #tpu.memory_space<vmem>>, vector<16xf32>,
      %swap3A_68 = arith.index_cast %scan3A_62 : i32 to index
      %swap3A_69 = arith.constant 32 : index
      %swap3A_70 = tpu.vector_load %arg7[%swap3A_68, %swap3A_69] {strides = array<i32>} : memref<782x128xf32, #tpu.memory_space<vmem>>, vector<16xf32>,
      tpu.vector_store %arg7[%swap3A_68, %swap3A_69], %broadcast_in_dim3A_3 {strides = array<i32>} : memref<782x128xf32, #tpu.memory_space<vmem>>, vector<16xf32>,
      %swap3A_71 = arith.index_cast %scan3A_62 : i32 to index
      %swap3A_72 = arith.constant 48 : index
      %swap3A_73 = tpu.vector_load %arg7[%swap3A_71, %swap3A_72] {strides = array<i32>} : memref<782x128xf32, #tpu.memory_space<vmem>>, vector<16xf32>,
      tpu.vector_store %arg7[%swap3A_71, %swap3A_72], %broadcast_in_dim3A_3 {strides = array<i32>} : memref<782x128xf32, #tpu.memory_space<vmem>>, vector<16xf32>,
      %swap3A_74 = arith.index_cast %scan3A_62 : i32 to index
      %swap3A_75 = arith.constant 64 : index
      %swap3A_76 = tpu.vector_load %arg7[%swap3A_74, %swap3A_75] {strides = array<i32>} : memref<782x128xf32, #tpu.memory_space<vmem>>, vector<16xf32>,
      tpu.vector_store %arg7[%swap3A_74, %swap3A_75], %broadcast_in_dim3A_3 {strides = array<i32>} : memref<782x128xf32, #tpu.memory_space<vmem>>, vector<16xf32>,
      %swap3A_77 = arith.index_cast %scan3A_62 : i32 to index
      %swap3A_78 = arith.constant 80 : index
      %swap3A_79 = tpu.vector_load %arg7[%swap3A_77, %swap3A_78] {strides = array<i32>} : memref<782x128xf32, #tpu.memory_space<vmem>>, vector<16xf32>,
      tpu.vector_store %arg7[%swap3A_77, %swap3A_78], %broadcast_in_dim3A_3 {strides = array<i32>} : memref<782x128xf32, #tpu.memory_space<vmem>>, vector<16xf32>,
      %swap3A_80 = arith.index_cast %scan3A_62 : i32 to index
      %swap3A_81 = arith.constant 96 : index
      %swap3A_82 = tpu.vector_load %arg7[%swap3A_80, %swap3A_81] {strides = array<i32>} : memref<782x128xf32, #tpu.memory_space<vmem>>, vector<16xf32>,
      tpu.vector_store %arg7[%swap3A_80, %swap3A_81], %broadcast_in_dim3A_3 {strides = array<i32>} : memref<782x128xf32, #tpu.memory_space<vmem>>, vector<16xf32>,
      %swap3A_83 = arith.index_cast %scan3A_62 : i32 to index
      %swap3A_84 = arith.constant 112 : index
      %swap3A_85 = tpu.vector_load %arg7[%swap3A_83, %swap3A_84] {strides = array<i32>} : memref<782x128xf32, #tpu.memory_space<vmem>>, vector<16xf32>,
      tpu.vector_store %arg7[%swap3A_83, %swap3A_84], %broadcast_in_dim3A_3 {strides = array<i32>} : memref<782x128xf32, #tpu.memory_space<vmem>>, vector<16xf32>,
    }
    %scan3A_8 = arith.constant 782 : i32
    %iota3A = tpu.iota {dimensions = array<i32: 0>} : vector<16xi32>
    %eq3A = arith.constant 0 : i32
    %eq3A_9 = vector.broadcast %eq3A : i32 to vector<16xi32>
    %eq3A_10 = arith.cmpi eq, %iota3A, %eq3A_9 : vector<16xi32>
    %eq3A_11 = arith.constant 1 : i32
    %eq3A_12 = vector.broadcast %eq3A_11 : i32 to vector<16xi32>
    %eq3A_13 = arith.cmpi eq, %iota3A, %eq3A_12 : vector<16xi32>
    %eq3A_14 = arith.constant 2 : i32
    %eq3A_15 = vector.broadcast %eq3A_14 : i32 to vector<16xi32>
    %eq3A_16 = arith.cmpi eq, %iota3A, %eq3A_15 : vector<16xi32>
    %eq3A_17 = arith.constant 3 : i32
    %eq3A_18 = vector.broadcast %eq3A_17 : i32 to vector<16xi32>
    %eq3A_19 = arith.cmpi eq, %iota3A, %eq3A_18 : vector<16xi32>
    %eq3A_20 = arith.constant 4 : i32
    %eq3A_21 = vector.broadcast %eq3A_20 : i32 to vector<16xi32>
    %eq3A_22 = arith.cmpi eq, %iota3A, %eq3A_21 : vector<16xi32>
    %eq3A_23 = arith.constant 5 : i32
    %eq3A_24 = vector.broadcast %eq3A_23 : i32 to vector<16xi32>
    %eq3A_25 = arith.cmpi eq, %iota3A, %eq3A_24 : vector<16xi32>
    %eq3A_26 = arith.constant 6 : i32
    %eq3A_27 = vector.broadcast %eq3A_26 : i32 to vector<16xi32>
    %eq3A_28 = arith.cmpi eq, %iota3A, %eq3A_27 : vector<16xi32>
    %eq3A_29 = arith.constant 7 : i32
    %eq3A_30 = vector.broadcast %eq3A_29 : i32 to vector<16xi32>
    %eq3A_31 = arith.cmpi eq, %iota3A, %eq3A_30 : vector<16xi32>
    %eq3A_32 = arith.constant 8 : i32
    %eq3A_33 = vector.broadcast %eq3A_32 : i32 to vector<16xi32>
    %eq3A_34 = arith.cmpi eq, %iota3A, %eq3A_33 : vector<16xi32>
    %eq3A_35 = arith.constant 9 : i32
    %eq3A_36 = vector.broadcast %eq3A_35 : i32 to vector<16xi32>
    %eq3A_37 = arith.cmpi eq, %iota3A, %eq3A_36 : vector<16xi32>
    %eq3A_38 = arith.constant 10 : i32
    %eq3A_39 = vector.broadcast %eq3A_38 : i32 to vector<16xi32>
    %eq3A_40 = arith.cmpi eq, %iota3A, %eq3A_39 : vector<16xi32>
    %eq3A_41 = arith.constant 11 : i32
    %eq3A_42 = vector.broadcast %eq3A_41 : i32 to vector<16xi32>
    %eq3A_43 = arith.cmpi eq, %iota3A, %eq3A_42 : vector<16xi32>
    %eq3A_44 = arith.constant 12 : i32
    %eq3A_45 = vector.broadcast %eq3A_44 : i32 to vector<16xi32>
    %eq3A_46 = arith.cmpi eq, %iota3A, %eq3A_45 : vector<16xi32>
    %eq3A_47 = arith.constant 13 : i32
    %eq3A_48 = vector.broadcast %eq3A_47 : i32 to vector<16xi32>
    %eq3A_49 = arith.cmpi eq, %iota3A, %eq3A_48 : vector<16xi32>
    %eq3A_50 = arith.constant 14 : i32
    %eq3A_51 = vector.broadcast %eq3A_50 : i32 to vector<16xi32>
    %eq3A_52 = arith.cmpi eq, %iota3A, %eq3A_51 : vector<16xi32>
    %eq3A_53 = arith.constant 15 : i32
    %eq3A_54 = vector.broadcast %eq3A_53 : i32 to vector<16xi32>
    %eq3A_55 = arith.cmpi eq, %iota3A, %eq3A_54 : vector<16xi32>
    %scan3A_56 = arith.constant 0 : i32
    %scan3A_57 = arith.constant 0 : i32
    %scan3A_58 = arith.constant 32 : i32
    %scan3A_59 = arith.addi %scan3A_57, %scan3A_58 : i32
    %scan3A_60 = arith.constant 1 : i32
    scf.for %scan3A_62 = %scan3A_57 to %scan3A_59 step %scan3A_60  : i32 {
      %add3A_63 = arith.addi %mul3A_2, %scan3A_62 : i32
      %mul3A_64 = arith.constant 256 : i32
      %mul3A_65 = arith.muli %add3A_63, %mul3A_64 : i32
      "tpu.region"() ({
        %run_scoped3A = tpu.sem_alloc : memref<!tpu.dma_semaphore, #tpu.memory_space<semaphore_mem>>
        %dma_start3A = tpu.memref_slice %arg2[%mul3A_65] : memref<262144xi32, #tpu.memory_space<hbm>> -> memref<256xi32, #tpu.memory_space<hbm>>
        %dma_start3A_385 = tpu.memref_slice %arg2[%mul3A_65] : memref<262144xi32, #tpu.memory_space<hbm>> -> memref<256xi32, #tpu.memory_space<hbm>>
        tpu.enqueue_dma source(%dma_start3A_385 : memref<256xi32, #tpu.memory_space<hbm>>) target(%arg5 : memref<256xi32, #tpu.memory_space<vmem>>) target_semaphore(%run_scoped3A : memref<!tpu.dma_semaphore, #tpu.memory_space<semaphore_mem>>)
        %dma_wait3A = tpu.memref_slice %arg2[%mul3A_65] : memref<262144xi32, #tpu.memory_space<hbm>> -> memref<256xi32, #tpu.memory_space<hbm>>
        %dma_wait3A_386 = tpu.memref_slice %arg2[%mul3A_65] : memref<262144xi32, #tpu.memory_space<hbm>> -> memref<256xi32, #tpu.memory_space<hbm>>
        tpu.wait_dma2 semaphore(%run_scoped3A : memref<!tpu.dma_semaphore, #tpu.memory_space<semaphore_mem>>) src(%dma_wait3A_386 : memref<256xi32, #tpu.memory_space<hbm>>) dst(%arg5 : memref<256xi32, #tpu.memory_space<vmem>>)
        tpu.yield
      }) : () -> ()
      %mul3A_66 = arith.constant 256 : i32
      %mul3A_67 = arith.muli %add3A_63, %mul3A_66 : i32
      "tpu.region"() ({
        %run_scoped3A = tpu.sem_alloc : memref<!tpu.dma_semaphore, #tpu.memory_space<semaphore_mem>>
        %dma_start3A = tpu.memref_slice %arg3[%mul3A_67] : memref<262144xf32, #tpu.memory_space<hbm>> -> memref<256xf32, #tpu.memory_space<hbm>>
        %dma_start3A_385 = tpu.memref_slice %arg3[%mul3A_67] : memref<262144xf32, #tpu.memory_space<hbm>> -> memref<256xf32, #tpu.memory_space<hbm>>
        tpu.enqueue_dma source(%dma_start3A_385 : memref<256xf32, #tpu.memory_space<hbm>>) target(%arg6 : memref<256xf32, #tpu.memory_space<vmem>>) target_semaphore(%run_scoped3A : memref<!tpu.dma_semaphore, #tpu.memory_space<semaphore_mem>>)
        %dma_wait3A = tpu.memref_slice %arg3[%mul3A_67] : memref<262144xf32, #tpu.memory_space<hbm>> -> memref<256xf32, #tpu.memory_space<hbm>>
        %dma_wait3A_386 = tpu.memref_slice %arg3[%mul3A_67] : memref<262144xf32, #tpu.memory_space<hbm>> -> memref<256xf32, #tpu.memory_space<hbm>>
        tpu.wait_dma2 semaphore(%run_scoped3A : memref<!tpu.dma_semaphore, #tpu.memory_space<semaphore_mem>>) src(%dma_wait3A_386 : memref<256xf32, #tpu.memory_space<hbm>>) dst(%arg6 : memref<256xf32, #tpu.memory_space<vmem>>)
        tpu.yield
      }) : () -> ()
      %get3A = arith.constant 0 : index
      %get3A_68 = tpu.vector_load %arg5[%get3A] {strides = array<i32>} : memref<256xi32, #tpu.memory_space<vmem>>, vector<16xi32>,
      %get3A_69 = arith.constant 0 : index
      %get3A_70 = tpu.vector_load %arg6[%get3A_69] {strides = array<i32>} : memref<256xf32, #tpu.memory_space<vmem>>, vector<16xf32>,
      %shift_right_logical3A = arith.constant 7 : i32
      %shift_right_logical3A_71 = vector.broadcast %shift_right_logical3A : i32 to vector<16xi32>
      %shift_right_logical3A_72 = arith.shrui %get3A_68, %shift_right_logical3A_71 : vector<16xi32>
      %and3A = arith.constant 127 : i32
      %and3A_73 = vector.broadcast %and3A : i32 to vector<16xi32>
      %and3A_74 = arith.andi %get3A_68, %and3A_73 : vector<16xi32>
      tpu.vector_store_idx %arg7[%shift_right_logical3A_72, %and3A_74], %get3A_70 masked %eq3A_10 {add = true} : memref<782x128xf32, #tpu.memory_space<vmem>>[vector<16xi32>, vector<16xi32>], vector<16xf32>, vector<16xi1>
      tpu.vector_store_idx %arg7[%shift_right_logical3A_72, %and3A_74], %get3A_70 masked %eq3A_13 {add = true} : memref<782x128xf32, #tpu.memory_space<vmem>>[vector<16xi32>, vector<16xi32>], vector<16xf32>, vector<16xi1>
      tpu.vector_store_idx %arg7[%shift_right_logical3A_72, %and3A_74], %get3A_70 masked %eq3A_16 {add = true} : memref<782x128xf32, #tpu.memory_space<vmem>>[vector<16xi32>, vector<16xi32>], vector<16xf32>, vector<16xi1>
      tpu.vector_store_idx %arg7[%shift_right_logical3A_72, %and3A_74], %get3A_70 masked %eq3A_19 {add = true} : memref<782x128xf32, #tpu.memory_space<vmem>>[vector<16xi32>, vector<16xi32>], vector<16xf32>, vector<16xi1>
      tpu.vector_store_idx %arg7[%shift_right_logical3A_72, %and3A_74], %get3A_70 masked %eq3A_22 {add = true} : memref<782x128xf32, #tpu.memory_space<vmem>>[vector<16xi32>, vector<16xi32>], vector<16xf32>, vector<16xi1>
      tpu.vector_store_idx %arg7[%shift_right_logical3A_72, %and3A_74], %get3A_70 masked %eq3A_25 {add = true} : memref<782x128xf32, #tpu.memory_space<vmem>>[vector<16xi32>, vector<16xi32>], vector<16xf32>, vector<16xi1>
      tpu.vector_store_idx %arg7[%shift_right_logical3A_72, %and3A_74], %get3A_70 masked %eq3A_28 {add = true} : memref<782x128xf32, #tpu.memory_space<vmem>>[vector<16xi32>, vector<16xi32>], vector<16xf32>, vector<16xi1>
      tpu.vector_store_idx %arg7[%shift_right_logical3A_72, %and3A_74], %get3A_70 masked %eq3A_31 {add = true} : memref<782x128xf32, #tpu.memory_space<vmem>>[vector<16xi32>, vector<16xi32>], vector<16xf32>, vector<16xi1>
      tpu.vector_store_idx %arg7[%shift_right_logical3A_72, %and3A_74], %get3A_70 masked %eq3A_34 {add = true} : memref<782x128xf32, #tpu.memory_space<vmem>>[vector<16xi32>, vector<16xi32>], vector<16xf32>, vector<16xi1>
      tpu.vector_store_idx %arg7[%shift_right_logical3A_72, %and3A_74], %get3A_70 masked %eq3A_37 {add = true} : memref<782x128xf32, #tpu.memory_space<vmem>>[vector<16xi32>, vector<16xi32>], vector<16xf32>, vector<16xi1>
      tpu.vector_store_idx %arg7[%shift_right_logical3A_72, %and3A_74], %get3A_70 masked %eq3A_40 {add = true} : memref<782x128xf32, #tpu.memory_space<vmem>>[vector<16xi32>, vector<16xi32>], vector<16xf32>, vector<16xi1>
      tpu.vector_store_idx %arg7[%shift_right_logical3A_72, %and3A_74], %get3A_70 masked %eq3A_43 {add = true} : memref<782x128xf32, #tpu.memory_space<vmem>>[vector<16xi32>, vector<16xi32>], vector<16xf32>, vector<16xi1>
      tpu.vector_store_idx %arg7[%shift_right_logical3A_72, %and3A_74], %get3A_70 masked %eq3A_46 {add = true} : memref<782x128xf32, #tpu.memory_space<vmem>>[vector<16xi32>, vector<16xi32>], vector<16xf32>, vector<16xi1>
      tpu.vector_store_idx %arg7[%shift_right_logical3A_72, %and3A_74], %get3A_70 masked %eq3A_49 {add = true} : memref<782x128xf32, #tpu.memory_space<vmem>>[vector<16xi32>, vector<16xi32>], vector<16xf32>, vector<16xi1>
      tpu.vector_store_idx %arg7[%shift_right_logical3A_72, %and3A_74], %get3A_70 masked %eq3A_52 {add = true} : memref<782x128xf32, #tpu.memory_space<vmem>>[vector<16xi32>, vector<16xi32>], vector<16xf32>, vector<16xi1>
      tpu.vector_store_idx %arg7[%shift_right_logical3A_72, %and3A_74], %get3A_70 masked %eq3A_55 {add = true} : memref<782x128xf32, #tpu.memory_space<vmem>>[vector<16xi32>, vector<16xi32>], vector<16xf32>, vector<16xi1>
      %get3A_75 = arith.constant 16 : index
      %get3A_76 = tpu.vector_load %arg5[%get3A_75] {strides = array<i32>} : memref<256xi32, #tpu.memory_space<vmem>>, vector<16xi32>,
      %get3A_77 = arith.constant 16 : index
      %get3A_78 = tpu.vector_load %arg6[%get3A_77] {strides = array<i32>} : memref<256xf32, #tpu.memory_space<vmem>>, vector<16xf32>,
      %shift_right_logical3A_79 = arith.constant 7 : i32
      %shift_right_logical3A_80 = vector.broadcast %shift_right_logical3A_79 : i32 to vector<16xi32>
      %shift_right_logical3A_81 = arith.shrui %get3A_76, %shift_right_logical3A_80 : vector<16xi32>
      %and3A_82 = arith.constant 127 : i32
      %and3A_83 = vector.broadcast %and3A_82 : i32 to vector<16xi32>
      %and3A_84 = arith.andi %get3A_76, %and3A_83 : vector<16xi32>
      tpu.vector_store_idx %arg7[%shift_right_logical3A_81, %and3A_84], %get3A_78 masked %eq3A_10 {add = true} : memref<782x128xf32, #tpu.memory_space<vmem>>[vector<16xi32>, vector<16xi32>], vector<16xf32>, vector<16xi1>
      tpu.vector_store_idx %arg7[%shift_right_logical3A_81, %and3A_84], %get3A_78 masked %eq3A_13 {add = true} : memref<782x128xf32, #tpu.memory_space<vmem>>[vector<16xi32>, vector<16xi32>], vector<16xf32>, vector<16xi1>
      tpu.vector_store_idx %arg7[%shift_right_logical3A_81, %and3A_84], %get3A_78 masked %eq3A_16 {add = true} : memref<782x128xf32, #tpu.memory_space<vmem>>[vector<16xi32>, vector<16xi32>], vector<16xf32>, vector<16xi1>
      tpu.vector_store_idx %arg7[%shift_right_logical3A_81, %and3A_84], %get3A_78 masked %eq3A_19 {add = true} : memref<782x128xf32, #tpu.memory_space<vmem>>[vector<16xi32>, vector<16xi32>], vector<16xf32>, vector<16xi1>
      tpu.vector_store_idx %arg7[%shift_right_logical3A_81, %and3A_84], %get3A_78 masked %eq3A_22 {add = true} : memref<782x128xf32, #tpu.memory_space<vmem>>[vector<16xi32>, vector<16xi32>], vector<16xf32>, vector<16xi1>
      tpu.vector_store_idx %arg7[%shift_right_logical3A_81, %and3A_84], %get3A_78 masked %eq3A_25 {add = true} : memref<782x128xf32, #tpu.memory_space<vmem>>[vector<16xi32>, vector<16xi32>], vector<16xf32>, vector<16xi1>
      tpu.vector_store_idx %arg7[%shift_right_logical3A_81, %and3A_84], %get3A_78 masked %eq3A_28 {add = true} : memref<782x128xf32, #tpu.memory_space<vmem>>[vector<16xi32>, vector<16xi32>], vector<16xf32>, vector<16xi1>
      tpu.vector_store_idx %arg7[%shift_right_logical3A_81, %and3A_84], %get3A_78 masked %eq3A_31 {add = true} : memref<782x128xf32, #tpu.memory_space<vmem>>[vector<16xi32>, vector<16xi32>], vector<16xf32>, vector<16xi1>
      tpu.vector_store_idx %arg7[%shift_right_logical3A_81, %and3A_84], %get3A_78 masked %eq3A_34 {add = true} : memref<782x128xf32, #tpu.memory_space<vmem>>[vector<16xi32>, vector<16xi32>], vector<16xf32>, vector<16xi1>
      tpu.vector_store_idx %arg7[%shift_right_logical3A_81, %and3A_84], %get3A_78 masked %eq3A_37 {add = true} : memref<782x128xf32, #tpu.memory_space<vmem>>[vector<16xi32>, vector<16xi32>], vector<16xf32>, vector<16xi1>
      tpu.vector_store_idx %arg7[%shift_right_logical3A_81, %and3A_84], %get3A_78 masked %eq3A_40 {add = true} : memref<782x128xf32, #tpu.memory_space<vmem>>[vector<16xi32>, vector<16xi32>], vector<16xf32>, vector<16xi1>
      tpu.vector_store_idx %arg7[%shift_right_logical3A_81, %and3A_84], %get3A_78 masked %eq3A_43 {add = true} : memref<782x128xf32, #tpu.memory_space<vmem>>[vector<16xi32>, vector<16xi32>], vector<16xf32>, vector<16xi1>
      tpu.vector_store_idx %arg7[%shift_right_logical3A_81, %and3A_84], %get3A_78 masked %eq3A_46 {add = true} : memref<782x128xf32, #tpu.memory_space<vmem>>[vector<16xi32>, vector<16xi32>], vector<16xf32>, vector<16xi1>
      tpu.vector_store_idx %arg7[%shift_right_logical3A_81, %and3A_84], %get3A_78 masked %eq3A_49 {add = true} : memref<782x128xf32, #tpu.memory_space<vmem>>[vector<16xi32>, vector<16xi32>], vector<16xf32>, vector<16xi1>
      tpu.vector_store_idx %arg7[%shift_right_logical3A_81, %and3A_84], %get3A_78 masked %eq3A_52 {add = true} : memref<782x128xf32, #tpu.memory_space<vmem>>[vector<16xi32>, vector<16xi32>], vector<16xf32>, vector<16xi1>
      tpu.vector_store_idx %arg7[%shift_right_logical3A_81, %and3A_84], %get3A_78 masked %eq3A_55 {add = true} : memref<782x128xf32, #tpu.memory_space<vmem>>[vector<16xi32>, vector<16xi32>], vector<16xf32>, vector<16xi1>
      %get3A_85 = arith.constant 32 : index
      %get3A_86 = tpu.vector_load %arg5[%get3A_85] {strides = array<i32>} : memref<256xi32, #tpu.memory_space<vmem>>, vector<16xi32>,
      %get3A_87 = arith.constant 32 : index
      %get3A_88 = tpu.vector_load %arg6[%get3A_87] {strides = array<i32>} : memref<256xf32, #tpu.memory_space<vmem>>, vector<16xf32>,
      %shift_right_logical3A_89 = arith.constant 7 : i32
      %shift_right_logical3A_90 = vector.broadcast %shift_right_logical3A_89 : i32 to vector<16xi32>
      %shift_right_logical3A_91 = arith.shrui %get3A_86, %shift_right_logical3A_90 : vector<16xi32>
      %and3A_92 = arith.constant 127 : i32
      %and3A_93 = vector.broadcast %and3A_92 : i32 to vector<16xi32>
      %and3A_94 = arith.andi %get3A_86, %and3A_93 : vector<16xi32>
      tpu.vector_store_idx %arg7[%shift_right_logical3A_91, %and3A_94], %get3A_88 masked %eq3A_10 {add = true} : memref<782x128xf32, #tpu.memory_space<vmem>>[vector<16xi32>, vector<16xi32>], vector<16xf32>, vector<16xi1>
      tpu.vector_store_idx %arg7[%shift_right_logical3A_91, %and3A_94], %get3A_88 masked %eq3A_13 {add = true} : memref<782x128xf32, #tpu.memory_space<vmem>>[vector<16xi32>, vector<16xi32>], vector<16xf32>, vector<16xi1>
      tpu.vector_store_idx %arg7[%shift_right_logical3A_91, %and3A_94], %get3A_88 masked %eq3A_16 {add = true} : memref<782x128xf32, #tpu.memory_space<vmem>>[vector<16xi32>, vector<16xi32>], vector<16xf32>, vector<16xi1>
      tpu.vector_store_idx %arg7[%shift_right_logical3A_91, %and3A_94], %get3A_88 masked %eq3A_19 {add = true} : memref<782x128xf32, #tpu.memory_space<vmem>>[vector<16xi32>, vector<16xi32>], vector<16xf32>, vector<16xi1>
      tpu.vector_store_idx %arg7[%shift_right_logical3A_91, %and3A_94], %get3A_88 masked %eq3A_22 {add = true} : memref<782x128xf32, #tpu.memory_space<vmem>>[vector<16xi32>, vector<16xi32>], vector<16xf32>, vector<16xi1>
      tpu.vector_store_idx %arg7[%shift_right_logical3A_91, %and3A_94], %get3A_88 masked %eq3A_25 {add = true} : memref<782x128xf32, #tpu.memory_space<vmem>>[vector<16xi32>, vector<16xi32>], vector<16xf32>, vector<16xi1>
      tpu.vector_store_idx %arg7[%shift_right_logical3A_91, %and3A_94], %get3A_88 masked %eq3A_28 {add = true} : memref<782x128xf32, #tpu.memory_space<vmem>>[vector<16xi32>, vector<16xi32>], vector<16xf32>, vector<16xi1>
      tpu.vector_store_idx %arg7[%shift_right_logical3A_91, %and3A_94], %get3A_88 masked %eq3A_31 {add = true} : memref<782x128xf32, #tpu.memory_space<vmem>>[vector<16xi32>, vector<16xi32>], vector<16xf32>, vector<16xi1>
      tpu.vector_store_idx %arg7[%shift_right_logical3A_91, %and3A_94], %get3A_88 masked %eq3A_34 {add = true} : memref<782x128xf32, #tpu.memory_space<vmem>>[vector<16xi32>, vector<16xi32>], vector<16xf32>, vector<16xi1>
      tpu.vector_store_idx %arg7[%shift_right_logical3A_91, %and3A_94], %get3A_88 masked %eq3A_37 {add = true} : memref<782x128xf32, #tpu.memory_space<vmem>>[vector<16xi32>, vector<16xi32>], vector<16xf32>, vector<16xi1>
      tpu.vector_store_idx %arg7[%shift_right_logical3A_91, %and3A_94], %get3A_88 masked %eq3A_40 {add = true} : memref<782x128xf32, #tpu.memory_space<vmem>>[vector<16xi32>, vector<16xi32>], vector<16xf32>, vector<16xi1>
      tpu.vector_store_idx %arg7[%shift_right_logical3A_91, %and3A_94], %get3A_88 masked %eq3A_43 {add = true} : memref<782x128xf32, #tpu.memory_space<vmem>>[vector<16xi32>, vector<16xi32>], vector<16xf32>, vector<16xi1>
      tpu.vector_store_idx %arg7[%shift_right_logical3A_91, %and3A_94], %get3A_88 masked %eq3A_46 {add = true} : memref<782x128xf32, #tpu.memory_space<vmem>>[vector<16xi32>, vector<16xi32>], vector<16xf32>, vector<16xi1>
      tpu.vector_store_idx %arg7[%shift_right_logical3A_91, %and3A_94], %get3A_88 masked %eq3A_49 {add = true} : memref<782x128xf32, #tpu.memory_space<vmem>>[vector<16xi32>, vector<16xi32>], vector<16xf32>, vector<16xi1>
      tpu.vector_store_idx %arg7[%shift_right_logical3A_91, %and3A_94], %get3A_88 masked %eq3A_52 {add = true} : memref<782x128xf32, #tpu.memory_space<vmem>>[vector<16xi32>, vector<16xi32>], vector<16xf32>, vector<16xi1>
      tpu.vector_store_idx %arg7[%shift_right_logical3A_91, %and3A_94], %get3A_88 masked %eq3A_55 {add = true} : memref<782x128xf32, #tpu.memory_space<vmem>>[vector<16xi32>, vector<16xi32>], vector<16xf32>, vector<16xi1>
      %get3A_95 = arith.constant 48 : index
      %get3A_96 = tpu.vector_load %arg5[%get3A_95] {strides = array<i32>} : memref<256xi32, #tpu.memory_space<vmem>>, vector<16xi32>,
      %get3A_97 = arith.constant 48 : index
      %get3A_98 = tpu.vector_load %arg6[%get3A_97] {strides = array<i32>} : memref<256xf32, #tpu.memory_space<vmem>>, vector<16xf32>,
      %shift_right_logical3A_99 = arith.constant 7 : i32
      %shift_right_logical3A_100 = vector.broadcast %shift_right_logical3A_99 : i32 to vector<16xi32>
      %shift_right_logical3A_101 = arith.shrui %get3A_96, %shift_right_logical3A_100 : vector<16xi32>
      %and3A_102 = arith.constant 127 : i32
      %and3A_103 = vector.broadcast %and3A_102 : i32 to vector<16xi32>
      %and3A_104 = arith.andi %get3A_96, %and3A_103 : vector<16xi32>
      tpu.vector_store_idx %arg7[%shift_right_logical3A_101, %and3A_104], %get3A_98 masked %eq3A_10 {add = true} : memref<782x128xf32, #tpu.memory_space<vmem>>[vector<16xi32>, vector<16xi32>], vector<16xf32>, vector<16xi1>
      tpu.vector_store_idx %arg7[%shift_right_logical3A_101, %and3A_104], %get3A_98 masked %eq3A_13 {add = true} : memref<782x128xf32, #tpu.memory_space<vmem>>[vector<16xi32>, vector<16xi32>], vector<16xf32>, vector<16xi1>
      tpu.vector_store_idx %arg7[%shift_right_logical3A_101, %and3A_104], %get3A_98 masked %eq3A_16 {add = true} : memref<782x128xf32, #tpu.memory_space<vmem>>[vector<16xi32>, vector<16xi32>], vector<16xf32>, vector<16xi1>
      tpu.vector_store_idx %arg7[%shift_right_logical3A_101, %and3A_104], %get3A_98 masked %eq3A_19 {add = true} : memref<782x128xf32, #tpu.memory_space<vmem>>[vector<16xi32>, vector<16xi32>], vector<16xf32>, vector<16xi1>
      tpu.vector_store_idx %arg7[%shift_right_logical3A_101, %and3A_104], %get3A_98 masked %eq3A_22 {add = true} : memref<782x128xf32, #tpu.memory_space<vmem>>[vector<16xi32>, vector<16xi32>], vector<16xf32>, vector<16xi1>
      tpu.vector_store_idx %arg7[%shift_right_logical3A_101, %and3A_104], %get3A_98 masked %eq3A_25 {add = true} : memref<782x128xf32, #tpu.memory_space<vmem>>[vector<16xi32>, vector<16xi32>], vector<16xf32>, vector<16xi1>
      tpu.vector_store_idx %arg7[%shift_right_logical3A_101, %and3A_104], %get3A_98 masked %eq3A_28 {add = true} : memref<782x128xf32, #tpu.memory_space<vmem>>[vector<16xi32>, vector<16xi32>], vector<16xf32>, vector<16xi1>
      tpu.vector_store_idx %arg7[%shift_right_logical3A_101, %and3A_104], %get3A_98 masked %eq3A_31 {add = true} : memref<782x128xf32, #tpu.memory_space<vmem>>[vector<16xi32>, vector<16xi32>], vector<16xf32>, vector<16xi1>
      tpu.vector_store_idx %arg7[%shift_right_logical3A_101, %and3A_104], %get3A_98 masked %eq3A_34 {add = true} : memref<782x128xf32, #tpu.memory_space<vmem>>[vector<16xi32>, vector<16xi32>], vector<16xf32>, vector<16xi1>
      tpu.vector_store_idx %arg7[%shift_right_logical3A_101, %and3A_104], %get3A_98 masked %eq3A_37 {add = true} : memref<782x128xf32, #tpu.memory_space<vmem>>[vector<16xi32>, vector<16xi32>], vector<16xf32>, vector<16xi1>
      tpu.vector_store_idx %arg7[%shift_right_logical3A_101, %and3A_104], %get3A_98 masked %eq3A_40 {add = true} : memref<782x128xf32, #tpu.memory_space<vmem>>[vector<16xi32>, vector<16xi32>], vector<16xf32>, vector<16xi1>
      tpu.vector_store_idx %arg7[%shift_right_logical3A_101, %and3A_104], %get3A_98 masked %eq3A_43 {add = true} : memref<782x128xf32, #tpu.memory_space<vmem>>[vector<16xi32>, vector<16xi32>], vector<16xf32>, vector<16xi1>
      tpu.vector_store_idx %arg7[%shift_right_logical3A_101, %and3A_104], %get3A_98 masked %eq3A_46 {add = true} : memref<782x128xf32, #tpu.memory_space<vmem>>[vector<16xi32>, vector<16xi32>], vector<16xf32>, vector<16xi1>
      tpu.vector_store_idx %arg7[%shift_right_logical3A_101, %and3A_104], %get3A_98 masked %eq3A_49 {add = true} : memref<782x128xf32, #tpu.memory_space<vmem>>[vector<16xi32>, vector<16xi32>], vector<16xf32>, vector<16xi1>
      tpu.vector_store_idx %arg7[%shift_right_logical3A_101, %and3A_104], %get3A_98 masked %eq3A_52 {add = true} : memref<782x128xf32, #tpu.memory_space<vmem>>[vector<16xi32>, vector<16xi32>], vector<16xf32>, vector<16xi1>
      tpu.vector_store_idx %arg7[%shift_right_logical3A_101, %and3A_104], %get3A_98 masked %eq3A_55 {add = true} : memref<782x128xf32, #tpu.memory_space<vmem>>[vector<16xi32>, vector<16xi32>], vector<16xf32>, vector<16xi1>
      %get3A_105 = arith.constant 64 : index
      %get3A_106 = tpu.vector_load %arg5[%get3A_105] {strides = array<i32>} : memref<256xi32, #tpu.memory_space<vmem>>, vector<16xi32>,
      %get3A_107 = arith.constant 64 : index
      %get3A_108 = tpu.vector_load %arg6[%get3A_107] {strides = array<i32>} : memref<256xf32, #tpu.memory_space<vmem>>, vector<16xf32>,
      %shift_right_logical3A_109 = arith.constant 7 : i32
      %shift_right_logical3A_110 = vector.broadcast %shift_right_logical3A_109 : i32 to vector<16xi32>
      %shift_right_logical3A_111 = arith.shrui %get3A_106, %shift_right_logical3A_110 : vector<16xi32>
      %and3A_112 = arith.constant 127 : i32
      %and3A_113 = vector.broadcast %and3A_112 : i32 to vector<16xi32>
      %and3A_114 = arith.andi %get3A_106, %and3A_113 : vector<16xi32>
      tpu.vector_store_idx %arg7[%shift_right_logical3A_111, %and3A_114], %get3A_108 masked %eq3A_10 {add = true} : memref<782x128xf32, #tpu.memory_space<vmem>>[vector<16xi32>, vector<16xi32>], vector<16xf32>, vector<16xi1>
      tpu.vector_store_idx %arg7[%shift_right_logical3A_111, %and3A_114], %get3A_108 masked %eq3A_13 {add = true} : memref<782x128xf32, #tpu.memory_space<vmem>>[vector<16xi32>, vector<16xi32>], vector<16xf32>, vector<16xi1>
      tpu.vector_store_idx %arg7[%shift_right_logical3A_111, %and3A_114], %get3A_108 masked %eq3A_16 {add = true} : memref<782x128xf32, #tpu.memory_space<vmem>>[vector<16xi32>, vector<16xi32>], vector<16xf32>, vector<16xi1>
      tpu.vector_store_idx %arg7[%shift_right_logical3A_111, %and3A_114], %get3A_108 masked %eq3A_19 {add = true} : memref<782x128xf32, #tpu.memory_space<vmem>>[vector<16xi32>, vector<16xi32>], vector<16xf32>, vector<16xi1>
      tpu.vector_store_idx %arg7[%shift_right_logical3A_111, %and3A_114], %get3A_108 masked %eq3A_22 {add = true} : memref<782x128xf32, #tpu.memory_space<vmem>>[vector<16xi32>, vector<16xi32>], vector<16xf32>, vector<16xi1>
      tpu.vector_store_idx %arg7[%shift_right_logical3A_111, %and3A_114], %get3A_108 masked %eq3A_25 {add = true} : memref<782x128xf32, #tpu.memory_space<vmem>>[vector<16xi32>, vector<16xi32>], vector<16xf32>, vector<16xi1>
      tpu.vector_store_idx %arg7[%shift_right_logical3A_111, %and3A_114], %get3A_108 masked %eq3A_28 {add = true} : memref<782x128xf32, #tpu.memory_space<vmem>>[vector<16xi32>, vector<16xi32>], vector<16xf32>, vector<16xi1>
      tpu.vector_store_idx %arg7[%shift_right_logical3A_111, %and3A_114], %get3A_108 masked %eq3A_31 {add = true} : memref<782x128xf32, #tpu.memory_space<vmem>>[vector<16xi32>, vector<16xi32>], vector<16xf32>, vector<16xi1>
      tpu.vector_store_idx %arg7[%shift_right_logical3A_111, %and3A_114], %get3A_108 masked %eq3A_34 {add = true} : memref<782x128xf32, #tpu.memory_space<vmem>>[vector<16xi32>, vector<16xi32>], vector<16xf32>, vector<16xi1>
      tpu.vector_store_idx %arg7[%shift_right_logical3A_111, %and3A_114], %get3A_108 masked %eq3A_37 {add = true} : memref<782x128xf32, #tpu.memory_space<vmem>>[vector<16xi32>, vector<16xi32>], vector<16xf32>, vector<16xi1>
      tpu.vector_store_idx %arg7[%shift_right_logical3A_111, %and3A_114], %get3A_108 masked %eq3A_40 {add = true} : memref<782x128xf32, #tpu.memory_space<vmem>>[vector<16xi32>, vector<16xi32>], vector<16xf32>, vector<16xi1>
      tpu.vector_store_idx %arg7[%shift_right_logical3A_111, %and3A_114], %get3A_108 masked %eq3A_43 {add = true} : memref<782x128xf32, #tpu.memory_space<vmem>>[vector<16xi32>, vector<16xi32>], vector<16xf32>, vector<16xi1>
      tpu.vector_store_idx %arg7[%shift_right_logical3A_111, %and3A_114], %get3A_108 masked %eq3A_46 {add = true} : memref<782x128xf32, #tpu.memory_space<vmem>>[vector<16xi32>, vector<16xi32>], vector<16xf32>, vector<16xi1>
      tpu.vector_store_idx %arg7[%shift_right_logical3A_111, %and3A_114], %get3A_108 masked %eq3A_49 {add = true} : memref<782x128xf32, #tpu.memory_space<vmem>>[vector<16xi32>, vector<16xi32>], vector<16xf32>, vector<16xi1>
      tpu.vector_store_idx %arg7[%shift_right_logical3A_111, %and3A_114], %get3A_108 masked %eq3A_52 {add = true} : memref<782x128xf32, #tpu.memory_space<vmem>>[vector<16xi32>, vector<16xi32>], vector<16xf32>, vector<16xi1>
      tpu.vector_store_idx %arg7[%shift_right_logical3A_111, %and3A_114], %get3A_108 masked %eq3A_55 {add = true} : memref<782x128xf32, #tpu.memory_space<vmem>>[vector<16xi32>, vector<16xi32>], vector<16xf32>, vector<16xi1>
      %get3A_115 = arith.constant 80 : index
      %get3A_116 = tpu.vector_load %arg5[%get3A_115] {strides = array<i32>} : memref<256xi32, #tpu.memory_space<vmem>>, vector<16xi32>,
      %get3A_117 = arith.constant 80 : index
      %get3A_118 = tpu.vector_load %arg6[%get3A_117] {strides = array<i32>} : memref<256xf32, #tpu.memory_space<vmem>>, vector<16xf32>,
      %shift_right_logical3A_119 = arith.constant 7 : i32
      %shift_right_logical3A_120 = vector.broadcast %shift_right_logical3A_119 : i32 to vector<16xi32>
      %shift_right_logical3A_121 = arith.shrui %get3A_116, %shift_right_logical3A_120 : vector<16xi32>
      %and3A_122 = arith.constant 127 : i32
      %and3A_123 = vector.broadcast %and3A_122 : i32 to vector<16xi32>
      %and3A_124 = arith.andi %get3A_116, %and3A_123 : vector<16xi32>
      tpu.vector_store_idx %arg7[%shift_right_logical3A_121, %and3A_124], %get3A_118 masked %eq3A_10 {add = true} : memref<782x128xf32, #tpu.memory_space<vmem>>[vector<16xi32>, vector<16xi32>], vector<16xf32>, vector<16xi1>
      tpu.vector_store_idx %arg7[%shift_right_logical3A_121, %and3A_124], %get3A_118 masked %eq3A_13 {add = true} : memref<782x128xf32, #tpu.memory_space<vmem>>[vector<16xi32>, vector<16xi32>], vector<16xf32>, vector<16xi1>
      tpu.vector_store_idx %arg7[%shift_right_logical3A_121, %and3A_124], %get3A_118 masked %eq3A_16 {add = true} : memref<782x128xf32, #tpu.memory_space<vmem>>[vector<16xi32>, vector<16xi32>], vector<16xf32>, vector<16xi1>
      tpu.vector_store_idx %arg7[%shift_right_logical3A_121, %and3A_124], %get3A_118 masked %eq3A_19 {add = true} : memref<782x128xf32, #tpu.memory_space<vmem>>[vector<16xi32>, vector<16xi32>], vector<16xf32>, vector<16xi1>
      tpu.vector_store_idx %arg7[%shift_right_logical3A_121, %and3A_124], %get3A_118 masked %eq3A_22 {add = true} : memref<782x128xf32, #tpu.memory_space<vmem>>[vector<16xi32>, vector<16xi32>], vector<16xf32>, vector<16xi1>
      tpu.vector_store_idx %arg7[%shift_right_logical3A_121, %and3A_124], %get3A_118 masked %eq3A_25 {add = true} : memref<782x128xf32, #tpu.memory_space<vmem>>[vector<16xi32>, vector<16xi32>], vector<16xf32>, vector<16xi1>
      tpu.vector_store_idx %arg7[%shift_right_logical3A_121, %and3A_124], %get3A_118 masked %eq3A_28 {add = true} : memref<782x128xf32, #tpu.memory_space<vmem>>[vector<16xi32>, vector<16xi32>], vector<16xf32>, vector<16xi1>
      tpu.vector_store_idx %arg7[%shift_right_logical3A_121, %and3A_124], %get3A_118 masked %eq3A_31 {add = true} : memref<782x128xf32, #tpu.memory_space<vmem>>[vector<16xi32>, vector<16xi32>], vector<16xf32>, vector<16xi1>
      tpu.vector_store_idx %arg7[%shift_right_logical3A_121, %and3A_124], %get3A_118 masked %eq3A_34 {add = true} : memref<782x128xf32, #tpu.memory_space<vmem>>[vector<16xi32>, vector<16xi32>], vector<16xf32>, vector<16xi1>
      tpu.vector_store_idx %arg7[%shift_right_logical3A_121, %and3A_124], %get3A_118 masked %eq3A_37 {add = true} : memref<782x128xf32, #tpu.memory_space<vmem>>[vector<16xi32>, vector<16xi32>], vector<16xf32>, vector<16xi1>
      tpu.vector_store_idx %arg7[%shift_right_logical3A_121, %and3A_124], %get3A_118 masked %eq3A_40 {add = true} : memref<782x128xf32, #tpu.memory_space<vmem>>[vector<16xi32>, vector<16xi32>], vector<16xf32>, vector<16xi1>
      tpu.vector_store_idx %arg7[%shift_right_logical3A_121, %and3A_124], %get3A_118 masked %eq3A_43 {add = true} : memref<782x128xf32, #tpu.memory_space<vmem>>[vector<16xi32>, vector<16xi32>], vector<16xf32>, vector<16xi1>
      tpu.vector_store_idx %arg7[%shift_right_logical3A_121, %and3A_124], %get3A_118 masked %eq3A_46 {add = true} : memref<782x128xf32, #tpu.memory_space<vmem>>[vector<16xi32>, vector<16xi32>], vector<16xf32>, vector<16xi1>
      tpu.vector_store_idx %arg7[%shift_right_logical3A_121, %and3A_124], %get3A_118 masked %eq3A_49 {add = true} : memref<782x128xf32, #tpu.memory_space<vmem>>[vector<16xi32>, vector<16xi32>], vector<16xf32>, vector<16xi1>
      tpu.vector_store_idx %arg7[%shift_right_logical3A_121, %and3A_124], %get3A_118 masked %eq3A_52 {add = true} : memref<782x128xf32, #tpu.memory_space<vmem>>[vector<16xi32>, vector<16xi32>], vector<16xf32>, vector<16xi1>
      tpu.vector_store_idx %arg7[%shift_right_logical3A_121, %and3A_124], %get3A_118 masked %eq3A_55 {add = true} : memref<782x128xf32, #tpu.memory_space<vmem>>[vector<16xi32>, vector<16xi32>], vector<16xf32>, vector<16xi1>
      %get3A_125 = arith.constant 96 : index
      %get3A_126 = tpu.vector_load %arg5[%get3A_125] {strides = array<i32>} : memref<256xi32, #tpu.memory_space<vmem>>, vector<16xi32>,
      %get3A_127 = arith.constant 96 : index
      %get3A_128 = tpu.vector_load %arg6[%get3A_127] {strides = array<i32>} : memref<256xf32, #tpu.memory_space<vmem>>, vector<16xf32>,
      %shift_right_logical3A_129 = arith.constant 7 : i32
      %shift_right_logical3A_130 = vector.broadcast %shift_right_logical3A_129 : i32 to vector<16xi32>
      %shift_right_logical3A_131 = arith.shrui %get3A_126, %shift_right_logical3A_130 : vector<16xi32>
      %and3A_132 = arith.constant 127 : i32
      %and3A_133 = vector.broadcast %and3A_132 : i32 to vector<16xi32>
      %and3A_134 = arith.andi %get3A_126, %and3A_133 : vector<16xi32>
      tpu.vector_store_idx %arg7[%shift_right_logical3A_131, %and3A_134], %get3A_128 masked %eq3A_10 {add = true} : memref<782x128xf32, #tpu.memory_space<vmem>>[vector<16xi32>, vector<16xi32>], vector<16xf32>, vector<16xi1>
      tpu.vector_store_idx %arg7[%shift_right_logical3A_131, %and3A_134], %get3A_128 masked %eq3A_13 {add = true} : memref<782x128xf32, #tpu.memory_space<vmem>>[vector<16xi32>, vector<16xi32>], vector<16xf32>, vector<16xi1>
      tpu.vector_store_idx %arg7[%shift_right_logical3A_131, %and3A_134], %get3A_128 masked %eq3A_16 {add = true} : memref<782x128xf32, #tpu.memory_space<vmem>>[vector<16xi32>, vector<16xi32>], vector<16xf32>, vector<16xi1>
      tpu.vector_store_idx %arg7[%shift_right_logical3A_131, %and3A_134], %get3A_128 masked %eq3A_19 {add = true} : memref<782x128xf32, #tpu.memory_space<vmem>>[vector<16xi32>, vector<16xi32>], vector<16xf32>, vector<16xi1>
      tpu.vector_store_idx %arg7[%shift_right_logical3A_131, %and3A_134], %get3A_128 masked %eq3A_22 {add = true} : memref<782x128xf32, #tpu.memory_space<vmem>>[vector<16xi32>, vector<16xi32>], vector<16xf32>, vector<16xi1>
      tpu.vector_store_idx %arg7[%shift_right_logical3A_131, %and3A_134], %get3A_128 masked %eq3A_25 {add = true} : memref<782x128xf32, #tpu.memory_space<vmem>>[vector<16xi32>, vector<16xi32>], vector<16xf32>, vector<16xi1>
      tpu.vector_store_idx %arg7[%shift_right_logical3A_131, %and3A_134], %get3A_128 masked %eq3A_28 {add = true} : memref<782x128xf32, #tpu.memory_space<vmem>>[vector<16xi32>, vector<16xi32>], vector<16xf32>, vector<16xi1>
      tpu.vector_store_idx %arg7[%shift_right_logical3A_131, %and3A_134], %get3A_128 masked %eq3A_31 {add = true} : memref<782x128xf32, #tpu.memory_space<vmem>>[vector<16xi32>, vector<16xi32>], vector<16xf32>, vector<16xi1>
      tpu.vector_store_idx %arg7[%shift_right_logical3A_131, %and3A_134], %get3A_128 masked %eq3A_34 {add = true} : memref<782x128xf32, #tpu.memory_space<vmem>>[vector<16xi32>, vector<16xi32>], vector<16xf32>, vector<16xi1>
      tpu.vector_store_idx %arg7[%shift_right_logical3A_131, %and3A_134], %get3A_128 masked %eq3A_37 {add = true} : memref<782x128xf32, #tpu.memory_space<vmem>>[vector<16xi32>, vector<16xi32>], vector<16xf32>, vector<16xi1>
      tpu.vector_store_idx %arg7[%shift_right_logical3A_131, %and3A_134], %get3A_128 masked %eq3A_40 {add = true} : memref<782x128xf32, #tpu.memory_space<vmem>>[vector<16xi32>, vector<16xi32>], vector<16xf32>, vector<16xi1>
      tpu.vector_store_idx %arg7[%shift_right_logical3A_131, %and3A_134], %get3A_128 masked %eq3A_43 {add = true} : memref<782x128xf32, #tpu.memory_space<vmem>>[vector<16xi32>, vector<16xi32>], vector<16xf32>, vector<16xi1>
      tpu.vector_store_idx %arg7[%shift_right_logical3A_131, %and3A_134], %get3A_128 masked %eq3A_46 {add = true} : memref<782x128xf32, #tpu.memory_space<vmem>>[vector<16xi32>, vector<16xi32>], vector<16xf32>, vector<16xi1>
      tpu.vector_store_idx %arg7[%shift_right_logical3A_131, %and3A_134], %get3A_128 masked %eq3A_49 {add = true} : memref<782x128xf32, #tpu.memory_space<vmem>>[vector<16xi32>, vector<16xi32>], vector<16xf32>, vector<16xi1>
      tpu.vector_store_idx %arg7[%shift_right_logical3A_131, %and3A_134], %get3A_128 masked %eq3A_52 {add = true} : memref<782x128xf32, #tpu.memory_space<vmem>>[vector<16xi32>, vector<16xi32>], vector<16xf32>, vector<16xi1>
      tpu.vector_store_idx %arg7[%shift_right_logical3A_131, %and3A_134], %get3A_128 masked %eq3A_55 {add = true} : memref<782x128xf32, #tpu.memory_space<vmem>>[vector<16xi32>, vector<16xi32>], vector<16xf32>, vector<16xi1>
      %get3A_135 = arith.constant 112 : index
      %get3A_136 = tpu.vector_load %arg5[%get3A_135] {strides = array<i32>} : memref<256xi32, #tpu.memory_space<vmem>>, vector<16xi32>,
      %get3A_137 = arith.constant 112 : index
      %get3A_138 = tpu.vector_load %arg6[%get3A_137] {strides = array<i32>} : memref<256xf32, #tpu.memory_space<vmem>>, vector<16xf32>,
      %shift_right_logical3A_139 = arith.constant 7 : i32
      %shift_right_logical3A_140 = vector.broadcast %shift_right_logical3A_139 : i32 to vector<16xi32>
      %shift_right_logical3A_141 = arith.shrui %get3A_136, %shift_right_logical3A_140 : vector<16xi32>
      %and3A_142 = arith.constant 127 : i32
      %and3A_143 = vector.broadcast %and3A_142 : i32 to vector<16xi32>
      %and3A_144 = arith.andi %get3A_136, %and3A_143 : vector<16xi32>
      tpu.vector_store_idx %arg7[%shift_right_logical3A_141, %and3A_144], %get3A_138 masked %eq3A_10 {add = true} : memref<782x128xf32, #tpu.memory_space<vmem>>[vector<16xi32>, vector<16xi32>], vector<16xf32>, vector<16xi1>
      tpu.vector_store_idx %arg7[%shift_right_logical3A_141, %and3A_144], %get3A_138 masked %eq3A_13 {add = true} : memref<782x128xf32, #tpu.memory_space<vmem>>[vector<16xi32>, vector<16xi32>], vector<16xf32>, vector<16xi1>
      tpu.vector_store_idx %arg7[%shift_right_logical3A_141, %and3A_144], %get3A_138 masked %eq3A_16 {add = true} : memref<782x128xf32, #tpu.memory_space<vmem>>[vector<16xi32>, vector<16xi32>], vector<16xf32>, vector<16xi1>
      tpu.vector_store_idx %arg7[%shift_right_logical3A_141, %and3A_144], %get3A_138 masked %eq3A_19 {add = true} : memref<782x128xf32, #tpu.memory_space<vmem>>[vector<16xi32>, vector<16xi32>], vector<16xf32>, vector<16xi1>
      tpu.vector_store_idx %arg7[%shift_right_logical3A_141, %and3A_144], %get3A_138 masked %eq3A_22 {add = true} : memref<782x128xf32, #tpu.memory_space<vmem>>[vector<16xi32>, vector<16xi32>], vector<16xf32>, vector<16xi1>
      tpu.vector_store_idx %arg7[%shift_right_logical3A_141, %and3A_144], %get3A_138 masked %eq3A_25 {add = true} : memref<782x128xf32, #tpu.memory_space<vmem>>[vector<16xi32>, vector<16xi32>], vector<16xf32>, vector<16xi1>
      tpu.vector_store_idx %arg7[%shift_right_logical3A_141, %and3A_144], %get3A_138 masked %eq3A_28 {add = true} : memref<782x128xf32, #tpu.memory_space<vmem>>[vector<16xi32>, vector<16xi32>], vector<16xf32>, vector<16xi1>
      tpu.vector_store_idx %arg7[%shift_right_logical3A_141, %and3A_144], %get3A_138 masked %eq3A_31 {add = true} : memref<782x128xf32, #tpu.memory_space<vmem>>[vector<16xi32>, vector<16xi32>], vector<16xf32>, vector<16xi1>
      tpu.vector_store_idx %arg7[%shift_right_logical3A_141, %and3A_144], %get3A_138 masked %eq3A_34 {add = true} : memref<782x128xf32, #tpu.memory_space<vmem>>[vector<16xi32>, vector<16xi32>], vector<16xf32>, vector<16xi1>
      tpu.vector_store_idx %arg7[%shift_right_logical3A_141, %and3A_144], %get3A_138 masked %eq3A_37 {add = true} : memref<782x128xf32, #tpu.memory_space<vmem>>[vector<16xi32>, vector<16xi32>], vector<16xf32>, vector<16xi1>
      tpu.vector_store_idx %arg7[%shift_right_logical3A_141, %and3A_144], %get3A_138 masked %eq3A_40 {add = true} : memref<782x128xf32, #tpu.memory_space<vmem>>[vector<16xi32>, vector<16xi32>], vector<16xf32>, vector<16xi1>
      tpu.vector_store_idx %arg7[%shift_right_logical3A_141, %and3A_144], %get3A_138 masked %eq3A_43 {add = true} : memref<782x128xf32, #tpu.memory_space<vmem>>[vector<16xi32>, vector<16xi32>], vector<16xf32>, vector<16xi1>
      tpu.vector_store_idx %arg7[%shift_right_logical3A_141, %and3A_144], %get3A_138 masked %eq3A_46 {add = true} : memref<782x128xf32, #tpu.memory_space<vmem>>[vector<16xi32>, vector<16xi32>], vector<16xf32>, vector<16xi1>
      tpu.vector_store_idx %arg7[%shift_right_logical3A_141, %and3A_144], %get3A_138 masked %eq3A_49 {add = true} : memref<782x128xf32, #tpu.memory_space<vmem>>[vector<16xi32>, vector<16xi32>], vector<16xf32>, vector<16xi1>
      tpu.vector_store_idx %arg7[%shift_right_logical3A_141, %and3A_144], %get3A_138 masked %eq3A_52 {add = true} : memref<782x128xf32, #tpu.memory_space<vmem>>[vector<16xi32>, vector<16xi32>], vector<16xf32>, vector<16xi1>
      tpu.vector_store_idx %arg7[%shift_right_logical3A_141, %and3A_144], %get3A_138 masked %eq3A_55 {add = true} : memref<782x128xf32, #tpu.memory_space<vmem>>[vector<16xi32>, vector<16xi32>], vector<16xf32>, vector<16xi1>
      %get3A_145 = arith.constant 128 : index
      %get3A_146 = tpu.vector_load %arg5[%get3A_145] {strides = array<i32>} : memref<256xi32, #tpu.memory_space<vmem>>, vector<16xi32>,
      %get3A_147 = arith.constant 128 : index
      %get3A_148 = tpu.vector_load %arg6[%get3A_147] {strides = array<i32>} : memref<256xf32, #tpu.memory_space<vmem>>, vector<16xf32>,
      %shift_right_logical3A_149 = arith.constant 7 : i32
      %shift_right_logical3A_150 = vector.broadcast %shift_right_logical3A_149 : i32 to vector<16xi32>
      %shift_right_logical3A_151 = arith.shrui %get3A_146, %shift_right_logical3A_150 : vector<16xi32>
      %and3A_152 = arith.constant 127 : i32
      %and3A_153 = vector.broadcast %and3A_152 : i32 to vector<16xi32>
      %and3A_154 = arith.andi %get3A_146, %and3A_153 : vector<16xi32>
      tpu.vector_store_idx %arg7[%shift_right_logical3A_151, %and3A_154], %get3A_148 masked %eq3A_10 {add = true} : memref<782x128xf32, #tpu.memory_space<vmem>>[vector<16xi32>, vector<16xi32>], vector<16xf32>, vector<16xi1>
      tpu.vector_store_idx %arg7[%shift_right_logical3A_151, %and3A_154], %get3A_148 masked %eq3A_13 {add = true} : memref<782x128xf32, #tpu.memory_space<vmem>>[vector<16xi32>, vector<16xi32>], vector<16xf32>, vector<16xi1>
      tpu.vector_store_idx %arg7[%shift_right_logical3A_151, %and3A_154], %get3A_148 masked %eq3A_16 {add = true} : memref<782x128xf32, #tpu.memory_space<vmem>>[vector<16xi32>, vector<16xi32>], vector<16xf32>, vector<16xi1>
      tpu.vector_store_idx %arg7[%shift_right_logical3A_151, %and3A_154], %get3A_148 masked %eq3A_19 {add = true} : memref<782x128xf32, #tpu.memory_space<vmem>>[vector<16xi32>, vector<16xi32>], vector<16xf32>, vector<16xi1>
      tpu.vector_store_idx %arg7[%shift_right_logical3A_151, %and3A_154], %get3A_148 masked %eq3A_22 {add = true} : memref<782x128xf32, #tpu.memory_space<vmem>>[vector<16xi32>, vector<16xi32>], vector<16xf32>, vector<16xi1>
      tpu.vector_store_idx %arg7[%shift_right_logical3A_151, %and3A_154], %get3A_148 masked %eq3A_25 {add = true} : memref<782x128xf32, #tpu.memory_space<vmem>>[vector<16xi32>, vector<16xi32>], vector<16xf32>, vector<16xi1>
      tpu.vector_store_idx %arg7[%shift_right_logical3A_151, %and3A_154], %get3A_148 masked %eq3A_28 {add = true} : memref<782x128xf32, #tpu.memory_space<vmem>>[vector<16xi32>, vector<16xi32>], vector<16xf32>, vector<16xi1>
      tpu.vector_store_idx %arg7[%shift_right_logical3A_151, %and3A_154], %get3A_148 masked %eq3A_31 {add = true} : memref<782x128xf32, #tpu.memory_space<vmem>>[vector<16xi32>, vector<16xi32>], vector<16xf32>, vector<16xi1>
      tpu.vector_store_idx %arg7[%shift_right_logical3A_151, %and3A_154], %get3A_148 masked %eq3A_34 {add = true} : memref<782x128xf32, #tpu.memory_space<vmem>>[vector<16xi32>, vector<16xi32>], vector<16xf32>, vector<16xi1>
      tpu.vector_store_idx %arg7[%shift_right_logical3A_151, %and3A_154], %get3A_148 masked %eq3A_37 {add = true} : memref<782x128xf32, #tpu.memory_space<vmem>>[vector<16xi32>, vector<16xi32>], vector<16xf32>, vector<16xi1>
      tpu.vector_store_idx %arg7[%shift_right_logical3A_151, %and3A_154], %get3A_148 masked %eq3A_40 {add = true} : memref<782x128xf32, #tpu.memory_space<vmem>>[vector<16xi32>, vector<16xi32>], vector<16xf32>, vector<16xi1>
      tpu.vector_store_idx %arg7[%shift_right_logical3A_151, %and3A_154], %get3A_148 masked %eq3A_43 {add = true} : memref<782x128xf32, #tpu.memory_space<vmem>>[vector<16xi32>, vector<16xi32>], vector<16xf32>, vector<16xi1>
      tpu.vector_store_idx %arg7[%shift_right_logical3A_151, %and3A_154], %get3A_148 masked %eq3A_46 {add = true} : memref<782x128xf32, #tpu.memory_space<vmem>>[vector<16xi32>, vector<16xi32>], vector<16xf32>, vector<16xi1>
      tpu.vector_store_idx %arg7[%shift_right_logical3A_151, %and3A_154], %get3A_148 masked %eq3A_49 {add = true} : memref<782x128xf32, #tpu.memory_space<vmem>>[vector<16xi32>, vector<16xi32>], vector<16xf32>, vector<16xi1>
      tpu.vector_store_idx %arg7[%shift_right_logical3A_151, %and3A_154], %get3A_148 masked %eq3A_52 {add = true} : memref<782x128xf32, #tpu.memory_space<vmem>>[vector<16xi32>, vector<16xi32>], vector<16xf32>, vector<16xi1>
      tpu.vector_store_idx %arg7[%shift_right_logical3A_151, %and3A_154], %get3A_148 masked %eq3A_55 {add = true} : memref<782x128xf32, #tpu.memory_space<vmem>>[vector<16xi32>, vector<16xi32>], vector<16xf32>, vector<16xi1>
      %get3A_155 = arith.constant 144 : index
      %get3A_156 = tpu.vector_load %arg5[%get3A_155] {strides = array<i32>} : memref<256xi32, #tpu.memory_space<vmem>>, vector<16xi32>,
      %get3A_157 = arith.constant 144 : index
      %get3A_158 = tpu.vector_load %arg6[%get3A_157] {strides = array<i32>} : memref<256xf32, #tpu.memory_space<vmem>>, vector<16xf32>,
      %shift_right_logical3A_159 = arith.constant 7 : i32
      %shift_right_logical3A_160 = vector.broadcast %shift_right_logical3A_159 : i32 to vector<16xi32>
      %shift_right_logical3A_161 = arith.shrui %get3A_156, %shift_right_logical3A_160 : vector<16xi32>
      %and3A_162 = arith.constant 127 : i32
      %and3A_163 = vector.broadcast %and3A_162 : i32 to vector<16xi32>
      %and3A_164 = arith.andi %get3A_156, %and3A_163 : vector<16xi32>
      tpu.vector_store_idx %arg7[%shift_right_logical3A_161, %and3A_164], %get3A_158 masked %eq3A_10 {add = true} : memref<782x128xf32, #tpu.memory_space<vmem>>[vector<16xi32>, vector<16xi32>], vector<16xf32>, vector<16xi1>
      tpu.vector_store_idx %arg7[%shift_right_logical3A_161, %and3A_164], %get3A_158 masked %eq3A_13 {add = true} : memref<782x128xf32, #tpu.memory_space<vmem>>[vector<16xi32>, vector<16xi32>], vector<16xf32>, vector<16xi1>
      tpu.vector_store_idx %arg7[%shift_right_logical3A_161, %and3A_164], %get3A_158 masked %eq3A_16 {add = true} : memref<782x128xf32, #tpu.memory_space<vmem>>[vector<16xi32>, vector<16xi32>], vector<16xf32>, vector<16xi1>
      tpu.vector_store_idx %arg7[%shift_right_logical3A_161, %and3A_164], %get3A_158 masked %eq3A_19 {add = true} : memref<782x128xf32, #tpu.memory_space<vmem>>[vector<16xi32>, vector<16xi32>], vector<16xf32>, vector<16xi1>
      tpu.vector_store_idx %arg7[%shift_right_logical3A_161, %and3A_164], %get3A_158 masked %eq3A_22 {add = true} : memref<782x128xf32, #tpu.memory_space<vmem>>[vector<16xi32>, vector<16xi32>], vector<16xf32>, vector<16xi1>
      tpu.vector_store_idx %arg7[%shift_right_logical3A_161, %and3A_164], %get3A_158 masked %eq3A_25 {add = true} : memref<782x128xf32, #tpu.memory_space<vmem>>[vector<16xi32>, vector<16xi32>], vector<16xf32>, vector<16xi1>
      tpu.vector_store_idx %arg7[%shift_right_logical3A_161, %and3A_164], %get3A_158 masked %eq3A_28 {add = true} : memref<782x128xf32, #tpu.memory_space<vmem>>[vector<16xi32>, vector<16xi32>], vector<16xf32>, vector<16xi1>
      tpu.vector_store_idx %arg7[%shift_right_logical3A_161, %and3A_164], %get3A_158 masked %eq3A_31 {add = true} : memref<782x128xf32, #tpu.memory_space<vmem>>[vector<16xi32>, vector<16xi32>], vector<16xf32>, vector<16xi1>
      tpu.vector_store_idx %arg7[%shift_right_logical3A_161, %and3A_164], %get3A_158 masked %eq3A_34 {add = true} : memref<782x128xf32, #tpu.memory_space<vmem>>[vector<16xi32>, vector<16xi32>], vector<16xf32>, vector<16xi1>
      tpu.vector_store_idx %arg7[%shift_right_logical3A_161, %and3A_164], %get3A_158 masked %eq3A_37 {add = true} : memref<782x128xf32, #tpu.memory_space<vmem>>[vector<16xi32>, vector<16xi32>], vector<16xf32>, vector<16xi1>
      tpu.vector_store_idx %arg7[%shift_right_logical3A_161, %and3A_164], %get3A_158 masked %eq3A_40 {add = true} : memref<782x128xf32, #tpu.memory_space<vmem>>[vector<16xi32>, vector<16xi32>], vector<16xf32>, vector<16xi1>
      tpu.vector_store_idx %arg7[%shift_right_logical3A_161, %and3A_164], %get3A_158 masked %eq3A_43 {add = true} : memref<782x128xf32, #tpu.memory_space<vmem>>[vector<16xi32>, vector<16xi32>], vector<16xf32>, vector<16xi1>
      tpu.vector_store_idx %arg7[%shift_right_logical3A_161, %and3A_164], %get3A_158 masked %eq3A_46 {add = true} : memref<782x128xf32, #tpu.memory_space<vmem>>[vector<16xi32>, vector<16xi32>], vector<16xf32>, vector<16xi1>
      tpu.vector_store_idx %arg7[%shift_right_logical3A_161, %and3A_164], %get3A_158 masked %eq3A_49 {add = true} : memref<782x128xf32, #tpu.memory_space<vmem>>[vector<16xi32>, vector<16xi32>], vector<16xf32>, vector<16xi1>
      tpu.vector_store_idx %arg7[%shift_right_logical3A_161, %and3A_164], %get3A_158 masked %eq3A_52 {add = true} : memref<782x128xf32, #tpu.memory_space<vmem>>[vector<16xi32>, vector<16xi32>], vector<16xf32>, vector<16xi1>
      tpu.vector_store_idx %arg7[%shift_right_logical3A_161, %and3A_164], %get3A_158 masked %eq3A_55 {add = true} : memref<782x128xf32, #tpu.memory_space<vmem>>[vector<16xi32>, vector<16xi32>], vector<16xf32>, vector<16xi1>
      %get3A_165 = arith.constant 160 : index
      %get3A_166 = tpu.vector_load %arg5[%get3A_165] {strides = array<i32>} : memref<256xi32, #tpu.memory_space<vmem>>, vector<16xi32>,
      %get3A_167 = arith.constant 160 : index
      %get3A_168 = tpu.vector_load %arg6[%get3A_167] {strides = array<i32>} : memref<256xf32, #tpu.memory_space<vmem>>, vector<16xf32>,
      %shift_right_logical3A_169 = arith.constant 7 : i32
      %shift_right_logical3A_170 = vector.broadcast %shift_right_logical3A_169 : i32 to vector<16xi32>
      %shift_right_logical3A_171 = arith.shrui %get3A_166, %shift_right_logical3A_170 : vector<16xi32>
      %and3A_172 = arith.constant 127 : i32
      %and3A_173 = vector.broadcast %and3A_172 : i32 to vector<16xi32>
      %and3A_174 = arith.andi %get3A_166, %and3A_173 : vector<16xi32>
      tpu.vector_store_idx %arg7[%shift_right_logical3A_171, %and3A_174], %get3A_168 masked %eq3A_10 {add = true} : memref<782x128xf32, #tpu.memory_space<vmem>>[vector<16xi32>, vector<16xi32>], vector<16xf32>, vector<16xi1>
      tpu.vector_store_idx %arg7[%shift_right_logical3A_171, %and3A_174], %get3A_168 masked %eq3A_13 {add = true} : memref<782x128xf32, #tpu.memory_space<vmem>>[vector<16xi32>, vector<16xi32>], vector<16xf32>, vector<16xi1>
      tpu.vector_store_idx %arg7[%shift_right_logical3A_171, %and3A_174], %get3A_168 masked %eq3A_16 {add = true} : memref<782x128xf32, #tpu.memory_space<vmem>>[vector<16xi32>, vector<16xi32>], vector<16xf32>, vector<16xi1>
      tpu.vector_store_idx %arg7[%shift_right_logical3A_171, %and3A_174], %get3A_168 masked %eq3A_19 {add = true} : memref<782x128xf32, #tpu.memory_space<vmem>>[vector<16xi32>, vector<16xi32>], vector<16xf32>, vector<16xi1>
      tpu.vector_store_idx %arg7[%shift_right_logical3A_171, %and3A_174], %get3A_168 masked %eq3A_22 {add = true} : memref<782x128xf32, #tpu.memory_space<vmem>>[vector<16xi32>, vector<16xi32>], vector<16xf32>, vector<16xi1>
      tpu.vector_store_idx %arg7[%shift_right_logical3A_171, %and3A_174], %get3A_168 masked %eq3A_25 {add = true} : memref<782x128xf32, #tpu.memory_space<vmem>>[vector<16xi32>, vector<16xi32>], vector<16xf32>, vector<16xi1>
      tpu.vector_store_idx %arg7[%shift_right_logical3A_171, %and3A_174], %get3A_168 masked %eq3A_28 {add = true} : memref<782x128xf32, #tpu.memory_space<vmem>>[vector<16xi32>, vector<16xi32>], vector<16xf32>, vector<16xi1>
      tpu.vector_store_idx %arg7[%shift_right_logical3A_171, %and3A_174], %get3A_168 masked %eq3A_31 {add = true} : memref<782x128xf32, #tpu.memory_space<vmem>>[vector<16xi32>, vector<16xi32>], vector<16xf32>, vector<16xi1>
      tpu.vector_store_idx %arg7[%shift_right_logical3A_171, %and3A_174], %get3A_168 masked %eq3A_34 {add = true} : memref<782x128xf32, #tpu.memory_space<vmem>>[vector<16xi32>, vector<16xi32>], vector<16xf32>, vector<16xi1>
      tpu.vector_store_idx %arg7[%shift_right_logical3A_171, %and3A_174], %get3A_168 masked %eq3A_37 {add = true} : memref<782x128xf32, #tpu.memory_space<vmem>>[vector<16xi32>, vector<16xi32>], vector<16xf32>, vector<16xi1>
      tpu.vector_store_idx %arg7[%shift_right_logical3A_171, %and3A_174], %get3A_168 masked %eq3A_40 {add = true} : memref<782x128xf32, #tpu.memory_space<vmem>>[vector<16xi32>, vector<16xi32>], vector<16xf32>, vector<16xi1>
      tpu.vector_store_idx %arg7[%shift_right_logical3A_171, %and3A_174], %get3A_168 masked %eq3A_43 {add = true} : memref<782x128xf32, #tpu.memory_space<vmem>>[vector<16xi32>, vector<16xi32>], vector<16xf32>, vector<16xi1>
      tpu.vector_store_idx %arg7[%shift_right_logical3A_171, %and3A_174], %get3A_168 masked %eq3A_46 {add = true} : memref<782x128xf32, #tpu.memory_space<vmem>>[vector<16xi32>, vector<16xi32>], vector<16xf32>, vector<16xi1>
      tpu.vector_store_idx %arg7[%shift_right_logical3A_171, %and3A_174], %get3A_168 masked %eq3A_49 {add = true} : memref<782x128xf32, #tpu.memory_space<vmem>>[vector<16xi32>, vector<16xi32>], vector<16xf32>, vector<16xi1>
      tpu.vector_store_idx %arg7[%shift_right_logical3A_171, %and3A_174], %get3A_168 masked %eq3A_52 {add = true} : memref<782x128xf32, #tpu.memory_space<vmem>>[vector<16xi32>, vector<16xi32>], vector<16xf32>, vector<16xi1>
      tpu.vector_store_idx %arg7[%shift_right_logical3A_171, %and3A_174], %get3A_168 masked %eq3A_55 {add = true} : memref<782x128xf32, #tpu.memory_space<vmem>>[vector<16xi32>, vector<16xi32>], vector<16xf32>, vector<16xi1>
      %get3A_175 = arith.constant 176 : index
      %get3A_176 = tpu.vector_load %arg5[%get3A_175] {strides = array<i32>} : memref<256xi32, #tpu.memory_space<vmem>>, vector<16xi32>,
      %get3A_177 = arith.constant 176 : index
      %get3A_178 = tpu.vector_load %arg6[%get3A_177] {strides = array<i32>} : memref<256xf32, #tpu.memory_space<vmem>>, vector<16xf32>,
      %shift_right_logical3A_179 = arith.constant 7 : i32
      %shift_right_logical3A_180 = vector.broadcast %shift_right_logical3A_179 : i32 to vector<16xi32>
      %shift_right_logical3A_181 = arith.shrui %get3A_176, %shift_right_logical3A_180 : vector<16xi32>
      %and3A_182 = arith.constant 127 : i32
      %and3A_183 = vector.broadcast %and3A_182 : i32 to vector<16xi32>
      %and3A_184 = arith.andi %get3A_176, %and3A_183 : vector<16xi32>
      tpu.vector_store_idx %arg7[%shift_right_logical3A_181, %and3A_184], %get3A_178 masked %eq3A_10 {add = true} : memref<782x128xf32, #tpu.memory_space<vmem>>[vector<16xi32>, vector<16xi32>], vector<16xf32>, vector<16xi1>
      tpu.vector_store_idx %arg7[%shift_right_logical3A_181, %and3A_184], %get3A_178 masked %eq3A_13 {add = true} : memref<782x128xf32, #tpu.memory_space<vmem>>[vector<16xi32>, vector<16xi32>], vector<16xf32>, vector<16xi1>
      tpu.vector_store_idx %arg7[%shift_right_logical3A_181, %and3A_184], %get3A_178 masked %eq3A_16 {add = true} : memref<782x128xf32, #tpu.memory_space<vmem>>[vector<16xi32>, vector<16xi32>], vector<16xf32>, vector<16xi1>
      tpu.vector_store_idx %arg7[%shift_right_logical3A_181, %and3A_184], %get3A_178 masked %eq3A_19 {add = true} : memref<782x128xf32, #tpu.memory_space<vmem>>[vector<16xi32>, vector<16xi32>], vector<16xf32>, vector<16xi1>
      tpu.vector_store_idx %arg7[%shift_right_logical3A_181, %and3A_184], %get3A_178 masked %eq3A_22 {add = true} : memref<782x128xf32, #tpu.memory_space<vmem>>[vector<16xi32>, vector<16xi32>], vector<16xf32>, vector<16xi1>
      tpu.vector_store_idx %arg7[%shift_right_logical3A_181, %and3A_184], %get3A_178 masked %eq3A_25 {add = true} : memref<782x128xf32, #tpu.memory_space<vmem>>[vector<16xi32>, vector<16xi32>], vector<16xf32>, vector<16xi1>
      tpu.vector_store_idx %arg7[%shift_right_logical3A_181, %and3A_184], %get3A_178 masked %eq3A_28 {add = true} : memref<782x128xf32, #tpu.memory_space<vmem>>[vector<16xi32>, vector<16xi32>], vector<16xf32>, vector<16xi1>
      tpu.vector_store_idx %arg7[%shift_right_logical3A_181, %and3A_184], %get3A_178 masked %eq3A_31 {add = true} : memref<782x128xf32, #tpu.memory_space<vmem>>[vector<16xi32>, vector<16xi32>], vector<16xf32>, vector<16xi1>
      tpu.vector_store_idx %arg7[%shift_right_logical3A_181, %and3A_184], %get3A_178 masked %eq3A_34 {add = true} : memref<782x128xf32, #tpu.memory_space<vmem>>[vector<16xi32>, vector<16xi32>], vector<16xf32>, vector<16xi1>
      tpu.vector_store_idx %arg7[%shift_right_logical3A_181, %and3A_184], %get3A_178 masked %eq3A_37 {add = true} : memref<782x128xf32, #tpu.memory_space<vmem>>[vector<16xi32>, vector<16xi32>], vector<16xf32>, vector<16xi1>
      tpu.vector_store_idx %arg7[%shift_right_logical3A_181, %and3A_184], %get3A_178 masked %eq3A_40 {add = true} : memref<782x128xf32, #tpu.memory_space<vmem>>[vector<16xi32>, vector<16xi32>], vector<16xf32>, vector<16xi1>
      tpu.vector_store_idx %arg7[%shift_right_logical3A_181, %and3A_184], %get3A_178 masked %eq3A_43 {add = true} : memref<782x128xf32, #tpu.memory_space<vmem>>[vector<16xi32>, vector<16xi32>], vector<16xf32>, vector<16xi1>
      tpu.vector_store_idx %arg7[%shift_right_logical3A_181, %and3A_184], %get3A_178 masked %eq3A_46 {add = true} : memref<782x128xf32, #tpu.memory_space<vmem>>[vector<16xi32>, vector<16xi32>], vector<16xf32>, vector<16xi1>
      tpu.vector_store_idx %arg7[%shift_right_logical3A_181, %and3A_184], %get3A_178 masked %eq3A_49 {add = true} : memref<782x128xf32, #tpu.memory_space<vmem>>[vector<16xi32>, vector<16xi32>], vector<16xf32>, vector<16xi1>
      tpu.vector_store_idx %arg7[%shift_right_logical3A_181, %and3A_184], %get3A_178 masked %eq3A_52 {add = true} : memref<782x128xf32, #tpu.memory_space<vmem>>[vector<16xi32>, vector<16xi32>], vector<16xf32>, vector<16xi1>
      tpu.vector_store_idx %arg7[%shift_right_logical3A_181, %and3A_184], %get3A_178 masked %eq3A_55 {add = true} : memref<782x128xf32, #tpu.memory_space<vmem>>[vector<16xi32>, vector<16xi32>], vector<16xf32>, vector<16xi1>
      %get3A_185 = arith.constant 192 : index
      %get3A_186 = tpu.vector_load %arg5[%get3A_185] {strides = array<i32>} : memref<256xi32, #tpu.memory_space<vmem>>, vector<16xi32>,
      %get3A_187 = arith.constant 192 : index
      %get3A_188 = tpu.vector_load %arg6[%get3A_187] {strides = array<i32>} : memref<256xf32, #tpu.memory_space<vmem>>, vector<16xf32>,
      %shift_right_logical3A_189 = arith.constant 7 : i32
      %shift_right_logical3A_190 = vector.broadcast %shift_right_logical3A_189 : i32 to vector<16xi32>
      %shift_right_logical3A_191 = arith.shrui %get3A_186, %shift_right_logical3A_190 : vector<16xi32>
      %and3A_192 = arith.constant 127 : i32
      %and3A_193 = vector.broadcast %and3A_192 : i32 to vector<16xi32>
      %and3A_194 = arith.andi %get3A_186, %and3A_193 : vector<16xi32>
      tpu.vector_store_idx %arg7[%shift_right_logical3A_191, %and3A_194], %get3A_188 masked %eq3A_10 {add = true} : memref<782x128xf32, #tpu.memory_space<vmem>>[vector<16xi32>, vector<16xi32>], vector<16xf32>, vector<16xi1>
      tpu.vector_store_idx %arg7[%shift_right_logical3A_191, %and3A_194], %get3A_188 masked %eq3A_13 {add = true} : memref<782x128xf32, #tpu.memory_space<vmem>>[vector<16xi32>, vector<16xi32>], vector<16xf32>, vector<16xi1>
      tpu.vector_store_idx %arg7[%shift_right_logical3A_191, %and3A_194], %get3A_188 masked %eq3A_16 {add = true} : memref<782x128xf32, #tpu.memory_space<vmem>>[vector<16xi32>, vector<16xi32>], vector<16xf32>, vector<16xi1>
      tpu.vector_store_idx %arg7[%shift_right_logical3A_191, %and3A_194], %get3A_188 masked %eq3A_19 {add = true} : memref<782x128xf32, #tpu.memory_space<vmem>>[vector<16xi32>, vector<16xi32>], vector<16xf32>, vector<16xi1>
      tpu.vector_store_idx %arg7[%shift_right_logical3A_191, %and3A_194], %get3A_188 masked %eq3A_22 {add = true} : memref<782x128xf32, #tpu.memory_space<vmem>>[vector<16xi32>, vector<16xi32>], vector<16xf32>, vector<16xi1>
      tpu.vector_store_idx %arg7[%shift_right_logical3A_191, %and3A_194], %get3A_188 masked %eq3A_25 {add = true} : memref<782x128xf32, #tpu.memory_space<vmem>>[vector<16xi32>, vector<16xi32>], vector<16xf32>, vector<16xi1>
      tpu.vector_store_idx %arg7[%shift_right_logical3A_191, %and3A_194], %get3A_188 masked %eq3A_28 {add = true} : memref<782x128xf32, #tpu.memory_space<vmem>>[vector<16xi32>, vector<16xi32>], vector<16xf32>, vector<16xi1>
      tpu.vector_store_idx %arg7[%shift_right_logical3A_191, %and3A_194], %get3A_188 masked %eq3A_31 {add = true} : memref<782x128xf32, #tpu.memory_space<vmem>>[vector<16xi32>, vector<16xi32>], vector<16xf32>, vector<16xi1>
      tpu.vector_store_idx %arg7[%shift_right_logical3A_191, %and3A_194], %get3A_188 masked %eq3A_34 {add = true} : memref<782x128xf32, #tpu.memory_space<vmem>>[vector<16xi32>, vector<16xi32>], vector<16xf32>, vector<16xi1>
      tpu.vector_store_idx %arg7[%shift_right_logical3A_191, %and3A_194], %get3A_188 masked %eq3A_37 {add = true} : memref<782x128xf32, #tpu.memory_space<vmem>>[vector<16xi32>, vector<16xi32>], vector<16xf32>, vector<16xi1>
      tpu.vector_store_idx %arg7[%shift_right_logical3A_191, %and3A_194], %get3A_188 masked %eq3A_40 {add = true} : memref<782x128xf32, #tpu.memory_space<vmem>>[vector<16xi32>, vector<16xi32>], vector<16xf32>, vector<16xi1>
      tpu.vector_store_idx %arg7[%shift_right_logical3A_191, %and3A_194], %get3A_188 masked %eq3A_43 {add = true} : memref<782x128xf32, #tpu.memory_space<vmem>>[vector<16xi32>, vector<16xi32>], vector<16xf32>, vector<16xi1>
      tpu.vector_store_idx %arg7[%shift_right_logical3A_191, %and3A_194], %get3A_188 masked %eq3A_46 {add = true} : memref<782x128xf32, #tpu.memory_space<vmem>>[vector<16xi32>, vector<16xi32>], vector<16xf32>, vector<16xi1>
      tpu.vector_store_idx %arg7[%shift_right_logical3A_191, %and3A_194], %get3A_188 masked %eq3A_49 {add = true} : memref<782x128xf32, #tpu.memory_space<vmem>>[vector<16xi32>, vector<16xi32>], vector<16xf32>, vector<16xi1>
      tpu.vector_store_idx %arg7[%shift_right_logical3A_191, %and3A_194], %get3A_188 masked %eq3A_52 {add = true} : memref<782x128xf32, #tpu.memory_space<vmem>>[vector<16xi32>, vector<16xi32>], vector<16xf32>, vector<16xi1>
      tpu.vector_store_idx %arg7[%shift_right_logical3A_191, %and3A_194], %get3A_188 masked %eq3A_55 {add = true} : memref<782x128xf32, #tpu.memory_space<vmem>>[vector<16xi32>, vector<16xi32>], vector<16xf32>, vector<16xi1>
      %get3A_195 = arith.constant 208 : index
      %get3A_196 = tpu.vector_load %arg5[%get3A_195] {strides = array<i32>} : memref<256xi32, #tpu.memory_space<vmem>>, vector<16xi32>,
      %get3A_197 = arith.constant 208 : index
      %get3A_198 = tpu.vector_load %arg6[%get3A_197] {strides = array<i32>} : memref<256xf32, #tpu.memory_space<vmem>>, vector<16xf32>,
      %shift_right_logical3A_199 = arith.constant 7 : i32
      %shift_right_logical3A_200 = vector.broadcast %shift_right_logical3A_199 : i32 to vector<16xi32>
      %shift_right_logical3A_201 = arith.shrui %get3A_196, %shift_right_logical3A_200 : vector<16xi32>
      %and3A_202 = arith.constant 127 : i32
      %and3A_203 = vector.broadcast %and3A_202 : i32 to vector<16xi32>
      %and3A_204 = arith.andi %get3A_196, %and3A_203 : vector<16xi32>
      tpu.vector_store_idx %arg7[%shift_right_logical3A_201, %and3A_204], %get3A_198 masked %eq3A_10 {add = true} : memref<782x128xf32, #tpu.memory_space<vmem>>[vector<16xi32>, vector<16xi32>], vector<16xf32>, vector<16xi1>
      tpu.vector_store_idx %arg7[%shift_right_logical3A_201, %and3A_204], %get3A_198 masked %eq3A_13 {add = true} : memref<782x128xf32, #tpu.memory_space<vmem>>[vector<16xi32>, vector<16xi32>], vector<16xf32>, vector<16xi1>
      tpu.vector_store_idx %arg7[%shift_right_logical3A_201, %and3A_204], %get3A_198 masked %eq3A_16 {add = true} : memref<782x128xf32, #tpu.memory_space<vmem>>[vector<16xi32>, vector<16xi32>], vector<16xf32>, vector<16xi1>
      tpu.vector_store_idx %arg7[%shift_right_logical3A_201, %and3A_204], %get3A_198 masked %eq3A_19 {add = true} : memref<782x128xf32, #tpu.memory_space<vmem>>[vector<16xi32>, vector<16xi32>], vector<16xf32>, vector<16xi1>
      tpu.vector_store_idx %arg7[%shift_right_logical3A_201, %and3A_204], %get3A_198 masked %eq3A_22 {add = true} : memref<782x128xf32, #tpu.memory_space<vmem>>[vector<16xi32>, vector<16xi32>], vector<16xf32>, vector<16xi1>
      tpu.vector_store_idx %arg7[%shift_right_logical3A_201, %and3A_204], %get3A_198 masked %eq3A_25 {add = true} : memref<782x128xf32, #tpu.memory_space<vmem>>[vector<16xi32>, vector<16xi32>], vector<16xf32>, vector<16xi1>
      tpu.vector_store_idx %arg7[%shift_right_logical3A_201, %and3A_204], %get3A_198 masked %eq3A_28 {add = true} : memref<782x128xf32, #tpu.memory_space<vmem>>[vector<16xi32>, vector<16xi32>], vector<16xf32>, vector<16xi1>
      tpu.vector_store_idx %arg7[%shift_right_logical3A_201, %and3A_204], %get3A_198 masked %eq3A_31 {add = true} : memref<782x128xf32, #tpu.memory_space<vmem>>[vector<16xi32>, vector<16xi32>], vector<16xf32>, vector<16xi1>
      tpu.vector_store_idx %arg7[%shift_right_logical3A_201, %and3A_204], %get3A_198 masked %eq3A_34 {add = true} : memref<782x128xf32, #tpu.memory_space<vmem>>[vector<16xi32>, vector<16xi32>], vector<16xf32>, vector<16xi1>
      tpu.vector_store_idx %arg7[%shift_right_logical3A_201, %and3A_204], %get3A_198 masked %eq3A_37 {add = true} : memref<782x128xf32, #tpu.memory_space<vmem>>[vector<16xi32>, vector<16xi32>], vector<16xf32>, vector<16xi1>
      tpu.vector_store_idx %arg7[%shift_right_logical3A_201, %and3A_204], %get3A_198 masked %eq3A_40 {add = true} : memref<782x128xf32, #tpu.memory_space<vmem>>[vector<16xi32>, vector<16xi32>], vector<16xf32>, vector<16xi1>
      tpu.vector_store_idx %arg7[%shift_right_logical3A_201, %and3A_204], %get3A_198 masked %eq3A_43 {add = true} : memref<782x128xf32, #tpu.memory_space<vmem>>[vector<16xi32>, vector<16xi32>], vector<16xf32>, vector<16xi1>
      tpu.vector_store_idx %arg7[%shift_right_logical3A_201, %and3A_204], %get3A_198 masked %eq3A_46 {add = true} : memref<782x128xf32, #tpu.memory_space<vmem>>[vector<16xi32>, vector<16xi32>], vector<16xf32>, vector<16xi1>
      tpu.vector_store_idx %arg7[%shift_right_logical3A_201, %and3A_204], %get3A_198 masked %eq3A_49 {add = true} : memref<782x128xf32, #tpu.memory_space<vmem>>[vector<16xi32>, vector<16xi32>], vector<16xf32>, vector<16xi1>
      tpu.vector_store_idx %arg7[%shift_right_logical3A_201, %and3A_204], %get3A_198 masked %eq3A_52 {add = true} : memref<782x128xf32, #tpu.memory_space<vmem>>[vector<16xi32>, vector<16xi32>], vector<16xf32>, vector<16xi1>
      tpu.vector_store_idx %arg7[%shift_right_logical3A_201, %and3A_204], %get3A_198 masked %eq3A_55 {add = true} : memref<782x128xf32, #tpu.memory_space<vmem>>[vector<16xi32>, vector<16xi32>], vector<16xf32>, vector<16xi1>
      %get3A_205 = arith.constant 224 : index
      %get3A_206 = tpu.vector_load %arg5[%get3A_205] {strides = array<i32>} : memref<256xi32, #tpu.memory_space<vmem>>, vector<16xi32>,
      %get3A_207 = arith.constant 224 : index
      %get3A_208 = tpu.vector_load %arg6[%get3A_207] {strides = array<i32>} : memref<256xf32, #tpu.memory_space<vmem>>, vector<16xf32>,
      %shift_right_logical3A_209 = arith.constant 7 : i32
      %shift_right_logical3A_210 = vector.broadcast %shift_right_logical3A_209 : i32 to vector<16xi32>
      %shift_right_logical3A_211 = arith.shrui %get3A_206, %shift_right_logical3A_210 : vector<16xi32>
      %and3A_212 = arith.constant 127 : i32
      %and3A_213 = vector.broadcast %and3A_212 : i32 to vector<16xi32>
      %and3A_214 = arith.andi %get3A_206, %and3A_213 : vector<16xi32>
      tpu.vector_store_idx %arg7[%shift_right_logical3A_211, %and3A_214], %get3A_208 masked %eq3A_10 {add = true} : memref<782x128xf32, #tpu.memory_space<vmem>>[vector<16xi32>, vector<16xi32>], vector<16xf32>, vector<16xi1>
      tpu.vector_store_idx %arg7[%shift_right_logical3A_211, %and3A_214], %get3A_208 masked %eq3A_13 {add = true} : memref<782x128xf32, #tpu.memory_space<vmem>>[vector<16xi32>, vector<16xi32>], vector<16xf32>, vector<16xi1>
      tpu.vector_store_idx %arg7[%shift_right_logical3A_211, %and3A_214], %get3A_208 masked %eq3A_16 {add = true} : memref<782x128xf32, #tpu.memory_space<vmem>>[vector<16xi32>, vector<16xi32>], vector<16xf32>, vector<16xi1>
      tpu.vector_store_idx %arg7[%shift_right_logical3A_211, %and3A_214], %get3A_208 masked %eq3A_19 {add = true} : memref<782x128xf32, #tpu.memory_space<vmem>>[vector<16xi32>, vector<16xi32>], vector<16xf32>, vector<16xi1>
      tpu.vector_store_idx %arg7[%shift_right_logical3A_211, %and3A_214], %get3A_208 masked %eq3A_22 {add = true} : memref<782x128xf32, #tpu.memory_space<vmem>>[vector<16xi32>, vector<16xi32>], vector<16xf32>, vector<16xi1>
      tpu.vector_store_idx %arg7[%shift_right_logical3A_211, %and3A_214], %get3A_208 masked %eq3A_25 {add = true} : memref<782x128xf32, #tpu.memory_space<vmem>>[vector<16xi32>, vector<16xi32>], vector<16xf32>, vector<16xi1>
      tpu.vector_store_idx %arg7[%shift_right_logical3A_211, %and3A_214], %get3A_208 masked %eq3A_28 {add = true} : memref<782x128xf32, #tpu.memory_space<vmem>>[vector<16xi32>, vector<16xi32>], vector<16xf32>, vector<16xi1>
      tpu.vector_store_idx %arg7[%shift_right_logical3A_211, %and3A_214], %get3A_208 masked %eq3A_31 {add = true} : memref<782x128xf32, #tpu.memory_space<vmem>>[vector<16xi32>, vector<16xi32>], vector<16xf32>, vector<16xi1>
      tpu.vector_store_idx %arg7[%shift_right_logical3A_211, %and3A_214], %get3A_208 masked %eq3A_34 {add = true} : memref<782x128xf32, #tpu.memory_space<vmem>>[vector<16xi32>, vector<16xi32>], vector<16xf32>, vector<16xi1>
      tpu.vector_store_idx %arg7[%shift_right_logical3A_211, %and3A_214], %get3A_208 masked %eq3A_37 {add = true} : memref<782x128xf32, #tpu.memory_space<vmem>>[vector<16xi32>, vector<16xi32>], vector<16xf32>, vector<16xi1>
      tpu.vector_store_idx %arg7[%shift_right_logical3A_211, %and3A_214], %get3A_208 masked %eq3A_40 {add = true} : memref<782x128xf32, #tpu.memory_space<vmem>>[vector<16xi32>, vector<16xi32>], vector<16xf32>, vector<16xi1>
      tpu.vector_store_idx %arg7[%shift_right_logical3A_211, %and3A_214], %get3A_208 masked %eq3A_43 {add = true} : memref<782x128xf32, #tpu.memory_space<vmem>>[vector<16xi32>, vector<16xi32>], vector<16xf32>, vector<16xi1>
      tpu.vector_store_idx %arg7[%shift_right_logical3A_211, %and3A_214], %get3A_208 masked %eq3A_46 {add = true} : memref<782x128xf32, #tpu.memory_space<vmem>>[vector<16xi32>, vector<16xi32>], vector<16xf32>, vector<16xi1>
      tpu.vector_store_idx %arg7[%shift_right_logical3A_211, %and3A_214], %get3A_208 masked %eq3A_49 {add = true} : memref<782x128xf32, #tpu.memory_space<vmem>>[vector<16xi32>, vector<16xi32>], vector<16xf32>, vector<16xi1>
      tpu.vector_store_idx %arg7[%shift_right_logical3A_211, %and3A_214], %get3A_208 masked %eq3A_52 {add = true} : memref<782x128xf32, #tpu.memory_space<vmem>>[vector<16xi32>, vector<16xi32>], vector<16xf32>, vector<16xi1>
      tpu.vector_store_idx %arg7[%shift_right_logical3A_211, %and3A_214], %get3A_208 masked %eq3A_55 {add = true} : memref<782x128xf32, #tpu.memory_space<vmem>>[vector<16xi32>, vector<16xi32>], vector<16xf32>, vector<16xi1>
      %get3A_215 = arith.constant 240 : index
      %get3A_216 = tpu.vector_load %arg5[%get3A_215] {strides = array<i32>} : memref<256xi32, #tpu.memory_space<vmem>>, vector<16xi32>,
      %get3A_217 = arith.constant 240 : index
      %get3A_218 = tpu.vector_load %arg6[%get3A_217] {strides = array<i32>} : memref<256xf32, #tpu.memory_space<vmem>>, vector<16xf32>,
      %shift_right_logical3A_219 = arith.constant 7 : i32
      %shift_right_logical3A_220 = vector.broadcast %shift_right_logical3A_219 : i32 to vector<16xi32>
      %shift_right_logical3A_221 = arith.shrui %get3A_216, %shift_right_logical3A_220 : vector<16xi32>
      %and3A_222 = arith.constant 127 : i32
      %and3A_223 = vector.broadcast %and3A_222 : i32 to vector<16xi32>
      %and3A_224 = arith.andi %get3A_216, %and3A_223 : vector<16xi32>
      tpu.vector_store_idx %arg7[%shift_right_logical3A_221, %and3A_224], %get3A_218 masked %eq3A_10 {add = true} : memref<782x128xf32, #tpu.memory_space<vmem>>[vector<16xi32>, vector<16xi32>], vector<16xf32>, vector<16xi1>
      tpu.vector_store_idx %arg7[%shift_right_logical3A_221, %and3A_224], %get3A_218 masked %eq3A_13 {add = true} : memref<782x128xf32, #tpu.memory_space<vmem>>[vector<16xi32>, vector<16xi32>], vector<16xf32>, vector<16xi1>
      tpu.vector_store_idx %arg7[%shift_right_logical3A_221, %and3A_224], %get3A_218 masked %eq3A_16 {add = true} : memref<782x128xf32, #tpu.memory_space<vmem>>[vector<16xi32>, vector<16xi32>], vector<16xf32>, vector<16xi1>
      tpu.vector_store_idx %arg7[%shift_right_logical3A_221, %and3A_224], %get3A_218 masked %eq3A_19 {add = true} : memref<782x128xf32, #tpu.memory_space<vmem>>[vector<16xi32>, vector<16xi32>], vector<16xf32>, vector<16xi1>
      tpu.vector_store_idx %arg7[%shift_right_logical3A_221, %and3A_224], %get3A_218 masked %eq3A_22 {add = true} : memref<782x128xf32, #tpu.memory_space<vmem>>[vector<16xi32>, vector<16xi32>], vector<16xf32>, vector<16xi1>
      tpu.vector_store_idx %arg7[%shift_right_logical3A_221, %and3A_224], %get3A_218 masked %eq3A_25 {add = true} : memref<782x128xf32, #tpu.memory_space<vmem>>[vector<16xi32>, vector<16xi32>], vector<16xf32>, vector<16xi1>
      tpu.vector_store_idx %arg7[%shift_right_logical3A_221, %and3A_224], %get3A_218 masked %eq3A_28 {add = true} : memref<782x128xf32, #tpu.memory_space<vmem>>[vector<16xi32>, vector<16xi32>], vector<16xf32>, vector<16xi1>
      tpu.vector_store_idx %arg7[%shift_right_logical3A_221, %and3A_224], %get3A_218 masked %eq3A_31 {add = true} : memref<782x128xf32, #tpu.memory_space<vmem>>[vector<16xi32>, vector<16xi32>], vector<16xf32>, vector<16xi1>
      tpu.vector_store_idx %arg7[%shift_right_logical3A_221, %and3A_224], %get3A_218 masked %eq3A_34 {add = true} : memref<782x128xf32, #tpu.memory_space<vmem>>[vector<16xi32>, vector<16xi32>], vector<16xf32>, vector<16xi1>
      tpu.vector_store_idx %arg7[%shift_right_logical3A_221, %and3A_224], %get3A_218 masked %eq3A_37 {add = true} : memref<782x128xf32, #tpu.memory_space<vmem>>[vector<16xi32>, vector<16xi32>], vector<16xf32>, vector<16xi1>
      tpu.vector_store_idx %arg7[%shift_right_logical3A_221, %and3A_224], %get3A_218 masked %eq3A_40 {add = true} : memref<782x128xf32, #tpu.memory_space<vmem>>[vector<16xi32>, vector<16xi32>], vector<16xf32>, vector<16xi1>
      tpu.vector_store_idx %arg7[%shift_right_logical3A_221, %and3A_224], %get3A_218 masked %eq3A_43 {add = true} : memref<782x128xf32, #tpu.memory_space<vmem>>[vector<16xi32>, vector<16xi32>], vector<16xf32>, vector<16xi1>
      tpu.vector_store_idx %arg7[%shift_right_logical3A_221, %and3A_224], %get3A_218 masked %eq3A_46 {add = true} : memref<782x128xf32, #tpu.memory_space<vmem>>[vector<16xi32>, vector<16xi32>], vector<16xf32>, vector<16xi1>
      tpu.vector_store_idx %arg7[%shift_right_logical3A_221, %and3A_224], %get3A_218 masked %eq3A_49 {add = true} : memref<782x128xf32, #tpu.memory_space<vmem>>[vector<16xi32>, vector<16xi32>], vector<16xf32>, vector<16xi1>
      tpu.vector_store_idx %arg7[%shift_right_logical3A_221, %and3A_224], %get3A_218 masked %eq3A_52 {add = true} : memref<782x128xf32, #tpu.memory_space<vmem>>[vector<16xi32>, vector<16xi32>], vector<16xf32>, vector<16xi1>
      tpu.vector_store_idx %arg7[%shift_right_logical3A_221, %and3A_224], %get3A_218 masked %eq3A_55 {add = true} : memref<782x128xf32, #tpu.memory_space<vmem>>[vector<16xi32>, vector<16xi32>], vector<16xf32>, vector<16xi1>
      %jit3A = arith.constant 8 : i32
      %div3A = arith.divsi %add3A_63, %jit3A : i32
      %sign3A = arith.constant 0 : i32
      %sign3A_225 = arith.cmpi sgt, %add3A_63, %sign3A : i32
      %sign3A_226 = arith.extui %sign3A_225 : i1 to i32
      %sign3A_227 = arith.constant 0 : i32
      %sign3A_228 = arith.cmpi slt, %add3A_63, %sign3A_227 : i32
      %sign3A_229 = arith.extui %sign3A_228 : i1 to i32
      %sign3A_230 = arith.subi %sign3A_226, %sign3A_229 : i32
      %sign3A_231 = arith.constant 0 : i32
      %sign3A_232 = arith.cmpi sgt, %jit3A, %sign3A_231 : i32
      %sign3A_233 = arith.extui %sign3A_232 : i1 to i32
      %sign3A_234 = arith.constant 0 : i32
      %sign3A_235 = arith.cmpi slt, %jit3A, %sign3A_234 : i32
      %sign3A_236 = arith.extui %sign3A_235 : i1 to i32
      %sign3A_237 = arith.subi %sign3A_233, %sign3A_236 : i32
      %ne3A = arith.cmpi ne, %sign3A_230, %sign3A_237 : i32
      %rem3A = arith.remsi %add3A_63, %jit3A : i32
      %ne3A_238 = arith.constant 0 : i32
      %ne3A_239 = arith.cmpi ne, %rem3A, %ne3A_238 : i32
      %and3A_240 = arith.andi %ne3A, %ne3A_239 : i1
      %sub3A = arith.constant 1 : i32
      %sub3A_241 = arith.subi %div3A, %sub3A : i32
      %select_n3A = arith.select %and3A_240, %sub3A_241, %div3A : i32
      %jit3A_242 = arith.constant 8 : i32
      %eq3A_243 = arith.constant 0 : i32
      %eq3A_244 = arith.cmpi eq, %jit3A_242, %eq3A_243 : i32
      %jit3A_245 = arith.constant 1 : i32
      %select_n3A_246 = arith.select %eq3A_244, %jit3A_245, %jit3A_242 : i32
      %rem3A_247 = arith.remsi %add3A_63, %select_n3A_246 : i32
      %ne3A_248 = arith.constant 0 : i32
      %ne3A_249 = arith.cmpi ne, %rem3A_247, %ne3A_248 : i32
      %lt3A = arith.constant 0 : i32
      %lt3A_250 = arith.cmpi slt, %rem3A_247, %lt3A : i32
      %lt3A_251 = arith.constant 0 : i32
      %lt3A_252 = arith.cmpi slt, %select_n3A_246, %lt3A_251 : i32
      %ne3A_253 = arith.xori %lt3A_250, %lt3A_252 : i1
      %and3A_254 = arith.andi %ne3A_253, %ne3A_249 : i1
      %add3A_255 = arith.addi %rem3A_247, %select_n3A_246 : i32
      %select_n3A_256 = arith.select %and3A_254, %add3A_255, %rem3A_247 : i32
      "tpu.region"() ({
        %run_scoped3A = tpu.sem_alloc : memref<!tpu.dma_semaphore, #tpu.memory_space<semaphore_mem>>
        %dma_start3A = arith.constant 0 : i32
        %dma_start3A_385 = arith.constant 0 : i32
        %dma_start3A_386 = tpu.memref_slice %arg4[%select_n3A, %dma_start3A, %select_n3A_256, %dma_start3A_385] : memref<128x782x8x128xf32, #tpu.memory_space<hbm>> -> memref<1x782x1x128xf32, #tpu.memory_space<hbm>>
        %dma_start3A_387 = tpu.memref_squeeze %dma_start3A_386 : memref<1x782x1x128xf32, #tpu.memory_space<hbm>> -> memref<782x128xf32, #tpu.memory_space<hbm>>
        %dma_start3A_388 = arith.constant 0 : i32
        %dma_start3A_389 = arith.constant 0 : i32
        %dma_start3A_390 = tpu.memref_slice %arg4[%select_n3A, %dma_start3A_388, %select_n3A_256, %dma_start3A_389] : memref<128x782x8x128xf32, #tpu.memory_space<hbm>> -> memref<1x782x1x128xf32, #tpu.memory_space<hbm>>
        %dma_start3A_391 = tpu.memref_squeeze %dma_start3A_390 : memref<1x782x1x128xf32, #tpu.memory_space<hbm>> -> memref<782x128xf32, #tpu.memory_space<hbm>>
        tpu.enqueue_dma source(%arg7 : memref<782x128xf32, #tpu.memory_space<vmem>>) target(%dma_start3A_391 : memref<782x128xf32, #tpu.memory_space<hbm>>) target_semaphore(%run_scoped3A : memref<!tpu.dma_semaphore, #tpu.memory_space<semaphore_mem>>)
        %dma_wait3A = arith.constant 0 : i32
        %dma_wait3A_392 = arith.constant 0 : i32
        %dma_wait3A_393 = tpu.memref_slice %arg4[%select_n3A, %dma_wait3A, %select_n3A_256, %dma_wait3A_392] : memref<128x782x8x128xf32, #tpu.memory_space<hbm>> -> memref<1x782x1x128xf32, #tpu.memory_space<hbm>>
        %dma_wait3A_394 = tpu.memref_squeeze %dma_wait3A_393 : memref<1x782x1x128xf32, #tpu.memory_space<hbm>> -> memref<782x128xf32, #tpu.memory_space<hbm>>
        %dma_wait3A_395 = arith.constant 0 : i32
        %dma_wait3A_396 = arith.constant 0 : i32
        %dma_wait3A_397 = tpu.memref_slice %arg4[%select_n3A, %dma_wait3A_395, %select_n3A_256, %dma_wait3A_396] : memref<128x782x8x128xf32, #tpu.memory_space<hbm>> -> memref<1x782x1x128xf32, #tpu.memory_space<hbm>>
        %dma_wait3A_398 = tpu.memref_squeeze %dma_wait3A_397 : memref<1x782x1x128xf32, #tpu.memory_space<hbm>> -> memref<782x128xf32, #tpu.memory_space<hbm>>
        tpu.wait_dma2 semaphore(%run_scoped3A : memref<!tpu.dma_semaphore, #tpu.memory_space<semaphore_mem>>) src(%arg7 : memref<782x128xf32, #tpu.memory_space<vmem>>) dst(%dma_wait3A_398 : memref<782x128xf32, #tpu.memory_space<hbm>>)
        tpu.yield
      }) : () -> ()
      %get3A_257 = arith.constant 0 : index
      %get3A_258 = tpu.vector_load %arg5[%get3A_257] {strides = array<i32>} : memref<256xi32, #tpu.memory_space<vmem>>, vector<16xi32>,
      %shift_right_logical3A_259 = arith.constant 7 : i32
      %shift_right_logical3A_260 = vector.broadcast %shift_right_logical3A_259 : i32 to vector<16xi32>
      %shift_right_logical3A_261 = arith.shrui %get3A_258, %shift_right_logical3A_260 : vector<16xi32>
      %and3A_262 = arith.constant 127 : i32
      %and3A_263 = vector.broadcast %and3A_262 : i32 to vector<16xi32>
      %and3A_264 = arith.andi %get3A_258, %and3A_263 : vector<16xi32>
      tpu.vector_store_idx %arg7[%shift_right_logical3A_261, %and3A_264], %broadcast_in_dim3A_3 masked %eq3A_10 : memref<782x128xf32, #tpu.memory_space<vmem>>[vector<16xi32>, vector<16xi32>], vector<16xf32>, vector<16xi1>
      tpu.vector_store_idx %arg7[%shift_right_logical3A_261, %and3A_264], %broadcast_in_dim3A_3 masked %eq3A_13 : memref<782x128xf32, #tpu.memory_space<vmem>>[vector<16xi32>, vector<16xi32>], vector<16xf32>, vector<16xi1>
      tpu.vector_store_idx %arg7[%shift_right_logical3A_261, %and3A_264], %broadcast_in_dim3A_3 masked %eq3A_16 : memref<782x128xf32, #tpu.memory_space<vmem>>[vector<16xi32>, vector<16xi32>], vector<16xf32>, vector<16xi1>
      tpu.vector_store_idx %arg7[%shift_right_logical3A_261, %and3A_264], %broadcast_in_dim3A_3 masked %eq3A_19 : memref<782x128xf32, #tpu.memory_space<vmem>>[vector<16xi32>, vector<16xi32>], vector<16xf32>, vector<16xi1>
      tpu.vector_store_idx %arg7[%shift_right_logical3A_261, %and3A_264], %broadcast_in_dim3A_3 masked %eq3A_22 : memref<782x128xf32, #tpu.memory_space<vmem>>[vector<16xi32>, vector<16xi32>], vector<16xf32>, vector<16xi1>
      tpu.vector_store_idx %arg7[%shift_right_logical3A_261, %and3A_264], %broadcast_in_dim3A_3 masked %eq3A_25 : memref<782x128xf32, #tpu.memory_space<vmem>>[vector<16xi32>, vector<16xi32>], vector<16xf32>, vector<16xi1>
      tpu.vector_store_idx %arg7[%shift_right_logical3A_261, %and3A_264], %broadcast_in_dim3A_3 masked %eq3A_28 : memref<782x128xf32, #tpu.memory_space<vmem>>[vector<16xi32>, vector<16xi32>], vector<16xf32>, vector<16xi1>
      tpu.vector_store_idx %arg7[%shift_right_logical3A_261, %and3A_264], %broadcast_in_dim3A_3 masked %eq3A_31 : memref<782x128xf32, #tpu.memory_space<vmem>>[vector<16xi32>, vector<16xi32>], vector<16xf32>, vector<16xi1>
      tpu.vector_store_idx %arg7[%shift_right_logical3A_261, %and3A_264], %broadcast_in_dim3A_3 masked %eq3A_34 : memref<782x128xf32, #tpu.memory_space<vmem>>[vector<16xi32>, vector<16xi32>], vector<16xf32>, vector<16xi1>
      tpu.vector_store_idx %arg7[%shift_right_logical3A_261, %and3A_264], %broadcast_in_dim3A_3 masked %eq3A_37 : memref<782x128xf32, #tpu.memory_space<vmem>>[vector<16xi32>, vector<16xi32>], vector<16xf32>, vector<16xi1>
      tpu.vector_store_idx %arg7[%shift_right_logical3A_261, %and3A_264], %broadcast_in_dim3A_3 masked %eq3A_40 : memref<782x128xf32, #tpu.memory_space<vmem>>[vector<16xi32>, vector<16xi32>], vector<16xf32>, vector<16xi1>
      tpu.vector_store_idx %arg7[%shift_right_logical3A_261, %and3A_264], %broadcast_in_dim3A_3 masked %eq3A_43 : memref<782x128xf32, #tpu.memory_space<vmem>>[vector<16xi32>, vector<16xi32>], vector<16xf32>, vector<16xi1>
      tpu.vector_store_idx %arg7[%shift_right_logical3A_261, %and3A_264], %broadcast_in_dim3A_3 masked %eq3A_46 : memref<782x128xf32, #tpu.memory_space<vmem>>[vector<16xi32>, vector<16xi32>], vector<16xf32>, vector<16xi1>
      tpu.vector_store_idx %arg7[%shift_right_logical3A_261, %and3A_264], %broadcast_in_dim3A_3 masked %eq3A_49 : memref<782x128xf32, #tpu.memory_space<vmem>>[vector<16xi32>, vector<16xi32>], vector<16xf32>, vector<16xi1>
      tpu.vector_store_idx %arg7[%shift_right_logical3A_261, %and3A_264], %broadcast_in_dim3A_3 masked %eq3A_52 : memref<782x128xf32, #tpu.memory_space<vmem>>[vector<16xi32>, vector<16xi32>], vector<16xf32>, vector<16xi1>
      tpu.vector_store_idx %arg7[%shift_right_logical3A_261, %and3A_264], %broadcast_in_dim3A_3 masked %eq3A_55 : memref<782x128xf32, #tpu.memory_space<vmem>>[vector<16xi32>, vector<16xi32>], vector<16xf32>, vector<16xi1>
      %get3A_265 = arith.constant 16 : index
      %get3A_266 = tpu.vector_load %arg5[%get3A_265] {strides = array<i32>} : memref<256xi32, #tpu.memory_space<vmem>>, vector<16xi32>,
      %shift_right_logical3A_267 = arith.constant 7 : i32
      %shift_right_logical3A_268 = vector.broadcast %shift_right_logical3A_267 : i32 to vector<16xi32>
      %shift_right_logical3A_269 = arith.shrui %get3A_266, %shift_right_logical3A_268 : vector<16xi32>
      %and3A_270 = arith.constant 127 : i32
      %and3A_271 = vector.broadcast %and3A_270 : i32 to vector<16xi32>
      %and3A_272 = arith.andi %get3A_266, %and3A_271 : vector<16xi32>
      tpu.vector_store_idx %arg7[%shift_right_logical3A_269, %and3A_272], %broadcast_in_dim3A_3 masked %eq3A_10 : memref<782x128xf32, #tpu.memory_space<vmem>>[vector<16xi32>, vector<16xi32>], vector<16xf32>, vector<16xi1>
      tpu.vector_store_idx %arg7[%shift_right_logical3A_269, %and3A_272], %broadcast_in_dim3A_3 masked %eq3A_13 : memref<782x128xf32, #tpu.memory_space<vmem>>[vector<16xi32>, vector<16xi32>], vector<16xf32>, vector<16xi1>
      tpu.vector_store_idx %arg7[%shift_right_logical3A_269, %and3A_272], %broadcast_in_dim3A_3 masked %eq3A_16 : memref<782x128xf32, #tpu.memory_space<vmem>>[vector<16xi32>, vector<16xi32>], vector<16xf32>, vector<16xi1>
      tpu.vector_store_idx %arg7[%shift_right_logical3A_269, %and3A_272], %broadcast_in_dim3A_3 masked %eq3A_19 : memref<782x128xf32, #tpu.memory_space<vmem>>[vector<16xi32>, vector<16xi32>], vector<16xf32>, vector<16xi1>
      tpu.vector_store_idx %arg7[%shift_right_logical3A_269, %and3A_272], %broadcast_in_dim3A_3 masked %eq3A_22 : memref<782x128xf32, #tpu.memory_space<vmem>>[vector<16xi32>, vector<16xi32>], vector<16xf32>, vector<16xi1>
      tpu.vector_store_idx %arg7[%shift_right_logical3A_269, %and3A_272], %broadcast_in_dim3A_3 masked %eq3A_25 : memref<782x128xf32, #tpu.memory_space<vmem>>[vector<16xi32>, vector<16xi32>], vector<16xf32>, vector<16xi1>
      tpu.vector_store_idx %arg7[%shift_right_logical3A_269, %and3A_272], %broadcast_in_dim3A_3 masked %eq3A_28 : memref<782x128xf32, #tpu.memory_space<vmem>>[vector<16xi32>, vector<16xi32>], vector<16xf32>, vector<16xi1>
      tpu.vector_store_idx %arg7[%shift_right_logical3A_269, %and3A_272], %broadcast_in_dim3A_3 masked %eq3A_31 : memref<782x128xf32, #tpu.memory_space<vmem>>[vector<16xi32>, vector<16xi32>], vector<16xf32>, vector<16xi1>
      tpu.vector_store_idx %arg7[%shift_right_logical3A_269, %and3A_272], %broadcast_in_dim3A_3 masked %eq3A_34 : memref<782x128xf32, #tpu.memory_space<vmem>>[vector<16xi32>, vector<16xi32>], vector<16xf32>, vector<16xi1>
      tpu.vector_store_idx %arg7[%shift_right_logical3A_269, %and3A_272], %broadcast_in_dim3A_3 masked %eq3A_37 : memref<782x128xf32, #tpu.memory_space<vmem>>[vector<16xi32>, vector<16xi32>], vector<16xf32>, vector<16xi1>
      tpu.vector_store_idx %arg7[%shift_right_logical3A_269, %and3A_272], %broadcast_in_dim3A_3 masked %eq3A_40 : memref<782x128xf32, #tpu.memory_space<vmem>>[vector<16xi32>, vector<16xi32>], vector<16xf32>, vector<16xi1>
      tpu.vector_store_idx %arg7[%shift_right_logical3A_269, %and3A_272], %broadcast_in_dim3A_3 masked %eq3A_43 : memref<782x128xf32, #tpu.memory_space<vmem>>[vector<16xi32>, vector<16xi32>], vector<16xf32>, vector<16xi1>
      tpu.vector_store_idx %arg7[%shift_right_logical3A_269, %and3A_272], %broadcast_in_dim3A_3 masked %eq3A_46 : memref<782x128xf32, #tpu.memory_space<vmem>>[vector<16xi32>, vector<16xi32>], vector<16xf32>, vector<16xi1>
      tpu.vector_store_idx %arg7[%shift_right_logical3A_269, %and3A_272], %broadcast_in_dim3A_3 masked %eq3A_49 : memref<782x128xf32, #tpu.memory_space<vmem>>[vector<16xi32>, vector<16xi32>], vector<16xf32>, vector<16xi1>
      tpu.vector_store_idx %arg7[%shift_right_logical3A_269, %and3A_272], %broadcast_in_dim3A_3 masked %eq3A_52 : memref<782x128xf32, #tpu.memory_space<vmem>>[vector<16xi32>, vector<16xi32>], vector<16xf32>, vector<16xi1>
      tpu.vector_store_idx %arg7[%shift_right_logical3A_269, %and3A_272], %broadcast_in_dim3A_3 masked %eq3A_55 : memref<782x128xf32, #tpu.memory_space<vmem>>[vector<16xi32>, vector<16xi32>], vector<16xf32>, vector<16xi1>
      %get3A_273 = arith.constant 32 : index
      %get3A_274 = tpu.vector_load %arg5[%get3A_273] {strides = array<i32>} : memref<256xi32, #tpu.memory_space<vmem>>, vector<16xi32>,
      %shift_right_logical3A_275 = arith.constant 7 : i32
      %shift_right_logical3A_276 = vector.broadcast %shift_right_logical3A_275 : i32 to vector<16xi32>
      %shift_right_logical3A_277 = arith.shrui %get3A_274, %shift_right_logical3A_276 : vector<16xi32>
      %and3A_278 = arith.constant 127 : i32
      %and3A_279 = vector.broadcast %and3A_278 : i32 to vector<16xi32>
      %and3A_280 = arith.andi %get3A_274, %and3A_279 : vector<16xi32>
      tpu.vector_store_idx %arg7[%shift_right_logical3A_277, %and3A_280], %broadcast_in_dim3A_3 masked %eq3A_10 : memref<782x128xf32, #tpu.memory_space<vmem>>[vector<16xi32>, vector<16xi32>], vector<16xf32>, vector<16xi1>
      tpu.vector_store_idx %arg7[%shift_right_logical3A_277, %and3A_280], %broadcast_in_dim3A_3 masked %eq3A_13 : memref<782x128xf32, #tpu.memory_space<vmem>>[vector<16xi32>, vector<16xi32>], vector<16xf32>, vector<16xi1>
      tpu.vector_store_idx %arg7[%shift_right_logical3A_277, %and3A_280], %broadcast_in_dim3A_3 masked %eq3A_16 : memref<782x128xf32, #tpu.memory_space<vmem>>[vector<16xi32>, vector<16xi32>], vector<16xf32>, vector<16xi1>
      tpu.vector_store_idx %arg7[%shift_right_logical3A_277, %and3A_280], %broadcast_in_dim3A_3 masked %eq3A_19 : memref<782x128xf32, #tpu.memory_space<vmem>>[vector<16xi32>, vector<16xi32>], vector<16xf32>, vector<16xi1>
      tpu.vector_store_idx %arg7[%shift_right_logical3A_277, %and3A_280], %broadcast_in_dim3A_3 masked %eq3A_22 : memref<782x128xf32, #tpu.memory_space<vmem>>[vector<16xi32>, vector<16xi32>], vector<16xf32>, vector<16xi1>
      tpu.vector_store_idx %arg7[%shift_right_logical3A_277, %and3A_280], %broadcast_in_dim3A_3 masked %eq3A_25 : memref<782x128xf32, #tpu.memory_space<vmem>>[vector<16xi32>, vector<16xi32>], vector<16xf32>, vector<16xi1>
      tpu.vector_store_idx %arg7[%shift_right_logical3A_277, %and3A_280], %broadcast_in_dim3A_3 masked %eq3A_28 : memref<782x128xf32, #tpu.memory_space<vmem>>[vector<16xi32>, vector<16xi32>], vector<16xf32>, vector<16xi1>
      tpu.vector_store_idx %arg7[%shift_right_logical3A_277, %and3A_280], %broadcast_in_dim3A_3 masked %eq3A_31 : memref<782x128xf32, #tpu.memory_space<vmem>>[vector<16xi32>, vector<16xi32>], vector<16xf32>, vector<16xi1>
      tpu.vector_store_idx %arg7[%shift_right_logical3A_277, %and3A_280], %broadcast_in_dim3A_3 masked %eq3A_34 : memref<782x128xf32, #tpu.memory_space<vmem>>[vector<16xi32>, vector<16xi32>], vector<16xf32>, vector<16xi1>
      tpu.vector_store_idx %arg7[%shift_right_logical3A_277, %and3A_280], %broadcast_in_dim3A_3 masked %eq3A_37 : memref<782x128xf32, #tpu.memory_space<vmem>>[vector<16xi32>, vector<16xi32>], vector<16xf32>, vector<16xi1>
      tpu.vector_store_idx %arg7[%shift_right_logical3A_277, %and3A_280], %broadcast_in_dim3A_3 masked %eq3A_40 : memref<782x128xf32, #tpu.memory_space<vmem>>[vector<16xi32>, vector<16xi32>], vector<16xf32>, vector<16xi1>
      tpu.vector_store_idx %arg7[%shift_right_logical3A_277, %and3A_280], %broadcast_in_dim3A_3 masked %eq3A_43 : memref<782x128xf32, #tpu.memory_space<vmem>>[vector<16xi32>, vector<16xi32>], vector<16xf32>, vector<16xi1>
      tpu.vector_store_idx %arg7[%shift_right_logical3A_277, %and3A_280], %broadcast_in_dim3A_3 masked %eq3A_46 : memref<782x128xf32, #tpu.memory_space<vmem>>[vector<16xi32>, vector<16xi32>], vector<16xf32>, vector<16xi1>
      tpu.vector_store_idx %arg7[%shift_right_logical3A_277, %and3A_280], %broadcast_in_dim3A_3 masked %eq3A_49 : memref<782x128xf32, #tpu.memory_space<vmem>>[vector<16xi32>, vector<16xi32>], vector<16xf32>, vector<16xi1>
      tpu.vector_store_idx %arg7[%shift_right_logical3A_277, %and3A_280], %broadcast_in_dim3A_3 masked %eq3A_52 : memref<782x128xf32, #tpu.memory_space<vmem>>[vector<16xi32>, vector<16xi32>], vector<16xf32>, vector<16xi1>
      tpu.vector_store_idx %arg7[%shift_right_logical3A_277, %and3A_280], %broadcast_in_dim3A_3 masked %eq3A_55 : memref<782x128xf32, #tpu.memory_space<vmem>>[vector<16xi32>, vector<16xi32>], vector<16xf32>, vector<16xi1>
      %get3A_281 = arith.constant 48 : index
      %get3A_282 = tpu.vector_load %arg5[%get3A_281] {strides = array<i32>} : memref<256xi32, #tpu.memory_space<vmem>>, vector<16xi32>,
      %shift_right_logical3A_283 = arith.constant 7 : i32
      %shift_right_logical3A_284 = vector.broadcast %shift_right_logical3A_283 : i32 to vector<16xi32>
      %shift_right_logical3A_285 = arith.shrui %get3A_282, %shift_right_logical3A_284 : vector<16xi32>
      %and3A_286 = arith.constant 127 : i32
      %and3A_287 = vector.broadcast %and3A_286 : i32 to vector<16xi32>
      %and3A_288 = arith.andi %get3A_282, %and3A_287 : vector<16xi32>
      tpu.vector_store_idx %arg7[%shift_right_logical3A_285, %and3A_288], %broadcast_in_dim3A_3 masked %eq3A_10 : memref<782x128xf32, #tpu.memory_space<vmem>>[vector<16xi32>, vector<16xi32>], vector<16xf32>, vector<16xi1>
      tpu.vector_store_idx %arg7[%shift_right_logical3A_285, %and3A_288], %broadcast_in_dim3A_3 masked %eq3A_13 : memref<782x128xf32, #tpu.memory_space<vmem>>[vector<16xi32>, vector<16xi32>], vector<16xf32>, vector<16xi1>
      tpu.vector_store_idx %arg7[%shift_right_logical3A_285, %and3A_288], %broadcast_in_dim3A_3 masked %eq3A_16 : memref<782x128xf32, #tpu.memory_space<vmem>>[vector<16xi32>, vector<16xi32>], vector<16xf32>, vector<16xi1>
      tpu.vector_store_idx %arg7[%shift_right_logical3A_285, %and3A_288], %broadcast_in_dim3A_3 masked %eq3A_19 : memref<782x128xf32, #tpu.memory_space<vmem>>[vector<16xi32>, vector<16xi32>], vector<16xf32>, vector<16xi1>
      tpu.vector_store_idx %arg7[%shift_right_logical3A_285, %and3A_288], %broadcast_in_dim3A_3 masked %eq3A_22 : memref<782x128xf32, #tpu.memory_space<vmem>>[vector<16xi32>, vector<16xi32>], vector<16xf32>, vector<16xi1>
      tpu.vector_store_idx %arg7[%shift_right_logical3A_285, %and3A_288], %broadcast_in_dim3A_3 masked %eq3A_25 : memref<782x128xf32, #tpu.memory_space<vmem>>[vector<16xi32>, vector<16xi32>], vector<16xf32>, vector<16xi1>
      tpu.vector_store_idx %arg7[%shift_right_logical3A_285, %and3A_288], %broadcast_in_dim3A_3 masked %eq3A_28 : memref<782x128xf32, #tpu.memory_space<vmem>>[vector<16xi32>, vector<16xi32>], vector<16xf32>, vector<16xi1>
      tpu.vector_store_idx %arg7[%shift_right_logical3A_285, %and3A_288], %broadcast_in_dim3A_3 masked %eq3A_31 : memref<782x128xf32, #tpu.memory_space<vmem>>[vector<16xi32>, vector<16xi32>], vector<16xf32>, vector<16xi1>
      tpu.vector_store_idx %arg7[%shift_right_logical3A_285, %and3A_288], %broadcast_in_dim3A_3 masked %eq3A_34 : memref<782x128xf32, #tpu.memory_space<vmem>>[vector<16xi32>, vector<16xi32>], vector<16xf32>, vector<16xi1>
      tpu.vector_store_idx %arg7[%shift_right_logical3A_285, %and3A_288], %broadcast_in_dim3A_3 masked %eq3A_37 : memref<782x128xf32, #tpu.memory_space<vmem>>[vector<16xi32>, vector<16xi32>], vector<16xf32>, vector<16xi1>
      tpu.vector_store_idx %arg7[%shift_right_logical3A_285, %and3A_288], %broadcast_in_dim3A_3 masked %eq3A_40 : memref<782x128xf32, #tpu.memory_space<vmem>>[vector<16xi32>, vector<16xi32>], vector<16xf32>, vector<16xi1>
      tpu.vector_store_idx %arg7[%shift_right_logical3A_285, %and3A_288], %broadcast_in_dim3A_3 masked %eq3A_43 : memref<782x128xf32, #tpu.memory_space<vmem>>[vector<16xi32>, vector<16xi32>], vector<16xf32>, vector<16xi1>
      tpu.vector_store_idx %arg7[%shift_right_logical3A_285, %and3A_288], %broadcast_in_dim3A_3 masked %eq3A_46 : memref<782x128xf32, #tpu.memory_space<vmem>>[vector<16xi32>, vector<16xi32>], vector<16xf32>, vector<16xi1>
      tpu.vector_store_idx %arg7[%shift_right_logical3A_285, %and3A_288], %broadcast_in_dim3A_3 masked %eq3A_49 : memref<782x128xf32, #tpu.memory_space<vmem>>[vector<16xi32>, vector<16xi32>], vector<16xf32>, vector<16xi1>
      tpu.vector_store_idx %arg7[%shift_right_logical3A_285, %and3A_288], %broadcast_in_dim3A_3 masked %eq3A_52 : memref<782x128xf32, #tpu.memory_space<vmem>>[vector<16xi32>, vector<16xi32>], vector<16xf32>, vector<16xi1>
      tpu.vector_store_idx %arg7[%shift_right_logical3A_285, %and3A_288], %broadcast_in_dim3A_3 masked %eq3A_55 : memref<782x128xf32, #tpu.memory_space<vmem>>[vector<16xi32>, vector<16xi32>], vector<16xf32>, vector<16xi1>
      %get3A_289 = arith.constant 64 : index
      %get3A_290 = tpu.vector_load %arg5[%get3A_289] {strides = array<i32>} : memref<256xi32, #tpu.memory_space<vmem>>, vector<16xi32>,
      %shift_right_logical3A_291 = arith.constant 7 : i32
      %shift_right_logical3A_292 = vector.broadcast %shift_right_logical3A_291 : i32 to vector<16xi32>
      %shift_right_logical3A_293 = arith.shrui %get3A_290, %shift_right_logical3A_292 : vector<16xi32>
      %and3A_294 = arith.constant 127 : i32
      %and3A_295 = vector.broadcast %and3A_294 : i32 to vector<16xi32>
      %and3A_296 = arith.andi %get3A_290, %and3A_295 : vector<16xi32>
      tpu.vector_store_idx %arg7[%shift_right_logical3A_293, %and3A_296], %broadcast_in_dim3A_3 masked %eq3A_10 : memref<782x128xf32, #tpu.memory_space<vmem>>[vector<16xi32>, vector<16xi32>], vector<16xf32>, vector<16xi1>
      tpu.vector_store_idx %arg7[%shift_right_logical3A_293, %and3A_296], %broadcast_in_dim3A_3 masked %eq3A_13 : memref<782x128xf32, #tpu.memory_space<vmem>>[vector<16xi32>, vector<16xi32>], vector<16xf32>, vector<16xi1>
      tpu.vector_store_idx %arg7[%shift_right_logical3A_293, %and3A_296], %broadcast_in_dim3A_3 masked %eq3A_16 : memref<782x128xf32, #tpu.memory_space<vmem>>[vector<16xi32>, vector<16xi32>], vector<16xf32>, vector<16xi1>
      tpu.vector_store_idx %arg7[%shift_right_logical3A_293, %and3A_296], %broadcast_in_dim3A_3 masked %eq3A_19 : memref<782x128xf32, #tpu.memory_space<vmem>>[vector<16xi32>, vector<16xi32>], vector<16xf32>, vector<16xi1>
      tpu.vector_store_idx %arg7[%shift_right_logical3A_293, %and3A_296], %broadcast_in_dim3A_3 masked %eq3A_22 : memref<782x128xf32, #tpu.memory_space<vmem>>[vector<16xi32>, vector<16xi32>], vector<16xf32>, vector<16xi1>
      tpu.vector_store_idx %arg7[%shift_right_logical3A_293, %and3A_296], %broadcast_in_dim3A_3 masked %eq3A_25 : memref<782x128xf32, #tpu.memory_space<vmem>>[vector<16xi32>, vector<16xi32>], vector<16xf32>, vector<16xi1>
      tpu.vector_store_idx %arg7[%shift_right_logical3A_293, %and3A_296], %broadcast_in_dim3A_3 masked %eq3A_28 : memref<782x128xf32, #tpu.memory_space<vmem>>[vector<16xi32>, vector<16xi32>], vector<16xf32>, vector<16xi1>
      tpu.vector_store_idx %arg7[%shift_right_logical3A_293, %and3A_296], %broadcast_in_dim3A_3 masked %eq3A_31 : memref<782x128xf32, #tpu.memory_space<vmem>>[vector<16xi32>, vector<16xi32>], vector<16xf32>, vector<16xi1>
      tpu.vector_store_idx %arg7[%shift_right_logical3A_293, %and3A_296], %broadcast_in_dim3A_3 masked %eq3A_34 : memref<782x128xf32, #tpu.memory_space<vmem>>[vector<16xi32>, vector<16xi32>], vector<16xf32>, vector<16xi1>
      tpu.vector_store_idx %arg7[%shift_right_logical3A_293, %and3A_296], %broadcast_in_dim3A_3 masked %eq3A_37 : memref<782x128xf32, #tpu.memory_space<vmem>>[vector<16xi32>, vector<16xi32>], vector<16xf32>, vector<16xi1>
      tpu.vector_store_idx %arg7[%shift_right_logical3A_293, %and3A_296], %broadcast_in_dim3A_3 masked %eq3A_40 : memref<782x128xf32, #tpu.memory_space<vmem>>[vector<16xi32>, vector<16xi32>], vector<16xf32>, vector<16xi1>
      tpu.vector_store_idx %arg7[%shift_right_logical3A_293, %and3A_296], %broadcast_in_dim3A_3 masked %eq3A_43 : memref<782x128xf32, #tpu.memory_space<vmem>>[vector<16xi32>, vector<16xi32>], vector<16xf32>, vector<16xi1>
      tpu.vector_store_idx %arg7[%shift_right_logical3A_293, %and3A_296], %broadcast_in_dim3A_3 masked %eq3A_46 : memref<782x128xf32, #tpu.memory_space<vmem>>[vector<16xi32>, vector<16xi32>], vector<16xf32>, vector<16xi1>
      tpu.vector_store_idx %arg7[%shift_right_logical3A_293, %and3A_296], %broadcast_in_dim3A_3 masked %eq3A_49 : memref<782x128xf32, #tpu.memory_space<vmem>>[vector<16xi32>, vector<16xi32>], vector<16xf32>, vector<16xi1>
      tpu.vector_store_idx %arg7[%shift_right_logical3A_293, %and3A_296], %broadcast_in_dim3A_3 masked %eq3A_52 : memref<782x128xf32, #tpu.memory_space<vmem>>[vector<16xi32>, vector<16xi32>], vector<16xf32>, vector<16xi1>
      tpu.vector_store_idx %arg7[%shift_right_logical3A_293, %and3A_296], %broadcast_in_dim3A_3 masked %eq3A_55 : memref<782x128xf32, #tpu.memory_space<vmem>>[vector<16xi32>, vector<16xi32>], vector<16xf32>, vector<16xi1>
      %get3A_297 = arith.constant 80 : index
      %get3A_298 = tpu.vector_load %arg5[%get3A_297] {strides = array<i32>} : memref<256xi32, #tpu.memory_space<vmem>>, vector<16xi32>,
      %shift_right_logical3A_299 = arith.constant 7 : i32
      %shift_right_logical3A_300 = vector.broadcast %shift_right_logical3A_299 : i32 to vector<16xi32>
      %shift_right_logical3A_301 = arith.shrui %get3A_298, %shift_right_logical3A_300 : vector<16xi32>
      %and3A_302 = arith.constant 127 : i32
      %and3A_303 = vector.broadcast %and3A_302 : i32 to vector<16xi32>
      %and3A_304 = arith.andi %get3A_298, %and3A_303 : vector<16xi32>
      tpu.vector_store_idx %arg7[%shift_right_logical3A_301, %and3A_304], %broadcast_in_dim3A_3 masked %eq3A_10 : memref<782x128xf32, #tpu.memory_space<vmem>>[vector<16xi32>, vector<16xi32>], vector<16xf32>, vector<16xi1>
      tpu.vector_store_idx %arg7[%shift_right_logical3A_301, %and3A_304], %broadcast_in_dim3A_3 masked %eq3A_13 : memref<782x128xf32, #tpu.memory_space<vmem>>[vector<16xi32>, vector<16xi32>], vector<16xf32>, vector<16xi1>
      tpu.vector_store_idx %arg7[%shift_right_logical3A_301, %and3A_304], %broadcast_in_dim3A_3 masked %eq3A_16 : memref<782x128xf32, #tpu.memory_space<vmem>>[vector<16xi32>, vector<16xi32>], vector<16xf32>, vector<16xi1>
      tpu.vector_store_idx %arg7[%shift_right_logical3A_301, %and3A_304], %broadcast_in_dim3A_3 masked %eq3A_19 : memref<782x128xf32, #tpu.memory_space<vmem>>[vector<16xi32>, vector<16xi32>], vector<16xf32>, vector<16xi1>
      tpu.vector_store_idx %arg7[%shift_right_logical3A_301, %and3A_304], %broadcast_in_dim3A_3 masked %eq3A_22 : memref<782x128xf32, #tpu.memory_space<vmem>>[vector<16xi32>, vector<16xi32>], vector<16xf32>, vector<16xi1>
      tpu.vector_store_idx %arg7[%shift_right_logical3A_301, %and3A_304], %broadcast_in_dim3A_3 masked %eq3A_25 : memref<782x128xf32, #tpu.memory_space<vmem>>[vector<16xi32>, vector<16xi32>], vector<16xf32>, vector<16xi1>
      tpu.vector_store_idx %arg7[%shift_right_logical3A_301, %and3A_304], %broadcast_in_dim3A_3 masked %eq3A_28 : memref<782x128xf32, #tpu.memory_space<vmem>>[vector<16xi32>, vector<16xi32>], vector<16xf32>, vector<16xi1>
      tpu.vector_store_idx %arg7[%shift_right_logical3A_301, %and3A_304], %broadcast_in_dim3A_3 masked %eq3A_31 : memref<782x128xf32, #tpu.memory_space<vmem>>[vector<16xi32>, vector<16xi32>], vector<16xf32>, vector<16xi1>
      tpu.vector_store_idx %arg7[%shift_right_logical3A_301, %and3A_304], %broadcast_in_dim3A_3 masked %eq3A_34 : memref<782x128xf32, #tpu.memory_space<vmem>>[vector<16xi32>, vector<16xi32>], vector<16xf32>, vector<16xi1>
      tpu.vector_store_idx %arg7[%shift_right_logical3A_301, %and3A_304], %broadcast_in_dim3A_3 masked %eq3A_37 : memref<782x128xf32, #tpu.memory_space<vmem>>[vector<16xi32>, vector<16xi32>], vector<16xf32>, vector<16xi1>
      tpu.vector_store_idx %arg7[%shift_right_logical3A_301, %and3A_304], %broadcast_in_dim3A_3 masked %eq3A_40 : memref<782x128xf32, #tpu.memory_space<vmem>>[vector<16xi32>, vector<16xi32>], vector<16xf32>, vector<16xi1>
      tpu.vector_store_idx %arg7[%shift_right_logical3A_301, %and3A_304], %broadcast_in_dim3A_3 masked %eq3A_43 : memref<782x128xf32, #tpu.memory_space<vmem>>[vector<16xi32>, vector<16xi32>], vector<16xf32>, vector<16xi1>
      tpu.vector_store_idx %arg7[%shift_right_logical3A_301, %and3A_304], %broadcast_in_dim3A_3 masked %eq3A_46 : memref<782x128xf32, #tpu.memory_space<vmem>>[vector<16xi32>, vector<16xi32>], vector<16xf32>, vector<16xi1>
      tpu.vector_store_idx %arg7[%shift_right_logical3A_301, %and3A_304], %broadcast_in_dim3A_3 masked %eq3A_49 : memref<782x128xf32, #tpu.memory_space<vmem>>[vector<16xi32>, vector<16xi32>], vector<16xf32>, vector<16xi1>
      tpu.vector_store_idx %arg7[%shift_right_logical3A_301, %and3A_304], %broadcast_in_dim3A_3 masked %eq3A_52 : memref<782x128xf32, #tpu.memory_space<vmem>>[vector<16xi32>, vector<16xi32>], vector<16xf32>, vector<16xi1>
      tpu.vector_store_idx %arg7[%shift_right_logical3A_301, %and3A_304], %broadcast_in_dim3A_3 masked %eq3A_55 : memref<782x128xf32, #tpu.memory_space<vmem>>[vector<16xi32>, vector<16xi32>], vector<16xf32>, vector<16xi1>
      %get3A_305 = arith.constant 96 : index
      %get3A_306 = tpu.vector_load %arg5[%get3A_305] {strides = array<i32>} : memref<256xi32, #tpu.memory_space<vmem>>, vector<16xi32>,
      %shift_right_logical3A_307 = arith.constant 7 : i32
      %shift_right_logical3A_308 = vector.broadcast %shift_right_logical3A_307 : i32 to vector<16xi32>
      %shift_right_logical3A_309 = arith.shrui %get3A_306, %shift_right_logical3A_308 : vector<16xi32>
      %and3A_310 = arith.constant 127 : i32
      %and3A_311 = vector.broadcast %and3A_310 : i32 to vector<16xi32>
      %and3A_312 = arith.andi %get3A_306, %and3A_311 : vector<16xi32>
      tpu.vector_store_idx %arg7[%shift_right_logical3A_309, %and3A_312], %broadcast_in_dim3A_3 masked %eq3A_10 : memref<782x128xf32, #tpu.memory_space<vmem>>[vector<16xi32>, vector<16xi32>], vector<16xf32>, vector<16xi1>
      tpu.vector_store_idx %arg7[%shift_right_logical3A_309, %and3A_312], %broadcast_in_dim3A_3 masked %eq3A_13 : memref<782x128xf32, #tpu.memory_space<vmem>>[vector<16xi32>, vector<16xi32>], vector<16xf32>, vector<16xi1>
      tpu.vector_store_idx %arg7[%shift_right_logical3A_309, %and3A_312], %broadcast_in_dim3A_3 masked %eq3A_16 : memref<782x128xf32, #tpu.memory_space<vmem>>[vector<16xi32>, vector<16xi32>], vector<16xf32>, vector<16xi1>
      tpu.vector_store_idx %arg7[%shift_right_logical3A_309, %and3A_312], %broadcast_in_dim3A_3 masked %eq3A_19 : memref<782x128xf32, #tpu.memory_space<vmem>>[vector<16xi32>, vector<16xi32>], vector<16xf32>, vector<16xi1>
      tpu.vector_store_idx %arg7[%shift_right_logical3A_309, %and3A_312], %broadcast_in_dim3A_3 masked %eq3A_22 : memref<782x128xf32, #tpu.memory_space<vmem>>[vector<16xi32>, vector<16xi32>], vector<16xf32>, vector<16xi1>
      tpu.vector_store_idx %arg7[%shift_right_logical3A_309, %and3A_312], %broadcast_in_dim3A_3 masked %eq3A_25 : memref<782x128xf32, #tpu.memory_space<vmem>>[vector<16xi32>, vector<16xi32>], vector<16xf32>, vector<16xi1>
      tpu.vector_store_idx %arg7[%shift_right_logical3A_309, %and3A_312], %broadcast_in_dim3A_3 masked %eq3A_28 : memref<782x128xf32, #tpu.memory_space<vmem>>[vector<16xi32>, vector<16xi32>], vector<16xf32>, vector<16xi1>
      tpu.vector_store_idx %arg7[%shift_right_logical3A_309, %and3A_312], %broadcast_in_dim3A_3 masked %eq3A_31 : memref<782x128xf32, #tpu.memory_space<vmem>>[vector<16xi32>, vector<16xi32>], vector<16xf32>, vector<16xi1>
      tpu.vector_store_idx %arg7[%shift_right_logical3A_309, %and3A_312], %broadcast_in_dim3A_3 masked %eq3A_34 : memref<782x128xf32, #tpu.memory_space<vmem>>[vector<16xi32>, vector<16xi32>], vector<16xf32>, vector<16xi1>
      tpu.vector_store_idx %arg7[%shift_right_logical3A_309, %and3A_312], %broadcast_in_dim3A_3 masked %eq3A_37 : memref<782x128xf32, #tpu.memory_space<vmem>>[vector<16xi32>, vector<16xi32>], vector<16xf32>, vector<16xi1>
      tpu.vector_store_idx %arg7[%shift_right_logical3A_309, %and3A_312], %broadcast_in_dim3A_3 masked %eq3A_40 : memref<782x128xf32, #tpu.memory_space<vmem>>[vector<16xi32>, vector<16xi32>], vector<16xf32>, vector<16xi1>
      tpu.vector_store_idx %arg7[%shift_right_logical3A_309, %and3A_312], %broadcast_in_dim3A_3 masked %eq3A_43 : memref<782x128xf32, #tpu.memory_space<vmem>>[vector<16xi32>, vector<16xi32>], vector<16xf32>, vector<16xi1>
      tpu.vector_store_idx %arg7[%shift_right_logical3A_309, %and3A_312], %broadcast_in_dim3A_3 masked %eq3A_46 : memref<782x128xf32, #tpu.memory_space<vmem>>[vector<16xi32>, vector<16xi32>], vector<16xf32>, vector<16xi1>
      tpu.vector_store_idx %arg7[%shift_right_logical3A_309, %and3A_312], %broadcast_in_dim3A_3 masked %eq3A_49 : memref<782x128xf32, #tpu.memory_space<vmem>>[vector<16xi32>, vector<16xi32>], vector<16xf32>, vector<16xi1>
      tpu.vector_store_idx %arg7[%shift_right_logical3A_309, %and3A_312], %broadcast_in_dim3A_3 masked %eq3A_52 : memref<782x128xf32, #tpu.memory_space<vmem>>[vector<16xi32>, vector<16xi32>], vector<16xf32>, vector<16xi1>
      tpu.vector_store_idx %arg7[%shift_right_logical3A_309, %and3A_312], %broadcast_in_dim3A_3 masked %eq3A_55 : memref<782x128xf32, #tpu.memory_space<vmem>>[vector<16xi32>, vector<16xi32>], vector<16xf32>, vector<16xi1>
      %get3A_313 = arith.constant 112 : index
      %get3A_314 = tpu.vector_load %arg5[%get3A_313] {strides = array<i32>} : memref<256xi32, #tpu.memory_space<vmem>>, vector<16xi32>,
      %shift_right_logical3A_315 = arith.constant 7 : i32
      %shift_right_logical3A_316 = vector.broadcast %shift_right_logical3A_315 : i32 to vector<16xi32>
      %shift_right_logical3A_317 = arith.shrui %get3A_314, %shift_right_logical3A_316 : vector<16xi32>
      %and3A_318 = arith.constant 127 : i32
      %and3A_319 = vector.broadcast %and3A_318 : i32 to vector<16xi32>
      %and3A_320 = arith.andi %get3A_314, %and3A_319 : vector<16xi32>
      tpu.vector_store_idx %arg7[%shift_right_logical3A_317, %and3A_320], %broadcast_in_dim3A_3 masked %eq3A_10 : memref<782x128xf32, #tpu.memory_space<vmem>>[vector<16xi32>, vector<16xi32>], vector<16xf32>, vector<16xi1>
      tpu.vector_store_idx %arg7[%shift_right_logical3A_317, %and3A_320], %broadcast_in_dim3A_3 masked %eq3A_13 : memref<782x128xf32, #tpu.memory_space<vmem>>[vector<16xi32>, vector<16xi32>], vector<16xf32>, vector<16xi1>
      tpu.vector_store_idx %arg7[%shift_right_logical3A_317, %and3A_320], %broadcast_in_dim3A_3 masked %eq3A_16 : memref<782x128xf32, #tpu.memory_space<vmem>>[vector<16xi32>, vector<16xi32>], vector<16xf32>, vector<16xi1>
      tpu.vector_store_idx %arg7[%shift_right_logical3A_317, %and3A_320], %broadcast_in_dim3A_3 masked %eq3A_19 : memref<782x128xf32, #tpu.memory_space<vmem>>[vector<16xi32>, vector<16xi32>], vector<16xf32>, vector<16xi1>
      tpu.vector_store_idx %arg7[%shift_right_logical3A_317, %and3A_320], %broadcast_in_dim3A_3 masked %eq3A_22 : memref<782x128xf32, #tpu.memory_space<vmem>>[vector<16xi32>, vector<16xi32>], vector<16xf32>, vector<16xi1>
      tpu.vector_store_idx %arg7[%shift_right_logical3A_317, %and3A_320], %broadcast_in_dim3A_3 masked %eq3A_25 : memref<782x128xf32, #tpu.memory_space<vmem>>[vector<16xi32>, vector<16xi32>], vector<16xf32>, vector<16xi1>
      tpu.vector_store_idx %arg7[%shift_right_logical3A_317, %and3A_320], %broadcast_in_dim3A_3 masked %eq3A_28 : memref<782x128xf32, #tpu.memory_space<vmem>>[vector<16xi32>, vector<16xi32>], vector<16xf32>, vector<16xi1>
      tpu.vector_store_idx %arg7[%shift_right_logical3A_317, %and3A_320], %broadcast_in_dim3A_3 masked %eq3A_31 : memref<782x128xf32, #tpu.memory_space<vmem>>[vector<16xi32>, vector<16xi32>], vector<16xf32>, vector<16xi1>
      tpu.vector_store_idx %arg7[%shift_right_logical3A_317, %and3A_320], %broadcast_in_dim3A_3 masked %eq3A_34 : memref<782x128xf32, #tpu.memory_space<vmem>>[vector<16xi32>, vector<16xi32>], vector<16xf32>, vector<16xi1>
      tpu.vector_store_idx %arg7[%shift_right_logical3A_317, %and3A_320], %broadcast_in_dim3A_3 masked %eq3A_37 : memref<782x128xf32, #tpu.memory_space<vmem>>[vector<16xi32>, vector<16xi32>], vector<16xf32>, vector<16xi1>
      tpu.vector_store_idx %arg7[%shift_right_logical3A_317, %and3A_320], %broadcast_in_dim3A_3 masked %eq3A_40 : memref<782x128xf32, #tpu.memory_space<vmem>>[vector<16xi32>, vector<16xi32>], vector<16xf32>, vector<16xi1>
      tpu.vector_store_idx %arg7[%shift_right_logical3A_317, %and3A_320], %broadcast_in_dim3A_3 masked %eq3A_43 : memref<782x128xf32, #tpu.memory_space<vmem>>[vector<16xi32>, vector<16xi32>], vector<16xf32>, vector<16xi1>
      tpu.vector_store_idx %arg7[%shift_right_logical3A_317, %and3A_320], %broadcast_in_dim3A_3 masked %eq3A_46 : memref<782x128xf32, #tpu.memory_space<vmem>>[vector<16xi32>, vector<16xi32>], vector<16xf32>, vector<16xi1>
      tpu.vector_store_idx %arg7[%shift_right_logical3A_317, %and3A_320], %broadcast_in_dim3A_3 masked %eq3A_49 : memref<782x128xf32, #tpu.memory_space<vmem>>[vector<16xi32>, vector<16xi32>], vector<16xf32>, vector<16xi1>
      tpu.vector_store_idx %arg7[%shift_right_logical3A_317, %and3A_320], %broadcast_in_dim3A_3 masked %eq3A_52 : memref<782x128xf32, #tpu.memory_space<vmem>>[vector<16xi32>, vector<16xi32>], vector<16xf32>, vector<16xi1>
      tpu.vector_store_idx %arg7[%shift_right_logical3A_317, %and3A_320], %broadcast_in_dim3A_3 masked %eq3A_55 : memref<782x128xf32, #tpu.memory_space<vmem>>[vector<16xi32>, vector<16xi32>], vector<16xf32>, vector<16xi1>
      %get3A_321 = arith.constant 128 : index
      %get3A_322 = tpu.vector_load %arg5[%get3A_321] {strides = array<i32>} : memref<256xi32, #tpu.memory_space<vmem>>, vector<16xi32>,
      %shift_right_logical3A_323 = arith.constant 7 : i32
      %shift_right_logical3A_324 = vector.broadcast %shift_right_logical3A_323 : i32 to vector<16xi32>
      %shift_right_logical3A_325 = arith.shrui %get3A_322, %shift_right_logical3A_324 : vector<16xi32>
      %and3A_326 = arith.constant 127 : i32
      %and3A_327 = vector.broadcast %and3A_326 : i32 to vector<16xi32>
      %and3A_328 = arith.andi %get3A_322, %and3A_327 : vector<16xi32>
      tpu.vector_store_idx %arg7[%shift_right_logical3A_325, %and3A_328], %broadcast_in_dim3A_3 masked %eq3A_10 : memref<782x128xf32, #tpu.memory_space<vmem>>[vector<16xi32>, vector<16xi32>], vector<16xf32>, vector<16xi1>
      tpu.vector_store_idx %arg7[%shift_right_logical3A_325, %and3A_328], %broadcast_in_dim3A_3 masked %eq3A_13 : memref<782x128xf32, #tpu.memory_space<vmem>>[vector<16xi32>, vector<16xi32>], vector<16xf32>, vector<16xi1>
      tpu.vector_store_idx %arg7[%shift_right_logical3A_325, %and3A_328], %broadcast_in_dim3A_3 masked %eq3A_16 : memref<782x128xf32, #tpu.memory_space<vmem>>[vector<16xi32>, vector<16xi32>], vector<16xf32>, vector<16xi1>
      tpu.vector_store_idx %arg7[%shift_right_logical3A_325, %and3A_328], %broadcast_in_dim3A_3 masked %eq3A_19 : memref<782x128xf32, #tpu.memory_space<vmem>>[vector<16xi32>, vector<16xi32>], vector<16xf32>, vector<16xi1>
      tpu.vector_store_idx %arg7[%shift_right_logical3A_325, %and3A_328], %broadcast_in_dim3A_3 masked %eq3A_22 : memref<782x128xf32, #tpu.memory_space<vmem>>[vector<16xi32>, vector<16xi32>], vector<16xf32>, vector<16xi1>
      tpu.vector_store_idx %arg7[%shift_right_logical3A_325, %and3A_328], %broadcast_in_dim3A_3 masked %eq3A_25 : memref<782x128xf32, #tpu.memory_space<vmem>>[vector<16xi32>, vector<16xi32>], vector<16xf32>, vector<16xi1>
      tpu.vector_store_idx %arg7[%shift_right_logical3A_325, %and3A_328], %broadcast_in_dim3A_3 masked %eq3A_28 : memref<782x128xf32, #tpu.memory_space<vmem>>[vector<16xi32>, vector<16xi32>], vector<16xf32>, vector<16xi1>
      tpu.vector_store_idx %arg7[%shift_right_logical3A_325, %and3A_328], %broadcast_in_dim3A_3 masked %eq3A_31 : memref<782x128xf32, #tpu.memory_space<vmem>>[vector<16xi32>, vector<16xi32>], vector<16xf32>, vector<16xi1>
      tpu.vector_store_idx %arg7[%shift_right_logical3A_325, %and3A_328], %broadcast_in_dim3A_3 masked %eq3A_34 : memref<782x128xf32, #tpu.memory_space<vmem>>[vector<16xi32>, vector<16xi32>], vector<16xf32>, vector<16xi1>
      tpu.vector_store_idx %arg7[%shift_right_logical3A_325, %and3A_328], %broadcast_in_dim3A_3 masked %eq3A_37 : memref<782x128xf32, #tpu.memory_space<vmem>>[vector<16xi32>, vector<16xi32>], vector<16xf32>, vector<16xi1>
      tpu.vector_store_idx %arg7[%shift_right_logical3A_325, %and3A_328], %broadcast_in_dim3A_3 masked %eq3A_40 : memref<782x128xf32, #tpu.memory_space<vmem>>[vector<16xi32>, vector<16xi32>], vector<16xf32>, vector<16xi1>
      tpu.vector_store_idx %arg7[%shift_right_logical3A_325, %and3A_328], %broadcast_in_dim3A_3 masked %eq3A_43 : memref<782x128xf32, #tpu.memory_space<vmem>>[vector<16xi32>, vector<16xi32>], vector<16xf32>, vector<16xi1>
      tpu.vector_store_idx %arg7[%shift_right_logical3A_325, %and3A_328], %broadcast_in_dim3A_3 masked %eq3A_46 : memref<782x128xf32, #tpu.memory_space<vmem>>[vector<16xi32>, vector<16xi32>], vector<16xf32>, vector<16xi1>
      tpu.vector_store_idx %arg7[%shift_right_logical3A_325, %and3A_328], %broadcast_in_dim3A_3 masked %eq3A_49 : memref<782x128xf32, #tpu.memory_space<vmem>>[vector<16xi32>, vector<16xi32>], vector<16xf32>, vector<16xi1>
      tpu.vector_store_idx %arg7[%shift_right_logical3A_325, %and3A_328], %broadcast_in_dim3A_3 masked %eq3A_52 : memref<782x128xf32, #tpu.memory_space<vmem>>[vector<16xi32>, vector<16xi32>], vector<16xf32>, vector<16xi1>
      tpu.vector_store_idx %arg7[%shift_right_logical3A_325, %and3A_328], %broadcast_in_dim3A_3 masked %eq3A_55 : memref<782x128xf32, #tpu.memory_space<vmem>>[vector<16xi32>, vector<16xi32>], vector<16xf32>, vector<16xi1>
      %get3A_329 = arith.constant 144 : index
      %get3A_330 = tpu.vector_load %arg5[%get3A_329] {strides = array<i32>} : memref<256xi32, #tpu.memory_space<vmem>>, vector<16xi32>,
      %shift_right_logical3A_331 = arith.constant 7 : i32
      %shift_right_logical3A_332 = vector.broadcast %shift_right_logical3A_331 : i32 to vector<16xi32>
      %shift_right_logical3A_333 = arith.shrui %get3A_330, %shift_right_logical3A_332 : vector<16xi32>
      %and3A_334 = arith.constant 127 : i32
      %and3A_335 = vector.broadcast %and3A_334 : i32 to vector<16xi32>
      %and3A_336 = arith.andi %get3A_330, %and3A_335 : vector<16xi32>
      tpu.vector_store_idx %arg7[%shift_right_logical3A_333, %and3A_336], %broadcast_in_dim3A_3 masked %eq3A_10 : memref<782x128xf32, #tpu.memory_space<vmem>>[vector<16xi32>, vector<16xi32>], vector<16xf32>, vector<16xi1>
      tpu.vector_store_idx %arg7[%shift_right_logical3A_333, %and3A_336], %broadcast_in_dim3A_3 masked %eq3A_13 : memref<782x128xf32, #tpu.memory_space<vmem>>[vector<16xi32>, vector<16xi32>], vector<16xf32>, vector<16xi1>
      tpu.vector_store_idx %arg7[%shift_right_logical3A_333, %and3A_336], %broadcast_in_dim3A_3 masked %eq3A_16 : memref<782x128xf32, #tpu.memory_space<vmem>>[vector<16xi32>, vector<16xi32>], vector<16xf32>, vector<16xi1>
      tpu.vector_store_idx %arg7[%shift_right_logical3A_333, %and3A_336], %broadcast_in_dim3A_3 masked %eq3A_19 : memref<782x128xf32, #tpu.memory_space<vmem>>[vector<16xi32>, vector<16xi32>], vector<16xf32>, vector<16xi1>
      tpu.vector_store_idx %arg7[%shift_right_logical3A_333, %and3A_336], %broadcast_in_dim3A_3 masked %eq3A_22 : memref<782x128xf32, #tpu.memory_space<vmem>>[vector<16xi32>, vector<16xi32>], vector<16xf32>, vector<16xi1>
      tpu.vector_store_idx %arg7[%shift_right_logical3A_333, %and3A_336], %broadcast_in_dim3A_3 masked %eq3A_25 : memref<782x128xf32, #tpu.memory_space<vmem>>[vector<16xi32>, vector<16xi32>], vector<16xf32>, vector<16xi1>
      tpu.vector_store_idx %arg7[%shift_right_logical3A_333, %and3A_336], %broadcast_in_dim3A_3 masked %eq3A_28 : memref<782x128xf32, #tpu.memory_space<vmem>>[vector<16xi32>, vector<16xi32>], vector<16xf32>, vector<16xi1>
      tpu.vector_store_idx %arg7[%shift_right_logical3A_333, %and3A_336], %broadcast_in_dim3A_3 masked %eq3A_31 : memref<782x128xf32, #tpu.memory_space<vmem>>[vector<16xi32>, vector<16xi32>], vector<16xf32>, vector<16xi1>
      tpu.vector_store_idx %arg7[%shift_right_logical3A_333, %and3A_336], %broadcast_in_dim3A_3 masked %eq3A_34 : memref<782x128xf32, #tpu.memory_space<vmem>>[vector<16xi32>, vector<16xi32>], vector<16xf32>, vector<16xi1>
      tpu.vector_store_idx %arg7[%shift_right_logical3A_333, %and3A_336], %broadcast_in_dim3A_3 masked %eq3A_37 : memref<782x128xf32, #tpu.memory_space<vmem>>[vector<16xi32>, vector<16xi32>], vector<16xf32>, vector<16xi1>
      tpu.vector_store_idx %arg7[%shift_right_logical3A_333, %and3A_336], %broadcast_in_dim3A_3 masked %eq3A_40 : memref<782x128xf32, #tpu.memory_space<vmem>>[vector<16xi32>, vector<16xi32>], vector<16xf32>, vector<16xi1>
      tpu.vector_store_idx %arg7[%shift_right_logical3A_333, %and3A_336], %broadcast_in_dim3A_3 masked %eq3A_43 : memref<782x128xf32, #tpu.memory_space<vmem>>[vector<16xi32>, vector<16xi32>], vector<16xf32>, vector<16xi1>
      tpu.vector_store_idx %arg7[%shift_right_logical3A_333, %and3A_336], %broadcast_in_dim3A_3 masked %eq3A_46 : memref<782x128xf32, #tpu.memory_space<vmem>>[vector<16xi32>, vector<16xi32>], vector<16xf32>, vector<16xi1>
      tpu.vector_store_idx %arg7[%shift_right_logical3A_333, %and3A_336], %broadcast_in_dim3A_3 masked %eq3A_49 : memref<782x128xf32, #tpu.memory_space<vmem>>[vector<16xi32>, vector<16xi32>], vector<16xf32>, vector<16xi1>
      tpu.vector_store_idx %arg7[%shift_right_logical3A_333, %and3A_336], %broadcast_in_dim3A_3 masked %eq3A_52 : memref<782x128xf32, #tpu.memory_space<vmem>>[vector<16xi32>, vector<16xi32>], vector<16xf32>, vector<16xi1>
      tpu.vector_store_idx %arg7[%shift_right_logical3A_333, %and3A_336], %broadcast_in_dim3A_3 masked %eq3A_55 : memref<782x128xf32, #tpu.memory_space<vmem>>[vector<16xi32>, vector<16xi32>], vector<16xf32>, vector<16xi1>
      %get3A_337 = arith.constant 160 : index
      %get3A_338 = tpu.vector_load %arg5[%get3A_337] {strides = array<i32>} : memref<256xi32, #tpu.memory_space<vmem>>, vector<16xi32>,
      %shift_right_logical3A_339 = arith.constant 7 : i32
      %shift_right_logical3A_340 = vector.broadcast %shift_right_logical3A_339 : i32 to vector<16xi32>
      %shift_right_logical3A_341 = arith.shrui %get3A_338, %shift_right_logical3A_340 : vector<16xi32>
      %and3A_342 = arith.constant 127 : i32
      %and3A_343 = vector.broadcast %and3A_342 : i32 to vector<16xi32>
      %and3A_344 = arith.andi %get3A_338, %and3A_343 : vector<16xi32>
      tpu.vector_store_idx %arg7[%shift_right_logical3A_341, %and3A_344], %broadcast_in_dim3A_3 masked %eq3A_10 : memref<782x128xf32, #tpu.memory_space<vmem>>[vector<16xi32>, vector<16xi32>], vector<16xf32>, vector<16xi1>
      tpu.vector_store_idx %arg7[%shift_right_logical3A_341, %and3A_344], %broadcast_in_dim3A_3 masked %eq3A_13 : memref<782x128xf32, #tpu.memory_space<vmem>>[vector<16xi32>, vector<16xi32>], vector<16xf32>, vector<16xi1>
      tpu.vector_store_idx %arg7[%shift_right_logical3A_341, %and3A_344], %broadcast_in_dim3A_3 masked %eq3A_16 : memref<782x128xf32, #tpu.memory_space<vmem>>[vector<16xi32>, vector<16xi32>], vector<16xf32>, vector<16xi1>
      tpu.vector_store_idx %arg7[%shift_right_logical3A_341, %and3A_344], %broadcast_in_dim3A_3 masked %eq3A_19 : memref<782x128xf32, #tpu.memory_space<vmem>>[vector<16xi32>, vector<16xi32>], vector<16xf32>, vector<16xi1>
      tpu.vector_store_idx %arg7[%shift_right_logical3A_341, %and3A_344], %broadcast_in_dim3A_3 masked %eq3A_22 : memref<782x128xf32, #tpu.memory_space<vmem>>[vector<16xi32>, vector<16xi32>], vector<16xf32>, vector<16xi1>
      tpu.vector_store_idx %arg7[%shift_right_logical3A_341, %and3A_344], %broadcast_in_dim3A_3 masked %eq3A_25 : memref<782x128xf32, #tpu.memory_space<vmem>>[vector<16xi32>, vector<16xi32>], vector<16xf32>, vector<16xi1>
      tpu.vector_store_idx %arg7[%shift_right_logical3A_341, %and3A_344], %broadcast_in_dim3A_3 masked %eq3A_28 : memref<782x128xf32, #tpu.memory_space<vmem>>[vector<16xi32>, vector<16xi32>], vector<16xf32>, vector<16xi1>
      tpu.vector_store_idx %arg7[%shift_right_logical3A_341, %and3A_344], %broadcast_in_dim3A_3 masked %eq3A_31 : memref<782x128xf32, #tpu.memory_space<vmem>>[vector<16xi32>, vector<16xi32>], vector<16xf32>, vector<16xi1>
      tpu.vector_store_idx %arg7[%shift_right_logical3A_341, %and3A_344], %broadcast_in_dim3A_3 masked %eq3A_34 : memref<782x128xf32, #tpu.memory_space<vmem>>[vector<16xi32>, vector<16xi32>], vector<16xf32>, vector<16xi1>
      tpu.vector_store_idx %arg7[%shift_right_logical3A_341, %and3A_344], %broadcast_in_dim3A_3 masked %eq3A_37 : memref<782x128xf32, #tpu.memory_space<vmem>>[vector<16xi32>, vector<16xi32>], vector<16xf32>, vector<16xi1>
      tpu.vector_store_idx %arg7[%shift_right_logical3A_341, %and3A_344], %broadcast_in_dim3A_3 masked %eq3A_40 : memref<782x128xf32, #tpu.memory_space<vmem>>[vector<16xi32>, vector<16xi32>], vector<16xf32>, vector<16xi1>
      tpu.vector_store_idx %arg7[%shift_right_logical3A_341, %and3A_344], %broadcast_in_dim3A_3 masked %eq3A_43 : memref<782x128xf32, #tpu.memory_space<vmem>>[vector<16xi32>, vector<16xi32>], vector<16xf32>, vector<16xi1>
      tpu.vector_store_idx %arg7[%shift_right_logical3A_341, %and3A_344], %broadcast_in_dim3A_3 masked %eq3A_46 : memref<782x128xf32, #tpu.memory_space<vmem>>[vector<16xi32>, vector<16xi32>], vector<16xf32>, vector<16xi1>
      tpu.vector_store_idx %arg7[%shift_right_logical3A_341, %and3A_344], %broadcast_in_dim3A_3 masked %eq3A_49 : memref<782x128xf32, #tpu.memory_space<vmem>>[vector<16xi32>, vector<16xi32>], vector<16xf32>, vector<16xi1>
      tpu.vector_store_idx %arg7[%shift_right_logical3A_341, %and3A_344], %broadcast_in_dim3A_3 masked %eq3A_52 : memref<782x128xf32, #tpu.memory_space<vmem>>[vector<16xi32>, vector<16xi32>], vector<16xf32>, vector<16xi1>
      tpu.vector_store_idx %arg7[%shift_right_logical3A_341, %and3A_344], %broadcast_in_dim3A_3 masked %eq3A_55 : memref<782x128xf32, #tpu.memory_space<vmem>>[vector<16xi32>, vector<16xi32>], vector<16xf32>, vector<16xi1>
      %get3A_345 = arith.constant 176 : index
      %get3A_346 = tpu.vector_load %arg5[%get3A_345] {strides = array<i32>} : memref<256xi32, #tpu.memory_space<vmem>>, vector<16xi32>,
      %shift_right_logical3A_347 = arith.constant 7 : i32
      %shift_right_logical3A_348 = vector.broadcast %shift_right_logical3A_347 : i32 to vector<16xi32>
      %shift_right_logical3A_349 = arith.shrui %get3A_346, %shift_right_logical3A_348 : vector<16xi32>
      %and3A_350 = arith.constant 127 : i32
      %and3A_351 = vector.broadcast %and3A_350 : i32 to vector<16xi32>
      %and3A_352 = arith.andi %get3A_346, %and3A_351 : vector<16xi32>
      tpu.vector_store_idx %arg7[%shift_right_logical3A_349, %and3A_352], %broadcast_in_dim3A_3 masked %eq3A_10 : memref<782x128xf32, #tpu.memory_space<vmem>>[vector<16xi32>, vector<16xi32>], vector<16xf32>, vector<16xi1>
      tpu.vector_store_idx %arg7[%shift_right_logical3A_349, %and3A_352], %broadcast_in_dim3A_3 masked %eq3A_13 : memref<782x128xf32, #tpu.memory_space<vmem>>[vector<16xi32>, vector<16xi32>], vector<16xf32>, vector<16xi1>
      tpu.vector_store_idx %arg7[%shift_right_logical3A_349, %and3A_352], %broadcast_in_dim3A_3 masked %eq3A_16 : memref<782x128xf32, #tpu.memory_space<vmem>>[vector<16xi32>, vector<16xi32>], vector<16xf32>, vector<16xi1>
      tpu.vector_store_idx %arg7[%shift_right_logical3A_349, %and3A_352], %broadcast_in_dim3A_3 masked %eq3A_19 : memref<782x128xf32, #tpu.memory_space<vmem>>[vector<16xi32>, vector<16xi32>], vector<16xf32>, vector<16xi1>
      tpu.vector_store_idx %arg7[%shift_right_logical3A_349, %and3A_352], %broadcast_in_dim3A_3 masked %eq3A_22 : memref<782x128xf32, #tpu.memory_space<vmem>>[vector<16xi32>, vector<16xi32>], vector<16xf32>, vector<16xi1>
      tpu.vector_store_idx %arg7[%shift_right_logical3A_349, %and3A_352], %broadcast_in_dim3A_3 masked %eq3A_25 : memref<782x128xf32, #tpu.memory_space<vmem>>[vector<16xi32>, vector<16xi32>], vector<16xf32>, vector<16xi1>
      tpu.vector_store_idx %arg7[%shift_right_logical3A_349, %and3A_352], %broadcast_in_dim3A_3 masked %eq3A_28 : memref<782x128xf32, #tpu.memory_space<vmem>>[vector<16xi32>, vector<16xi32>], vector<16xf32>, vector<16xi1>
      tpu.vector_store_idx %arg7[%shift_right_logical3A_349, %and3A_352], %broadcast_in_dim3A_3 masked %eq3A_31 : memref<782x128xf32, #tpu.memory_space<vmem>>[vector<16xi32>, vector<16xi32>], vector<16xf32>, vector<16xi1>
      tpu.vector_store_idx %arg7[%shift_right_logical3A_349, %and3A_352], %broadcast_in_dim3A_3 masked %eq3A_34 : memref<782x128xf32, #tpu.memory_space<vmem>>[vector<16xi32>, vector<16xi32>], vector<16xf32>, vector<16xi1>
      tpu.vector_store_idx %arg7[%shift_right_logical3A_349, %and3A_352], %broadcast_in_dim3A_3 masked %eq3A_37 : memref<782x128xf32, #tpu.memory_space<vmem>>[vector<16xi32>, vector<16xi32>], vector<16xf32>, vector<16xi1>
      tpu.vector_store_idx %arg7[%shift_right_logical3A_349, %and3A_352], %broadcast_in_dim3A_3 masked %eq3A_40 : memref<782x128xf32, #tpu.memory_space<vmem>>[vector<16xi32>, vector<16xi32>], vector<16xf32>, vector<16xi1>
      tpu.vector_store_idx %arg7[%shift_right_logical3A_349, %and3A_352], %broadcast_in_dim3A_3 masked %eq3A_43 : memref<782x128xf32, #tpu.memory_space<vmem>>[vector<16xi32>, vector<16xi32>], vector<16xf32>, vector<16xi1>
      tpu.vector_store_idx %arg7[%shift_right_logical3A_349, %and3A_352], %broadcast_in_dim3A_3 masked %eq3A_46 : memref<782x128xf32, #tpu.memory_space<vmem>>[vector<16xi32>, vector<16xi32>], vector<16xf32>, vector<16xi1>
      tpu.vector_store_idx %arg7[%shift_right_logical3A_349, %and3A_352], %broadcast_in_dim3A_3 masked %eq3A_49 : memref<782x128xf32, #tpu.memory_space<vmem>>[vector<16xi32>, vector<16xi32>], vector<16xf32>, vector<16xi1>
      tpu.vector_store_idx %arg7[%shift_right_logical3A_349, %and3A_352], %broadcast_in_dim3A_3 masked %eq3A_52 : memref<782x128xf32, #tpu.memory_space<vmem>>[vector<16xi32>, vector<16xi32>], vector<16xf32>, vector<16xi1>
      tpu.vector_store_idx %arg7[%shift_right_logical3A_349, %and3A_352], %broadcast_in_dim3A_3 masked %eq3A_55 : memref<782x128xf32, #tpu.memory_space<vmem>>[vector<16xi32>, vector<16xi32>], vector<16xf32>, vector<16xi1>
      %get3A_353 = arith.constant 192 : index
      %get3A_354 = tpu.vector_load %arg5[%get3A_353] {strides = array<i32>} : memref<256xi32, #tpu.memory_space<vmem>>, vector<16xi32>,
      %shift_right_logical3A_355 = arith.constant 7 : i32
      %shift_right_logical3A_356 = vector.broadcast %shift_right_logical3A_355 : i32 to vector<16xi32>
      %shift_right_logical3A_357 = arith.shrui %get3A_354, %shift_right_logical3A_356 : vector<16xi32>
      %and3A_358 = arith.constant 127 : i32
      %and3A_359 = vector.broadcast %and3A_358 : i32 to vector<16xi32>
      %and3A_360 = arith.andi %get3A_354, %and3A_359 : vector<16xi32>
      tpu.vector_store_idx %arg7[%shift_right_logical3A_357, %and3A_360], %broadcast_in_dim3A_3 masked %eq3A_10 : memref<782x128xf32, #tpu.memory_space<vmem>>[vector<16xi32>, vector<16xi32>], vector<16xf32>, vector<16xi1>
      tpu.vector_store_idx %arg7[%shift_right_logical3A_357, %and3A_360], %broadcast_in_dim3A_3 masked %eq3A_13 : memref<782x128xf32, #tpu.memory_space<vmem>>[vector<16xi32>, vector<16xi32>], vector<16xf32>, vector<16xi1>
      tpu.vector_store_idx %arg7[%shift_right_logical3A_357, %and3A_360], %broadcast_in_dim3A_3 masked %eq3A_16 : memref<782x128xf32, #tpu.memory_space<vmem>>[vector<16xi32>, vector<16xi32>], vector<16xf32>, vector<16xi1>
      tpu.vector_store_idx %arg7[%shift_right_logical3A_357, %and3A_360], %broadcast_in_dim3A_3 masked %eq3A_19 : memref<782x128xf32, #tpu.memory_space<vmem>>[vector<16xi32>, vector<16xi32>], vector<16xf32>, vector<16xi1>
      tpu.vector_store_idx %arg7[%shift_right_logical3A_357, %and3A_360], %broadcast_in_dim3A_3 masked %eq3A_22 : memref<782x128xf32, #tpu.memory_space<vmem>>[vector<16xi32>, vector<16xi32>], vector<16xf32>, vector<16xi1>
      tpu.vector_store_idx %arg7[%shift_right_logical3A_357, %and3A_360], %broadcast_in_dim3A_3 masked %eq3A_25 : memref<782x128xf32, #tpu.memory_space<vmem>>[vector<16xi32>, vector<16xi32>], vector<16xf32>, vector<16xi1>
      tpu.vector_store_idx %arg7[%shift_right_logical3A_357, %and3A_360], %broadcast_in_dim3A_3 masked %eq3A_28 : memref<782x128xf32, #tpu.memory_space<vmem>>[vector<16xi32>, vector<16xi32>], vector<16xf32>, vector<16xi1>
      tpu.vector_store_idx %arg7[%shift_right_logical3A_357, %and3A_360], %broadcast_in_dim3A_3 masked %eq3A_31 : memref<782x128xf32, #tpu.memory_space<vmem>>[vector<16xi32>, vector<16xi32>], vector<16xf32>, vector<16xi1>
      tpu.vector_store_idx %arg7[%shift_right_logical3A_357, %and3A_360], %broadcast_in_dim3A_3 masked %eq3A_34 : memref<782x128xf32, #tpu.memory_space<vmem>>[vector<16xi32>, vector<16xi32>], vector<16xf32>, vector<16xi1>
      tpu.vector_store_idx %arg7[%shift_right_logical3A_357, %and3A_360], %broadcast_in_dim3A_3 masked %eq3A_37 : memref<782x128xf32, #tpu.memory_space<vmem>>[vector<16xi32>, vector<16xi32>], vector<16xf32>, vector<16xi1>
      tpu.vector_store_idx %arg7[%shift_right_logical3A_357, %and3A_360], %broadcast_in_dim3A_3 masked %eq3A_40 : memref<782x128xf32, #tpu.memory_space<vmem>>[vector<16xi32>, vector<16xi32>], vector<16xf32>, vector<16xi1>
      tpu.vector_store_idx %arg7[%shift_right_logical3A_357, %and3A_360], %broadcast_in_dim3A_3 masked %eq3A_43 : memref<782x128xf32, #tpu.memory_space<vmem>>[vector<16xi32>, vector<16xi32>], vector<16xf32>, vector<16xi1>
      tpu.vector_store_idx %arg7[%shift_right_logical3A_357, %and3A_360], %broadcast_in_dim3A_3 masked %eq3A_46 : memref<782x128xf32, #tpu.memory_space<vmem>>[vector<16xi32>, vector<16xi32>], vector<16xf32>, vector<16xi1>
      tpu.vector_store_idx %arg7[%shift_right_logical3A_357, %and3A_360], %broadcast_in_dim3A_3 masked %eq3A_49 : memref<782x128xf32, #tpu.memory_space<vmem>>[vector<16xi32>, vector<16xi32>], vector<16xf32>, vector<16xi1>
      tpu.vector_store_idx %arg7[%shift_right_logical3A_357, %and3A_360], %broadcast_in_dim3A_3 masked %eq3A_52 : memref<782x128xf32, #tpu.memory_space<vmem>>[vector<16xi32>, vector<16xi32>], vector<16xf32>, vector<16xi1>
      tpu.vector_store_idx %arg7[%shift_right_logical3A_357, %and3A_360], %broadcast_in_dim3A_3 masked %eq3A_55 : memref<782x128xf32, #tpu.memory_space<vmem>>[vector<16xi32>, vector<16xi32>], vector<16xf32>, vector<16xi1>
      %get3A_361 = arith.constant 208 : index
      %get3A_362 = tpu.vector_load %arg5[%get3A_361] {strides = array<i32>} : memref<256xi32, #tpu.memory_space<vmem>>, vector<16xi32>,
      %shift_right_logical3A_363 = arith.constant 7 : i32
      %shift_right_logical3A_364 = vector.broadcast %shift_right_logical3A_363 : i32 to vector<16xi32>
      %shift_right_logical3A_365 = arith.shrui %get3A_362, %shift_right_logical3A_364 : vector<16xi32>
      %and3A_366 = arith.constant 127 : i32
      %and3A_367 = vector.broadcast %and3A_366 : i32 to vector<16xi32>
      %and3A_368 = arith.andi %get3A_362, %and3A_367 : vector<16xi32>
      tpu.vector_store_idx %arg7[%shift_right_logical3A_365, %and3A_368], %broadcast_in_dim3A_3 masked %eq3A_10 : memref<782x128xf32, #tpu.memory_space<vmem>>[vector<16xi32>, vector<16xi32>], vector<16xf32>, vector<16xi1>
      tpu.vector_store_idx %arg7[%shift_right_logical3A_365, %and3A_368], %broadcast_in_dim3A_3 masked %eq3A_13 : memref<782x128xf32, #tpu.memory_space<vmem>>[vector<16xi32>, vector<16xi32>], vector<16xf32>, vector<16xi1>
      tpu.vector_store_idx %arg7[%shift_right_logical3A_365, %and3A_368], %broadcast_in_dim3A_3 masked %eq3A_16 : memref<782x128xf32, #tpu.memory_space<vmem>>[vector<16xi32>, vector<16xi32>], vector<16xf32>, vector<16xi1>
      tpu.vector_store_idx %arg7[%shift_right_logical3A_365, %and3A_368], %broadcast_in_dim3A_3 masked %eq3A_19 : memref<782x128xf32, #tpu.memory_space<vmem>>[vector<16xi32>, vector<16xi32>], vector<16xf32>, vector<16xi1>
      tpu.vector_store_idx %arg7[%shift_right_logical3A_365, %and3A_368], %broadcast_in_dim3A_3 masked %eq3A_22 : memref<782x128xf32, #tpu.memory_space<vmem>>[vector<16xi32>, vector<16xi32>], vector<16xf32>, vector<16xi1>
      tpu.vector_store_idx %arg7[%shift_right_logical3A_365, %and3A_368], %broadcast_in_dim3A_3 masked %eq3A_25 : memref<782x128xf32, #tpu.memory_space<vmem>>[vector<16xi32>, vector<16xi32>], vector<16xf32>, vector<16xi1>
      tpu.vector_store_idx %arg7[%shift_right_logical3A_365, %and3A_368], %broadcast_in_dim3A_3 masked %eq3A_28 : memref<782x128xf32, #tpu.memory_space<vmem>>[vector<16xi32>, vector<16xi32>], vector<16xf32>, vector<16xi1>
      tpu.vector_store_idx %arg7[%shift_right_logical3A_365, %and3A_368], %broadcast_in_dim3A_3 masked %eq3A_31 : memref<782x128xf32, #tpu.memory_space<vmem>>[vector<16xi32>, vector<16xi32>], vector<16xf32>, vector<16xi1>
      tpu.vector_store_idx %arg7[%shift_right_logical3A_365, %and3A_368], %broadcast_in_dim3A_3 masked %eq3A_34 : memref<782x128xf32, #tpu.memory_space<vmem>>[vector<16xi32>, vector<16xi32>], vector<16xf32>, vector<16xi1>
      tpu.vector_store_idx %arg7[%shift_right_logical3A_365, %and3A_368], %broadcast_in_dim3A_3 masked %eq3A_37 : memref<782x128xf32, #tpu.memory_space<vmem>>[vector<16xi32>, vector<16xi32>], vector<16xf32>, vector<16xi1>
      tpu.vector_store_idx %arg7[%shift_right_logical3A_365, %and3A_368], %broadcast_in_dim3A_3 masked %eq3A_40 : memref<782x128xf32, #tpu.memory_space<vmem>>[vector<16xi32>, vector<16xi32>], vector<16xf32>, vector<16xi1>
      tpu.vector_store_idx %arg7[%shift_right_logical3A_365, %and3A_368], %broadcast_in_dim3A_3 masked %eq3A_43 : memref<782x128xf32, #tpu.memory_space<vmem>>[vector<16xi32>, vector<16xi32>], vector<16xf32>, vector<16xi1>
      tpu.vector_store_idx %arg7[%shift_right_logical3A_365, %and3A_368], %broadcast_in_dim3A_3 masked %eq3A_46 : memref<782x128xf32, #tpu.memory_space<vmem>>[vector<16xi32>, vector<16xi32>], vector<16xf32>, vector<16xi1>
      tpu.vector_store_idx %arg7[%shift_right_logical3A_365, %and3A_368], %broadcast_in_dim3A_3 masked %eq3A_49 : memref<782x128xf32, #tpu.memory_space<vmem>>[vector<16xi32>, vector<16xi32>], vector<16xf32>, vector<16xi1>
      tpu.vector_store_idx %arg7[%shift_right_logical3A_365, %and3A_368], %broadcast_in_dim3A_3 masked %eq3A_52 : memref<782x128xf32, #tpu.memory_space<vmem>>[vector<16xi32>, vector<16xi32>], vector<16xf32>, vector<16xi1>
      tpu.vector_store_idx %arg7[%shift_right_logical3A_365, %and3A_368], %broadcast_in_dim3A_3 masked %eq3A_55 : memref<782x128xf32, #tpu.memory_space<vmem>>[vector<16xi32>, vector<16xi32>], vector<16xf32>, vector<16xi1>
      %get3A_369 = arith.constant 224 : index
      %get3A_370 = tpu.vector_load %arg5[%get3A_369] {strides = array<i32>} : memref<256xi32, #tpu.memory_space<vmem>>, vector<16xi32>,
      %shift_right_logical3A_371 = arith.constant 7 : i32
      %shift_right_logical3A_372 = vector.broadcast %shift_right_logical3A_371 : i32 to vector<16xi32>
      %shift_right_logical3A_373 = arith.shrui %get3A_370, %shift_right_logical3A_372 : vector<16xi32>
      %and3A_374 = arith.constant 127 : i32
      %and3A_375 = vector.broadcast %and3A_374 : i32 to vector<16xi32>
      %and3A_376 = arith.andi %get3A_370, %and3A_375 : vector<16xi32>
      tpu.vector_store_idx %arg7[%shift_right_logical3A_373, %and3A_376], %broadcast_in_dim3A_3 masked %eq3A_10 : memref<782x128xf32, #tpu.memory_space<vmem>>[vector<16xi32>, vector<16xi32>], vector<16xf32>, vector<16xi1>
      tpu.vector_store_idx %arg7[%shift_right_logical3A_373, %and3A_376], %broadcast_in_dim3A_3 masked %eq3A_13 : memref<782x128xf32, #tpu.memory_space<vmem>>[vector<16xi32>, vector<16xi32>], vector<16xf32>, vector<16xi1>
      tpu.vector_store_idx %arg7[%shift_right_logical3A_373, %and3A_376], %broadcast_in_dim3A_3 masked %eq3A_16 : memref<782x128xf32, #tpu.memory_space<vmem>>[vector<16xi32>, vector<16xi32>], vector<16xf32>, vector<16xi1>
      tpu.vector_store_idx %arg7[%shift_right_logical3A_373, %and3A_376], %broadcast_in_dim3A_3 masked %eq3A_19 : memref<782x128xf32, #tpu.memory_space<vmem>>[vector<16xi32>, vector<16xi32>], vector<16xf32>, vector<16xi1>
      tpu.vector_store_idx %arg7[%shift_right_logical3A_373, %and3A_376], %broadcast_in_dim3A_3 masked %eq3A_22 : memref<782x128xf32, #tpu.memory_space<vmem>>[vector<16xi32>, vector<16xi32>], vector<16xf32>, vector<16xi1>
      tpu.vector_store_idx %arg7[%shift_right_logical3A_373, %and3A_376], %broadcast_in_dim3A_3 masked %eq3A_25 : memref<782x128xf32, #tpu.memory_space<vmem>>[vector<16xi32>, vector<16xi32>], vector<16xf32>, vector<16xi1>
      tpu.vector_store_idx %arg7[%shift_right_logical3A_373, %and3A_376], %broadcast_in_dim3A_3 masked %eq3A_28 : memref<782x128xf32, #tpu.memory_space<vmem>>[vector<16xi32>, vector<16xi32>], vector<16xf32>, vector<16xi1>
      tpu.vector_store_idx %arg7[%shift_right_logical3A_373, %and3A_376], %broadcast_in_dim3A_3 masked %eq3A_31 : memref<782x128xf32, #tpu.memory_space<vmem>>[vector<16xi32>, vector<16xi32>], vector<16xf32>, vector<16xi1>
      tpu.vector_store_idx %arg7[%shift_right_logical3A_373, %and3A_376], %broadcast_in_dim3A_3 masked %eq3A_34 : memref<782x128xf32, #tpu.memory_space<vmem>>[vector<16xi32>, vector<16xi32>], vector<16xf32>, vector<16xi1>
      tpu.vector_store_idx %arg7[%shift_right_logical3A_373, %and3A_376], %broadcast_in_dim3A_3 masked %eq3A_37 : memref<782x128xf32, #tpu.memory_space<vmem>>[vector<16xi32>, vector<16xi32>], vector<16xf32>, vector<16xi1>
      tpu.vector_store_idx %arg7[%shift_right_logical3A_373, %and3A_376], %broadcast_in_dim3A_3 masked %eq3A_40 : memref<782x128xf32, #tpu.memory_space<vmem>>[vector<16xi32>, vector<16xi32>], vector<16xf32>, vector<16xi1>
      tpu.vector_store_idx %arg7[%shift_right_logical3A_373, %and3A_376], %broadcast_in_dim3A_3 masked %eq3A_43 : memref<782x128xf32, #tpu.memory_space<vmem>>[vector<16xi32>, vector<16xi32>], vector<16xf32>, vector<16xi1>
      tpu.vector_store_idx %arg7[%shift_right_logical3A_373, %and3A_376], %broadcast_in_dim3A_3 masked %eq3A_46 : memref<782x128xf32, #tpu.memory_space<vmem>>[vector<16xi32>, vector<16xi32>], vector<16xf32>, vector<16xi1>
      tpu.vector_store_idx %arg7[%shift_right_logical3A_373, %and3A_376], %broadcast_in_dim3A_3 masked %eq3A_49 : memref<782x128xf32, #tpu.memory_space<vmem>>[vector<16xi32>, vector<16xi32>], vector<16xf32>, vector<16xi1>
      tpu.vector_store_idx %arg7[%shift_right_logical3A_373, %and3A_376], %broadcast_in_dim3A_3 masked %eq3A_52 : memref<782x128xf32, #tpu.memory_space<vmem>>[vector<16xi32>, vector<16xi32>], vector<16xf32>, vector<16xi1>
      tpu.vector_store_idx %arg7[%shift_right_logical3A_373, %and3A_376], %broadcast_in_dim3A_3 masked %eq3A_55 : memref<782x128xf32, #tpu.memory_space<vmem>>[vector<16xi32>, vector<16xi32>], vector<16xf32>, vector<16xi1>
      %get3A_377 = arith.constant 240 : index
      %get3A_378 = tpu.vector_load %arg5[%get3A_377] {strides = array<i32>} : memref<256xi32, #tpu.memory_space<vmem>>, vector<16xi32>,
      %shift_right_logical3A_379 = arith.constant 7 : i32
      %shift_right_logical3A_380 = vector.broadcast %shift_right_logical3A_379 : i32 to vector<16xi32>
      %shift_right_logical3A_381 = arith.shrui %get3A_378, %shift_right_logical3A_380 : vector<16xi32>
      %and3A_382 = arith.constant 127 : i32
      %and3A_383 = vector.broadcast %and3A_382 : i32 to vector<16xi32>
      %and3A_384 = arith.andi %get3A_378, %and3A_383 : vector<16xi32>
      tpu.vector_store_idx %arg7[%shift_right_logical3A_381, %and3A_384], %broadcast_in_dim3A_3 masked %eq3A_10 : memref<782x128xf32, #tpu.memory_space<vmem>>[vector<16xi32>, vector<16xi32>], vector<16xf32>, vector<16xi1>
      tpu.vector_store_idx %arg7[%shift_right_logical3A_381, %and3A_384], %broadcast_in_dim3A_3 masked %eq3A_13 : memref<782x128xf32, #tpu.memory_space<vmem>>[vector<16xi32>, vector<16xi32>], vector<16xf32>, vector<16xi1>
      tpu.vector_store_idx %arg7[%shift_right_logical3A_381, %and3A_384], %broadcast_in_dim3A_3 masked %eq3A_16 : memref<782x128xf32, #tpu.memory_space<vmem>>[vector<16xi32>, vector<16xi32>], vector<16xf32>, vector<16xi1>
      tpu.vector_store_idx %arg7[%shift_right_logical3A_381, %and3A_384], %broadcast_in_dim3A_3 masked %eq3A_19 : memref<782x128xf32, #tpu.memory_space<vmem>>[vector<16xi32>, vector<16xi32>], vector<16xf32>, vector<16xi1>
      tpu.vector_store_idx %arg7[%shift_right_logical3A_381, %and3A_384], %broadcast_in_dim3A_3 masked %eq3A_22 : memref<782x128xf32, #tpu.memory_space<vmem>>[vector<16xi32>, vector<16xi32>], vector<16xf32>, vector<16xi1>
      tpu.vector_store_idx %arg7[%shift_right_logical3A_381, %and3A_384], %broadcast_in_dim3A_3 masked %eq3A_25 : memref<782x128xf32, #tpu.memory_space<vmem>>[vector<16xi32>, vector<16xi32>], vector<16xf32>, vector<16xi1>
      tpu.vector_store_idx %arg7[%shift_right_logical3A_381, %and3A_384], %broadcast_in_dim3A_3 masked %eq3A_28 : memref<782x128xf32, #tpu.memory_space<vmem>>[vector<16xi32>, vector<16xi32>], vector<16xf32>, vector<16xi1>
      tpu.vector_store_idx %arg7[%shift_right_logical3A_381, %and3A_384], %broadcast_in_dim3A_3 masked %eq3A_31 : memref<782x128xf32, #tpu.memory_space<vmem>>[vector<16xi32>, vector<16xi32>], vector<16xf32>, vector<16xi1>
      tpu.vector_store_idx %arg7[%shift_right_logical3A_381, %and3A_384], %broadcast_in_dim3A_3 masked %eq3A_34 : memref<782x128xf32, #tpu.memory_space<vmem>>[vector<16xi32>, vector<16xi32>], vector<16xf32>, vector<16xi1>
      tpu.vector_store_idx %arg7[%shift_right_logical3A_381, %and3A_384], %broadcast_in_dim3A_3 masked %eq3A_37 : memref<782x128xf32, #tpu.memory_space<vmem>>[vector<16xi32>, vector<16xi32>], vector<16xf32>, vector<16xi1>
      tpu.vector_store_idx %arg7[%shift_right_logical3A_381, %and3A_384], %broadcast_in_dim3A_3 masked %eq3A_40 : memref<782x128xf32, #tpu.memory_space<vmem>>[vector<16xi32>, vector<16xi32>], vector<16xf32>, vector<16xi1>
      tpu.vector_store_idx %arg7[%shift_right_logical3A_381, %and3A_384], %broadcast_in_dim3A_3 masked %eq3A_43 : memref<782x128xf32, #tpu.memory_space<vmem>>[vector<16xi32>, vector<16xi32>], vector<16xf32>, vector<16xi1>
      tpu.vector_store_idx %arg7[%shift_right_logical3A_381, %and3A_384], %broadcast_in_dim3A_3 masked %eq3A_46 : memref<782x128xf32, #tpu.memory_space<vmem>>[vector<16xi32>, vector<16xi32>], vector<16xf32>, vector<16xi1>
      tpu.vector_store_idx %arg7[%shift_right_logical3A_381, %and3A_384], %broadcast_in_dim3A_3 masked %eq3A_49 : memref<782x128xf32, #tpu.memory_space<vmem>>[vector<16xi32>, vector<16xi32>], vector<16xf32>, vector<16xi1>
      tpu.vector_store_idx %arg7[%shift_right_logical3A_381, %and3A_384], %broadcast_in_dim3A_3 masked %eq3A_52 : memref<782x128xf32, #tpu.memory_space<vmem>>[vector<16xi32>, vector<16xi32>], vector<16xf32>, vector<16xi1>
      tpu.vector_store_idx %arg7[%shift_right_logical3A_381, %and3A_384], %broadcast_in_dim3A_3 masked %eq3A_55 : memref<782x128xf32, #tpu.memory_space<vmem>>[vector<16xi32>, vector<16xi32>], vector<16xf32>, vector<16xi1>
    }
    %scan3A_61 = arith.constant 32 : i32
    return
  }
}

module attributes {stable_mosaic.version = 14 : i64} {
  func.func @_attn_body(%arg0: i32, %arg1: memref<128x128xf32, #tpu.memory_space<vmem>>, %arg2: memref<128x200x128xf32, #tpu.memory_space<vmem>>, %arg3: memref<128xf32, #tpu.memory_space<vmem>>, %arg4: memref<128x200xf32, #tpu.memory_space<vmem>>, %arg5: memref<128x128xf32, #tpu.memory_space<vmem>>, %arg6: memref<128x128xf32, #tpu.memory_space<vmem>>, %arg7: memref<128x200xf32, #tpu.memory_space<vmem>>) attributes {dimension_semantics = [#tpu.dimension_semantics<arbitrary>], iteration_bounds = array<i64: 8>, scalar_prefetch = 0 : i64, scratch_operands = 0 : i64, tpu.core_type = #tpu.core_type<tc>, window_params = [{transform_indices = @transform_0, window_bounds = array<i64: 128, 128>}, {transform_indices = @transform_1, window_bounds = array<i64: 128, 200, 128>}, {transform_indices = @transform_2, window_bounds = array<i64: 128>}, {transform_indices = @transform_3, window_bounds = array<i64: 128, 200>}, {pipeline_mode = #tpu.pipeline_mode<synchronous>, transform_indices = @transform_4, window_bounds = array<i64: 128, 128>}, {pipeline_mode = #tpu.pipeline_mode<synchronous>, transform_indices = @transform_5, window_bounds = array<i64: 128, 128>}, {transform_indices = @transform_6, window_bounds = array<i64: 128, 200>}]} {
    %get3A = arith.constant 0 : index
    %get3A_0 = arith.constant 0 : index
    %get3A_1 = vector.load %arg1[%get3A, %get3A_0] : memref<128x128xf32, #tpu.memory_space<vmem>>, vector<128x128xf32>
    %get3A_2 = arith.constant 0 : index
    %get3A_3 = arith.constant 0 : index
    %get3A_4 = vector.load %arg5[%get3A_2, %get3A_3] : memref<128x128xf32, #tpu.memory_space<vmem>>, vector<128x128xf32>
    %get3A_5 = arith.constant 0 : index
    %get3A_6 = arith.constant 0 : index
    %get3A_7 = vector.load %arg6[%get3A_5, %get3A_6] : memref<128x128xf32, #tpu.memory_space<vmem>>, vector<128x128xf32>
    %dot_general3A = arith.constant dense<0.000000e+00> : vector<128x128xf32>
    %dot_general3A_8 = tpu.matmul %get3A_1, %get3A_4, %dot_general3A {dimension_numbers = #tpu.dot_dimension_numbers<[1], [1], [0], [0], [0, 0, 1, 0], [], []>, transpose_lhs_hint = false} : vector<128x128xf32>, vector<128x128xf32>, vector<128x128xf32> -> vector<128x128xf32>
    %dot_general3A_9 = arith.constant dense<0.000000e+00> : vector<128x128xf32>
    %dot_general3A_10 = tpu.matmul %dot_general3A_8, %get3A_7, %dot_general3A_9 {dimension_numbers = #tpu.dot_dimension_numbers<[1], [0], [0], [1], [0, 0, 1, 1], [], []>, transpose_lhs_hint = false} : vector<128x128xf32>, vector<128x128xf32>, vector<128x128xf32> -> vector<128x128xf32>
    %get3A_11 = arith.constant 0 : index
    %get3A_12 = arith.constant 0 : index
    %get3A_13 = arith.constant 0 : index
    %get3A_14 = vector.load %arg2[%get3A_11, %get3A_12, %get3A_13] : memref<128x200x128xf32, #tpu.memory_space<vmem>>, vector<128x200x128xf32>
    %broadcast_in_dim3A = vector.shape_cast %dot_general3A_10 : vector<128x128xf32> to vector<128x1x128xf32>
    %mul3A = vector.broadcast %broadcast_in_dim3A : vector<128x1x128xf32> to vector<128x200x128xf32>
    %mul3A_15 = arith.mulf %get3A_14, %mul3A : vector<128x200x128xf32>
    %reduce_sum3A = arith.constant dense<0.000000e+00> : vector<128x200xf32>
    %reduce_sum3A_16 = vector.multi_reduction <add>, %mul3A_15, %reduce_sum3A [2] : vector<128x200x128xf32> to vector<128x200xf32>
    %mul3A_17 = arith.constant 0.0883883461 : f32
    %mul3A_18 = vector.broadcast %mul3A_17 : f32 to vector<128x200xf32>
    %mul3A_19 = arith.mulf %reduce_sum3A_16, %mul3A_18 : vector<128x200xf32>
    %get3A_20 = arith.constant 0 : index
    %get3A_21 = vector.load %arg3[%get3A_20] : memref<128xf32, #tpu.memory_space<vmem>>, vector<128xf32>
    %broadcast_in_dim3A_22 = vector.shape_cast %get3A_21 : vector<128xf32> to vector<128x1xf32>
    %get3A_23 = arith.constant 0 : index
    %get3A_24 = arith.constant 0 : index
    %get3A_25 = vector.load %arg4[%get3A_23, %get3A_24] : memref<128x200xf32, #tpu.memory_space<vmem>>, vector<128x200xf32>
    %mul3A_26 = vector.broadcast %broadcast_in_dim3A_22 : vector<128x1xf32> to vector<128x200xf32>
    %mul3A_27 = arith.mulf %mul3A_26, %get3A_25 : vector<128x200xf32>
    %gt3A = arith.constant 0.000000e+00 : f32
    %gt3A_28 = vector.broadcast %gt3A : f32 to vector<128x200xf32>
    %gt3A_29 = arith.cmpf ogt, %mul3A_27, %gt3A_28 : vector<128x200xf32>
    %jit3A = arith.constant -1.000000e+09 : f32
    %broadcast_in_dim3A_30 = vector.broadcast %jit3A : f32 to vector<128x200xf32>
    %select_n3A = arith.select %gt3A_29, %mul3A_19, %broadcast_in_dim3A_30 : vector<128x200xi1>, vector<128x200xf32>
    %reduce_max3A = arith.constant dense<0xFF800000> : vector<128xf32>
    %reduce_max3A_31 = vector.multi_reduction <maximumf>, %select_n3A, %reduce_max3A [1] : vector<128x200xf32> to vector<128xf32>
    %broadcast_in_dim3A_32 = vector.shape_cast %reduce_max3A_31 : vector<128xf32> to vector<128x1xf32>
    %sub3A = vector.broadcast %broadcast_in_dim3A_32 : vector<128x1xf32> to vector<128x200xf32>
    %sub3A_33 = arith.subf %select_n3A, %sub3A : vector<128x200xf32>
    %exp3A = math.exp %sub3A_33 : vector<128x200xf32>
    %reduce_sum3A_34 = arith.constant dense<0.000000e+00> : vector<128xf32>
    %reduce_sum3A_35 = vector.multi_reduction <add>, %exp3A, %reduce_sum3A_34 [1] : vector<128x200xf32> to vector<128xf32>
    %broadcast_in_dim3A_36 = vector.shape_cast %reduce_sum3A_35 : vector<128xf32> to vector<128x1xf32>
    %div3A = vector.broadcast %broadcast_in_dim3A_36 : vector<128x1xf32> to vector<128x200xf32>
    %div3A_37 = arith.divf %exp3A, %div3A : vector<128x200xf32>
    %mul3A_38 = arith.mulf %div3A_37, %mul3A_27 : vector<128x200xf32>
    %swap3A = arith.constant 0 : index
    %swap3A_39 = arith.constant 0 : index
    %swap3A_40 = vector.load %arg7[%swap3A, %swap3A_39] : memref<128x200xf32, #tpu.memory_space<vmem>>, vector<128x200xf32>
    tpu.vector_store %arg7[%swap3A, %swap3A_39], %mul3A_38 {strides = array<i32>} : memref<128x200xf32, #tpu.memory_space<vmem>>, vector<128x200xf32>,
    return
  }
  func.func @transform_0(%arg0: i32) -> (i32, i32) {
    %c0_i32 = arith.constant 0 : i32
    %c0_i32_0 = arith.constant 0 : i32
    return %arg0, %c0_i32 : i32, i32
  }
  func.func @transform_1(%arg0: i32) -> (i32, i32, i32) {
    %c0_i32 = arith.constant 0 : i32
    %c0_i32_0 = arith.constant 0 : i32
    %c0_i32_1 = arith.constant 0 : i32
    return %arg0, %c0_i32, %c0_i32_0 : i32, i32, i32
  }
  func.func @transform_2(%arg0: i32) -> i32 {
    %c0_i32 = arith.constant 0 : i32
    return %arg0 : i32
  }
  func.func @transform_3(%arg0: i32) -> (i32, i32) {
    %c0_i32 = arith.constant 0 : i32
    %c0_i32_0 = arith.constant 0 : i32
    return %arg0, %c0_i32 : i32, i32
  }
  func.func @transform_4(%arg0: i32) -> (i32, i32) {
    %c0_i32 = arith.constant 0 : i32
    %c0_i32_0 = arith.constant 0 : i32
    %c0_i32_1 = arith.constant 0 : i32
    return %c0_i32, %c0_i32_0 : i32, i32
  }
  func.func @transform_5(%arg0: i32) -> (i32, i32) {
    %c0_i32 = arith.constant 0 : i32
    %c0_i32_0 = arith.constant 0 : i32
    %c0_i32_1 = arith.constant 0 : i32
    return %c0_i32, %c0_i32_0 : i32, i32
  }
  func.func @transform_6(%arg0: i32) -> (i32, i32) {
    %c0_i32 = arith.constant 0 : i32
    %c0_i32_0 = arith.constant 0 : i32
    return %arg0, %c0_i32 : i32, i32
  }
}

</mosaic_0001>

<sc_bundles>
// kernel: kernel.4.cloned.1.call-start
scs
__scs_entry_jumppad:
0x0: {  	(pc) =	sbr.rel $0x88, $3  }
0x1: {  	(tag) =	ssettag $0x0;
	lr =	simm.s32 $0x1  }
0x2: {  	[smem:$0x3F99] =	sst lr;
	_ =	strace $0xD0000000  }
0x3: {  	_ = 	snop  }
0x4: {  	_ = 	snop  }
0x5: {  	_ = 	snop  }
0x6: {  	_ = 	snop  }
0x7: {  	_ = 	snop  }
__scs_overlays_trampoline_lowered:
0x8: {  	[smem:$0x3FA8] =	sst s0  }
0x9: {  	[smem:$0x3FA9] =	sst s1  }
0xa: {  	[smem:$0x3FAA] =	sst s2  }
0xb: {  	[smem:$0x3FAB] =	sst s3  }
0xc: {  	[smem:$0x3FAC] =	sst s4  }
0xd: {  	[smem:$0x3FAD] =	sst s5  }
0xe: {  	[smem:$0x3FAE] =	sst s6  }
0xf: {  	[smem:$0x3FAF] =	sst s7  }
0x10: {  	[smem:$0x3FB0] =	sst s8  }
0x11: {  	[smem:$0x3FB1] =	sst s9;
	s0 =	simm.s32 @!p0 $0x0  }
0x12: {  	s1 =	sld [smem:$0x3F97];
	s0 =	simm.s32 @p0 $0x1  }
0x13: {  	[smem:$0x3FB2] =	sst s0;
	s0 =	simm.s32 @!p1 $0x0  }
0x14: {  	s2 =	sld [smem:$0x3F96];
	s0 =	simm.s32 @p1 $0x1  }
0x15: {  	[smem:$0x3FB3] =	sst s0;
	s0 =	simm.s32 @!p2 $0x0  }
0x16: {  	s3 =	sld [smem:$0x3FDB];
	s0 =	simm.s32 @p2 $0x1  }
0x17: {  	s4 =	simm.s32 $0x1BF5;
	[smem:$0x3FB5] =	sst s0  }
0x18: {  	s0 =	sld [smem:$0x3F98];
	_ =	swait.ge [sflag:s4], $0x0  }
0x19: {  	s7 =	sld [smem:$0x3F99]  }
0x1a: {  	s8 =	sadd.s32 $0xFFFFE003, lr  }
0x1b: {  	s9 =	sadd.s32 $0xFFFFFEF7, lr;
	s5 =	simm.s32 $0xFFFFFFFF;
	p2 =	slt.u32 s8, $0xFFFFF086  }
0x1c: {  	p1 =	slt.u32 s9, $0xF7A;
	s5 =	simm.s32 @!p2 $0x0  }
0x1d: {  	s5 =	simm.s32 @p1 $0x1;
	p0 =	seq.s32 s7, s2  }
0x1e: {  	s7 =	smul.u32 @!p0 $0xF7A, s2;
	p2 =	seq.s32 @!p0 s5, $0x0  }
0x1f: {  	s9 =	smul.u32 $0xF7A, s1;
	s8 =	simm.s32 @!p0 $0x1BF5;
	p2 =	por !p2, p0  }
0x20: {  	[sflag:s8] =	ssyncset.s32 @!p0 $0xFFFFF086;
	s6 =	sadd.s32 @!p0 s3, s7;
	s7 =	simm.s32 @!p0 $0x108  }
0x21: {  	s3 =	sadd.s32 s3, s9;
	s6 =	sadd.s32 @!p0 $0x88, s6;
	s7 =	simm.s32 @p2 $0x1082  }
0x22: {  	[simem:s7], [sflag:s8] =	dma.local @!p0 [hbm:s6], $0xF7A  }
0x23: {  	s9 =	sor.u32 $0xD0000000, s2;
	s6 =	simm.s32 $0x108;
	_ =	swait.ge @!p0 [sflag:s8], $0x0  }
0x24: {  	s3 =	sadd.s32 $0x88, s3;
	s6 =	simm.s32 @!p1 $0x1082;
	[sflag:s4] =	ssyncset.s32 $0xFFFFF086  }
0x25: {  	[simem:s6], [sflag:s4] =	dma.local [hbm:s3], $0xF7A  }
0x26: {  	[smem:$0x3F99] =	sst s1;
	(tag) =	ssettag s2;
	_ =	strace s9  }
0x27: {  	s1 =	sld [smem:$0x3FA9]  }
0x28: {  	s2 =	sld [smem:$0x3FAA]  }
0x29: {  	s4 =	sld [smem:$0x3FAC]  }
0x2a: {  	p0 =	seq.s32 s5, $0x0;
	s5 =	sld [smem:$0x3FAD]  }
0x2b: {  	s6 =	sld [smem:$0x3FAE]  }
0x2c: {  	s7 =	sld [smem:$0x3FAF]  }
0x2d: {  	s3 =	simm.s32 $0x108;
	s8 =	sld [smem:$0x3FB0]  }
0x2e: {  	s3 =	simm.s32 @!p0 $0x1082;
	s9 =	sld [smem:$0x3FB1]  }
0x2f: {  	lr =	sadd.s32 s0, s3;
	s0 =	sld [smem:$0x3FA8]  }
0x30: {  	s3 =	sld [smem:$0x3FAB]  }
0x31: {  	[smem:$0x3FB4] =	sst s10  }
0x32: {  	s10 =	sld [smem:$0x3FB2];
	_ =	sdelay $0x3  }
0x33: {  	p0 =	seq.s32 s10, $0x1;
	s10 =	sld [smem:$0x3FB4];
	_ =	sdelay $0x3  }
0x34: {  	[smem:$0x3FB4] =	sst s10  }
0x35: {  	s10 =	sld [smem:$0x3FB3];
	_ =	sdelay $0x3  }
0x36: {  	p1 =	seq.s32 s10, $0x1;
	s10 =	sld [smem:$0x3FB4];
	_ =	sdelay $0x3  }
0x37: {  	[smem:$0x3FB4] =	sst s10  }
0x38: {  	s10 =	sld [smem:$0x3FB5]  }
0x39: {  	_ = 	snop;
	(pc) =	sbr.ind lr, $3  }
0x3a: {  	_ = 	snop  }
0x3b: {  	_ = 	snop  }
0x3c: {  	p2 =	seq.s32 s10, $0x1;
	s10 =	sld [smem:$0x3FB4]  }
0x3d: {  	_ =	shalt  }
0x3e: {  	_ =	shalt  }
0x3f: {  	_ =	shalt  }
0x40: {  	_ =	shalt  }
0x41: {  	_ =	shalt  }
0x42: {  	_ =	shalt  }
0x43: {  	_ =	shalt  }
0x44: {  	_ =	shalt  }
0x45: {  	_ =	shalt  }
0x46: {  	_ =	shalt  }
0x47: {  	_ =	shalt  }
0x48: {  	_ =	shalt  }
0x49: {  	_ =	shalt  }
0x4a: {  	_ =	shalt  }
0x4b: {  	_ =	shalt  }
0x4c: {  	_ =	shalt  }
0x4d: {  	_ =	shalt  }
0x4e: {  	_ =	shalt  }
0x4f: {  	_ =	shalt  }
0x50: {  	_ =	shalt  }
0x51: {  	_ =	shalt  }
0x52: {  	_ =	shalt  }
0x53: {  	_ =	shalt  }
0x54: {  	_ =	shalt  }
0x55: {  	_ =	shalt  }
0x56: {  	_ =	shalt  }
0x57: {  	_ =	shalt  }
0x58: {  	_ =	shalt  }
0x59: {  	_ =	shalt  }
0x5a: {  	_ =	shalt  }
0x5b: {  	_ =	shalt  }
0x5c: {  	_ =	shalt  }
0x5d: {  	_ =	shalt  }
0x5e: {  	_ =	shalt  }
0x5f: {  	_ =	shalt  }
0x60: {  	_ =	shalt  }
0x61: {  	_ =	shalt  }
0x62: {  	_ =	shalt  }
0x63: {  	_ =	shalt  }
0x64: {  	_ =	shalt  }
0x65: {  	_ =	shalt  }
0x66: {  	_ =	shalt  }
0x67: {  	_ =	shalt  }
0x68: {  	_ =	shalt  }
0x69: {  	_ =	shalt  }
0x6a: {  	_ =	shalt  }
0x6b: {  	_ =	shalt  }
0x6c: {  	_ =	shalt  }
0x6d: {  	_ =	shalt  }
0x6e: {  	_ =	shalt  }
0x6f: {  	_ =	shalt  }
0x70: {  	_ =	shalt  }
0x71: {  	_ =	shalt  }
0x72: {  	_ =	shalt  }
0x73: {  	_ =	shalt  }
0x74: {  	_ =	shalt  }
0x75: {  	_ =	shalt  }
0x76: {  	_ =	shalt  }
0x77: {  	_ =	shalt  }
0x78: {  	_ =	shalt  }
0x79: {  	_ =	shalt  }
0x7a: {  	_ =	shalt  }
0x7b: {  	_ =	shalt  }
0x7c: {  	_ =	shalt  }
0x7d: {  	_ =	shalt  }
0x7e: {  	_ =	shalt  }
0x7f: {  	_ =	shalt  }
0x80: {  	_ =	shalt  }
0x81: {  	_ =	shalt  }
0x82: {  	_ =	shalt  }
0x83: {  	_ =	shalt  }
0x84: {  	_ =	shalt  }
0x85: {  	_ =	shalt  }
0x86: {  	_ =	shalt  }
0x87: {  	_ =	shalt  }
.Lfunc_end0:
.L_simem_size_0:
called_computation.1_lowered:
.L_overlay_start_0:
0x88: {  	s2 =	sld [smem:$0x3FD9]  }
0x89: {  	s3 =	sld [smem:$0x3FFE];
	_ =	sdelay $0x1  }
0x8a: {  	s1 =	srdreg.scid  }
0x8b: {  	s0 =	sand.u32 $0x1, s1  }
0x8c: {  	s14 =	sshll.u32 s0, $0xA;
	s2 =	sadd.s32 s3, s2  }
0x8d: {  	s2 =	sadd.s32 s2, s14  }
0x8e: {  	[smem:$0x3FC0] =	sst s2  }
0x8f: {  	_ = 	snop  }
0x90: {  	s2 =	sld [smem:$0x3FD0];
	_ =	sdelay $0x2  }
0x91: {  	s15 =	simm.s32 $0xA;
	s4 =	simm.s32 $0x10  }
0x92: {  	[smem:s4], [sflag:s15] =	dma.local [hbm:s2], $0x1  }
0x93: {  	_ =	swait.eq [sflag:s15], $0x1  }
0x94: {  	[sflag:s15] =	ssyncset.done $0x0  }
0x95: {  	[sflag:s15] =	ssyncadd.s32 $0xFFFFFFFF  }
0x96: {  	s16 =	sld [smem:$0x10];
	(tm) =	ssettm $0x1  }
0x97: {  	s17 =	sld [smem:$0x3FFB];
	_ =	sdelay $0x3  }
0x98: {  	_ =	strace s17  }
0x99: {  	s3 =	sld [smem:$0x3FFC];
	_ =	sdelay $0x3  }
0x9a: {  	_ =	strace s3  }
0x9b: {  	s3 =	sld [smem:$0x3FFD];
	_ =	sdelay $0x3  }
0x9c: {  	_ =	strace s3  }
0x9d: {  	_ =	strace $0x8FFFFFFF  }
0x9e: {  	s18 =	sld [smem:$0x3FDB];
	_ =	sdelay $0x1  }
0x9f: {  	s19 =	simm.s32 $_scs_section_size  }
0xa0: {  	s5 =	simm.s32 $_size__tile_overlayer_lowered;
	s6 =	simm.s32 $_tile_overlayer_lowered  }
0xa1: {  	s22 =	simm.s32 $0x1BFF;
	s21 =	sshll.u32 s6, $0x1;
	s3 =	sadd.s32 s19, s18  }
0xa2: {  	s7 =	simm.s32 $0x0;
	s20 =	sshll.u32 s5, $0x1;
	s5 =	sadd.s32 s21, s3  }
0xa3: {  	[timem:s7], [sflag:s22] =	dma.local [hbm:s5], s20  }
0xa4: {  	_ =	swait.ge [sflag:s22], s20  }
0xa5: {  	s4 =	ssub.s32 $0x0, s20;
	[sflag:s22] =	ssyncset.done $0x0  }
0xa6: {  	[sflag:s22] =	ssyncadd.s32 s4;
	_ =	sdelay $0x1  }
0xa7: {  	s23 =	simm.s32 $0x1B8B  }
0xa8: {  	_ =	swait.ge [sflag:s23], $0x1  }
0xa9: {  	[sflag:s23] =	ssyncset.done $0x0  }
0xaa: {  	s25 =	simm.s32 $0x1B8E;
	s24 =	sld [smem:$0x3FFE];
	[sflag:s23] =	ssyncadd.s32 $0xFFFFFFFF  }
0xab: {  	s26 =	simm.s32 $execute0_lowered;
	[smem:$0x3FD2] =	sst s25  }
0xac: {  	s5 =	sshll.u32 s26, $0x1;
	_ =	strace $0x80000046;
	[dreg:$0x1] =	wrdreg $0xFFFFFFFF  }
0xad: {  	s28 =	simm.s32 $_size_execute0_lowered;
	s3 =	sadd.s32 s3, s5;
	[dreg:$0x0] =	wrdreg $0x0  }
0xae: {  	s5 =	sshll.u32 s28, $0x1;
	[dreg:$0x2] =	wrdreg s3  }
0xaf: {  	[dreg:$0x3] =	wrdreg s5  }
0xb0: {  	[dreg:$0x4] =	wrdreg $0xC0  }
0xb1: {  	_ =	task [dreg:s7], $0x5FFFF  }
0xb2: {  	[dreg:$0x1] =	wrdreg $0xFFFFFFFF  }
0xb3: {  	[dreg:$0x0] =	wrdreg $0x60  }
0xb4: {  	[dreg:$0x2] =	wrdreg s16  }
0xb5: {  	[dreg:$0x3] =	wrdreg s24  }
0xb6: {  	[dreg:$0x4] =	wrdreg $0x9  }
0xb7: {  	_ =	task.clear_ibuf [dreg:s7], $0x5FFFF;
	_ =	strace $0x90000046  }
0xb8: {  	s29 =	simm.s32 $0x9;
	_ =	strace $0x80000048  }
0xb9: {  	_ =	swait.ge [sflag:s29], $0x1  }
0xba: {  	[sflag:s29] =	ssyncadd.s32 $0xFFFFFFFF  }
0xbb: {  	_ =	strace $0x90000048  }
0xbc: {  	_ =	sfence  }
0xbd: {  	s30 =	sld [smem:$0x0];
	_ =	sdelay $0x2  }
0xbe: {  	s31 =	sshll.u32 s1, $0xD;
	s1 =	sshrl.u32 s1, $0x2  }
0xbf: {  	s3 =	sand.u32 $0x4000, s31;
	s1 =	sadd.s32 s1, s30  }
0xc0: {  	s0 =	sor.u32 s3, s0;
	s1 =	sshll.u32 s1, $0x11  }
0xc1: {  	s0 =	sor.u32 s1, s0  }
0xc2: {  	s0 =	sadd.s32 $0x8F2B, s0  }
0xc3: {  	[sflag:s0] =	ssyncadd.remote.s32 $0x1  }
0xc4: {  	_ =	sfence.sel $0xFFFF  }
0xc5: {  	[dreg:$0x0] =	wrdreg $0xFFFFFFFF;
	(pc) =	sbr.abs _section_cstart, $3  }
0xc6: {  	[dreg:$0x1] =	wrdreg $0xFFFFFFFF  }
0xc7: {  	_ =	task.clear_ibuf [dreg:s7], $0x2FFFF;
	_ =	strace $0x9FFFFFFF  }
0xc8: {  	(tm) =	ssettm $0x7FFFFFFF  }
0xc9: {  	_ =	shalt  }
tec
execute0_lowered:
.L_overlay_start_1:
0x0: {  	(tag) =	ssettag $0x1  }
0x1: {  	s5 =	rddreg [dreg:$0x0]  }
0x2: {  	s3 =	rddreg [dreg:$0x1];
	s1 =	srdreg.scid  }
0x3: {  	s0 =	rddreg [dreg:$0x2];
	s2 =	simm.s32 $0x0;
	s12 =	simm.s32 $0x400  }
0x4: {  	s13 =	simm.s32 $0x0;
	s4 =	sand.u32 $0x1, s1;
	[smem:$0x7FF] =	sst s2  }
0x5: {  	s1 =	stileid.u32;
	s6 =	ssub.s32 $0x2, s4;
	_ =	strace $0x80000047  }
0x6: {  	v0 =	vimm.f32 $0.0e+00;
	s7 =	sshll.u32 s1, $0xB;
	s30 =	sshll.u32 s1, $0x6;
	s10 =	sshll.u32 s4, $0x5  }
0x7: {  	vm0 =	vcmask $0x704;
	vm1 =	vcmask $0xB08;
	vm2 =	vcmask $0xF0C;
	s11 =	sshll.u32 s4, $0xA;
	s8 =	sshrl.u32 s6, $0x1;
	s9 =	sadd.s32 s7, s3  }
0x8: {  	vm3 =	vcmask $0x1310;
	vm4 =	vcmask $0x1714;
	vm5 =	vcmask $0x1B18;
	s3 =	sadd.s32 $0x11400, s3;
	s7 =	sadd.s32 s7, s5;
	s6 =	ssub.s32 s6, s8  }
0x9: {  	vm6 =	vcmask $0x1F1C;
	vm7 =	vcmask $0x2320;
	vm8 =	vcmask $0x2724;
	s31 =	sadd.s32 s11, s9;
	s8 =	simm.s32 $0x1;
	s9 =	simm.s32 $0x100  }
0xa: {  	vm9 =	vcmask $0x2B28;
	vm10 =	vcmask $0x2F2C;
	vm11 =	vcmask $0x3330;
	s4 =	smax.u32 s6, $0x1;
	s5 =	sadd.s32 $0x9400, s31;
	s6 =	sadd.s32 s11, s7  }
0xb: {  	vm12 =	vcmask $0x3734;
	vm13 =	vcmask $0x3B38;
	vm14 =	vcmask $0x3F3C;
	s7 =	sor.u32 s10, s30;
	s10 =	simm.s32 $0x200;
	s11 =	simm.s32 $0x80  }
.LBB2_1:
0xc: {  	s14 =	simm.s32 $0x0;
	s15 =	simm.s32 $0x200  }
.LBB2_2:
0xd: {  	p0 =	sne.s32 s15, $0x61A00;
	[tilespmem:s14+$0x270] =	vst v0  }
0xe: {  	[tilespmem:s14+$0x200] =	vst v0  }
0xf: {  	[tilespmem:s14+$0x210] =	vst v0  }
.Ltmp0:
0x10: {  	[tilespmem:s14+$0x220] =	vst v0;
	(pc) =	sbr.rel @p0 .LBB2_2-.Ltmp0, $4  }
0x11: {  	[tilespmem:s14+$0x230] =	vst v0  }
0x12: {  	[tilespmem:s14+$0x240] =	vst v0  }
0x13: {  	[tilespmem:s14+$0x250] =	vst v0  }
0x14: {  	[tilespmem:s14+$0x260] =	vst v0;
	s14 =	sshra.s32 s15, $0x2;
	s15 =	sadd.s32 $0x200, s15  }
0x15: {  	[tilespmem:s14+$0x270] =	vst v0  }
0x16: {  	[tilespmem:s14+$0x200] =	vst v0  }
0x17: {  	[tilespmem:s14+$0x210] =	vst v0  }
0x18: {  	[tilespmem:s14+$0x220] =	vst v0  }
0x19: {  	[tilespmem:s14+$0x230] =	vst v0  }
0x1a: {  	[tilespmem:s14+$0x240] =	vst v0  }
0x1b: {  	[tilespmem:s14+$0x250] =	vst v0  }
0x1c: {  	[tilespmem:s14+$0x260] =	vst v0;
	s14 =	simm.s32 $0x0  }
0x1d: {  	s15 =	smov.u32 s6;
	s16 =	smov.u32 s5;
	s17 =	simm.s32 $0x0  }
.LBB2_4:
0x1e: {  	[tilespmem:s2], [sflag:$0x1] =	stream.linear.gather [hbm4b:s15+s2], $0x100, $0x38;
	[tilespmem:$0x18A00] =	vst v63  }
0x1f: {  	_ =	swait.ge [sflag:s8], $0x100  }
0x20: {  	[sflag:s8] =	ssyncset.done $0x0  }
0x21: {  	[sflag:s8] =	ssyncadd.s32 $0xFFFFFF00  }
0x22: {  	[tilespmem:s9], [sflag:$0x1] =	stream.linear.gather [hbm4b:s16+s2], $0x100, $0x38;
	[tilespmem:$0x18A00] =	vst v63  }
0x23: {  	_ =	swait.ge [sflag:s8], $0x100  }
0x24: {  	[sflag:s8] =	ssyncset.done $0x0  }
0x25: {  	[sflag:s8] =	ssyncadd.s32 $0xFFFFFF00  }
0x26: {  	v1 =	vld [tilespmem:$0x0];
	_ =	sdelay $0x2  }
0x27: {  	v2 =	vld [tilespmem:$0x100];
	_ =	sdelay $0x4  }
0x28: {  	[tilespmem:v1+s10+$0x0] =	vst.idx.add.f32.msk $0x1, v2  }
0x29: {  	[tilespmem:v1+s10+$0x0] =	vst.idx.add.f32.msk vm0, v2  }
0x2a: {  	[tilespmem:v1+s10+$0x0] =	vst.idx.add.f32.msk vm1, v2  }
0x2b: {  	[tilespmem:v1+s10+$0x0] =	vst.idx.add.f32.msk vm2, v2  }
0x2c: {  	[tilespmem:v1+s10+$0x0] =	vst.idx.add.f32.msk vm3, v2  }
0x2d: {  	[tilespmem:v1+s10+$0x0] =	vst.idx.add.f32.msk vm4, v2  }
0x2e: {  	[tilespmem:v1+s10+$0x0] =	vst.idx.add.f32.msk vm5, v2  }
0x2f: {  	[tilespmem:v1+s10+$0x0] =	vst.idx.add.f32.msk vm6, v2  }
0x30: {  	[tilespmem:v1+s10+$0x0] =	vst.idx.add.f32.msk vm7, v2  }
0x31: {  	[tilespmem:v1+s10+$0x0] =	vst.idx.add.f32.msk vm8, v2  }
0x32: {  	[tilespmem:v1+s10+$0x0] =	vst.idx.add.f32.msk vm9, v2  }
0x33: {  	[tilespmem:v1+s10+$0x0] =	vst.idx.add.f32.msk vm10, v2  }
0x34: {  	[tilespmem:v1+s10+$0x0] =	vst.idx.add.f32.msk vm11, v2  }
0x35: {  	[tilespmem:v1+s10+$0x0] =	vst.idx.add.f32.msk vm12, v2  }
0x36: {  	[tilespmem:v1+s10+$0x0] =	vst.idx.add.f32.msk vm13, v2  }
0x37: {  	[tilespmem:v1+s10+$0x0] =	vst.idx.add.f32.msk vm14, v2  }
0x38: {  	v1 =	vld [tilespmem:$0x10];
	_ =	sdelay $0x2  }
0x39: {  	v2 =	vld [tilespmem:$0x110];
	_ =	sdelay $0x4  }
0x3a: {  	[tilespmem:v1+s10+$0x0] =	vst.idx.add.f32.msk $0x1, v2  }
0x3b: {  	[tilespmem:v1+s10+$0x0] =	vst.idx.add.f32.msk vm0, v2  }
0x3c: {  	[tilespmem:v1+s10+$0x0] =	vst.idx.add.f32.msk vm1, v2  }
0x3d: {  	[tilespmem:v1+s10+$0x0] =	vst.idx.add.f32.msk vm2, v2  }
0x3e: {  	[tilespmem:v1+s10+$0x0] =	vst.idx.add.f32.msk vm3, v2  }
0x3f: {  	[tilespmem:v1+s10+$0x0] =	vst.idx.add.f32.msk vm4, v2  }
0x40: {  	[tilespmem:v1+s10+$0x0] =	vst.idx.add.f32.msk vm5, v2  }
0x41: {  	[tilespmem:v1+s10+$0x0] =	vst.idx.add.f32.msk vm6, v2  }
0x42: {  	[tilespmem:v1+s10+$0x0] =	vst.idx.add.f32.msk vm7, v2  }
0x43: {  	[tilespmem:v1+s10+$0x0] =	vst.idx.add.f32.msk vm8, v2  }
0x44: {  	[tilespmem:v1+s10+$0x0] =	vst.idx.add.f32.msk vm9, v2  }
0x45: {  	[tilespmem:v1+s10+$0x0] =	vst.idx.add.f32.msk vm10, v2  }
0x46: {  	[tilespmem:v1+s10+$0x0] =	vst.idx.add.f32.msk vm11, v2  }
0x47: {  	[tilespmem:v1+s10+$0x0] =	vst.idx.add.f32.msk vm12, v2  }
0x48: {  	[tilespmem:v1+s10+$0x0] =	vst.idx.add.f32.msk vm13, v2  }
0x49: {  	[tilespmem:v1+s10+$0x0] =	vst.idx.add.f32.msk vm14, v2  }
0x4a: {  	v1 =	vld [tilespmem:$0x20];
	_ =	sdelay $0x2  }
0x4b: {  	v2 =	vld [tilespmem:$0x120];
	_ =	sdelay $0x4  }
0x4c: {  	[tilespmem:v1+s10+$0x0] =	vst.idx.add.f32.msk $0x1, v2  }
0x4d: {  	[tilespmem:v1+s10+$0x0] =	vst.idx.add.f32.msk vm0, v2  }
0x4e: {  	[tilespmem:v1+s10+$0x0] =	vst.idx.add.f32.msk vm1, v2  }
0x4f: {  	[tilespmem:v1+s10+$0x0] =	vst.idx.add.f32.msk vm2, v2  }
0x50: {  	[tilespmem:v1+s10+$0x0] =	vst.idx.add.f32.msk vm3, v2  }
0x51: {  	[tilespmem:v1+s10+$0x0] =	vst.idx.add.f32.msk vm4, v2  }
0x52: {  	[tilespmem:v1+s10+$0x0] =	vst.idx.add.f32.msk vm5, v2  }
0x53: {  	[tilespmem:v1+s10+$0x0] =	vst.idx.add.f32.msk vm6, v2  }
0x54: {  	[tilespmem:v1+s10+$0x0] =	vst.idx.add.f32.msk vm7, v2  }
0x55: {  	[tilespmem:v1+s10+$0x0] =	vst.idx.add.f32.msk vm8, v2  }
0x56: {  	[tilespmem:v1+s10+$0x0] =	vst.idx.add.f32.msk vm9, v2  }
0x57: {  	[tilespmem:v1+s10+$0x0] =	vst.idx.add.f32.msk vm10, v2  }
0x58: {  	[tilespmem:v1+s10+$0x0] =	vst.idx.add.f32.msk vm11, v2  }
0x59: {  	[tilespmem:v1+s10+$0x0] =	vst.idx.add.f32.msk vm12, v2  }
0x5a: {  	[tilespmem:v1+s10+$0x0] =	vst.idx.add.f32.msk vm13, v2  }
0x5b: {  	[tilespmem:v1+s10+$0x0] =	vst.idx.add.f32.msk vm14, v2  }
0x5c: {  	v1 =	vld [tilespmem:$0x30];
	_ =	sdelay $0x2  }
0x5d: {  	v2 =	vld [tilespmem:$0x130];
	_ =	sdelay $0x4  }
0x5e: {  	[tilespmem:v1+s10+$0x0] =	vst.idx.add.f32.msk $0x1, v2  }
0x5f: {  	[tilespmem:v1+s10+$0x0] =	vst.idx.add.f32.msk vm0, v2  }
0x60: {  	[tilespmem:v1+s10+$0x0] =	vst.idx.add.f32.msk vm1, v2  }
0x61: {  	[tilespmem:v1+s10+$0x0] =	vst.idx.add.f32.msk vm2, v2  }
0x62: {  	[tilespmem:v1+s10+$0x0] =	vst.idx.add.f32.msk vm3, v2  }
0x63: {  	[tilespmem:v1+s10+$0x0] =	vst.idx.add.f32.msk vm4, v2  }
0x64: {  	[tilespmem:v1+s10+$0x0] =	vst.idx.add.f32.msk vm5, v2  }
0x65: {  	[tilespmem:v1+s10+$0x0] =	vst.idx.add.f32.msk vm6, v2  }
0x66: {  	[tilespmem:v1+s10+$0x0] =	vst.idx.add.f32.msk vm7, v2  }
0x67: {  	[tilespmem:v1+s10+$0x0] =	vst.idx.add.f32.msk vm8, v2  }
0x68: {  	[tilespmem:v1+s10+$0x0] =	vst.idx.add.f32.msk vm9, v2  }
0x69: {  	[tilespmem:v1+s10+$0x0] =	vst.idx.add.f32.msk vm10, v2  }
0x6a: {  	[tilespmem:v1+s10+$0x0] =	vst.idx.add.f32.msk vm11, v2  }
0x6b: {  	[tilespmem:v1+s10+$0x0] =	vst.idx.add.f32.msk vm12, v2  }
0x6c: {  	[tilespmem:v1+s10+$0x0] =	vst.idx.add.f32.msk vm13, v2  }
0x6d: {  	[tilespmem:v1+s10+$0x0] =	vst.idx.add.f32.msk vm14, v2  }
0x6e: {  	v1 =	vld [tilespmem:$0x40];
	_ =	sdelay $0x2  }
0x6f: {  	v2 =	vld [tilespmem:$0x140];
	_ =	sdelay $0x4  }
0x70: {  	[tilespmem:v1+s10+$0x0] =	vst.idx.add.f32.msk $0x1, v2  }
0x71: {  	[tilespmem:v1+s10+$0x0] =	vst.idx.add.f32.msk vm0, v2  }
0x72: {  	[tilespmem:v1+s10+$0x0] =	vst.idx.add.f32.msk vm1, v2  }
0x73: {  	[tilespmem:v1+s10+$0x0] =	vst.idx.add.f32.msk vm2, v2  }
0x74: {  	[tilespmem:v1+s10+$0x0] =	vst.idx.add.f32.msk vm3, v2  }
0x75: {  	[tilespmem:v1+s10+$0x0] =	vst.idx.add.f32.msk vm4, v2  }
0x76: {  	[tilespmem:v1+s10+$0x0] =	vst.idx.add.f32.msk vm5, v2  }
0x77: {  	[tilespmem:v1+s10+$0x0] =	vst.idx.add.f32.msk vm6, v2  }
0x78: {  	[tilespmem:v1+s10+$0x0] =	vst.idx.add.f32.msk vm7, v2  }
0x79: {  	[tilespmem:v1+s10+$0x0] =	vst.idx.add.f32.msk vm8, v2  }
0x7a: {  	[tilespmem:v1+s10+$0x0] =	vst.idx.add.f32.msk vm9, v2  }
0x7b: {  	[tilespmem:v1+s10+$0x0] =	vst.idx.add.f32.msk vm10, v2  }
0x7c: {  	[tilespmem:v1+s10+$0x0] =	vst.idx.add.f32.msk vm11, v2  }
0x7d: {  	[tilespmem:v1+s10+$0x0] =	vst.idx.add.f32.msk vm12, v2  }
0x7e: {  	[tilespmem:v1+s10+$0x0] =	vst.idx.add.f32.msk vm13, v2  }
0x7f: {  	[tilespmem:v1+s10+$0x0] =	vst.idx.add.f32.msk vm14, v2  }
0x80: {  	v1 =	vld [tilespmem:$0x50];
	_ =	sdelay $0x2  }
0x81: {  	v2 =	vld [tilespmem:$0x150];
	_ =	sdelay $0x4  }
0x82: {  	[tilespmem:v1+s10+$0x0] =	vst.idx.add.f32.msk $0x1, v2  }
0x83: {  	[tilespmem:v1+s10+$0x0] =	vst.idx.add.f32.msk vm0, v2  }
0x84: {  	[tilespmem:v1+s10+$0x0] =	vst.idx.add.f32.msk vm1, v2  }
0x85: {  	[tilespmem:v1+s10+$0x0] =	vst.idx.add.f32.msk vm2, v2  }
0x86: {  	[tilespmem:v1+s10+$0x0] =	vst.idx.add.f32.msk vm3, v2  }
0x87: {  	[tilespmem:v1+s10+$0x0] =	vst.idx.add.f32.msk vm4, v2  }
0x88: {  	[tilespmem:v1+s10+$0x0] =	vst.idx.add.f32.msk vm5, v2  }
0x89: {  	[tilespmem:v1+s10+$0x0] =	vst.idx.add.f32.msk vm6, v2  }
0x8a: {  	[tilespmem:v1+s10+$0x0] =	vst.idx.add.f32.msk vm7, v2  }
0x8b: {  	[tilespmem:v1+s10+$0x0] =	vst.idx.add.f32.msk vm8, v2  }
0x8c: {  	[tilespmem:v1+s10+$0x0] =	vst.idx.add.f32.msk vm9, v2  }
0x8d: {  	[tilespmem:v1+s10+$0x0] =	vst.idx.add.f32.msk vm10, v2  }
0x8e: {  	[tilespmem:v1+s10+$0x0] =	vst.idx.add.f32.msk vm11, v2  }
0x8f: {  	[tilespmem:v1+s10+$0x0] =	vst.idx.add.f32.msk vm12, v2  }
0x90: {  	[tilespmem:v1+s10+$0x0] =	vst.idx.add.f32.msk vm13, v2  }
0x91: {  	[tilespmem:v1+s10+$0x0] =	vst.idx.add.f32.msk vm14, v2  }
0x92: {  	v1 =	vld [tilespmem:$0x60];
	_ =	sdelay $0x2  }
0x93: {  	v2 =	vld [tilespmem:$0x160];
	_ =	sdelay $0x4  }
0x94: {  	[tilespmem:v1+s10+$0x0] =	vst.idx.add.f32.msk $0x1, v2  }
0x95: {  	[tilespmem:v1+s10+$0x0] =	vst.idx.add.f32.msk vm0, v2  }
0x96: {  	[tilespmem:v1+s10+$0x0] =	vst.idx.add.f32.msk vm1, v2  }
0x97: {  	[tilespmem:v1+s10+$0x0] =	vst.idx.add.f32.msk vm2, v2  }
0x98: {  	[tilespmem:v1+s10+$0x0] =	vst.idx.add.f32.msk vm3, v2  }
0x99: {  	[tilespmem:v1+s10+$0x0] =	vst.idx.add.f32.msk vm4, v2  }
0x9a: {  	[tilespmem:v1+s10+$0x0] =	vst.idx.add.f32.msk vm5, v2  }
0x9b: {  	[tilespmem:v1+s10+$0x0] =	vst.idx.add.f32.msk vm6, v2  }
0x9c: {  	[tilespmem:v1+s10+$0x0] =	vst.idx.add.f32.msk vm7, v2  }
0x9d: {  	[tilespmem:v1+s10+$0x0] =	vst.idx.add.f32.msk vm8, v2  }
0x9e: {  	[tilespmem:v1+s10+$0x0] =	vst.idx.add.f32.msk vm9, v2  }
0x9f: {  	[tilespmem:v1+s10+$0x0] =	vst.idx.add.f32.msk vm10, v2  }
0xa0: {  	[tilespmem:v1+s10+$0x0] =	vst.idx.add.f32.msk vm11, v2  }
0xa1: {  	[tilespmem:v1+s10+$0x0] =	vst.idx.add.f32.msk vm12, v2  }
0xa2: {  	[tilespmem:v1+s10+$0x0] =	vst.idx.add.f32.msk vm13, v2  }
0xa3: {  	[tilespmem:v1+s10+$0x0] =	vst.idx.add.f32.msk vm14, v2  }
0xa4: {  	v1 =	vld [tilespmem:$0x70];
	_ =	sdelay $0x2  }
0xa5: {  	v2 =	vld [tilespmem:$0x170];
	_ =	sdelay $0x4  }
0xa6: {  	[tilespmem:v1+s10+$0x0] =	vst.idx.add.f32.msk $0x1, v2  }
0xa7: {  	[tilespmem:v1+s10+$0x0] =	vst.idx.add.f32.msk vm0, v2  }
0xa8: {  	[tilespmem:v1+s10+$0x0] =	vst.idx.add.f32.msk vm1, v2  }
0xa9: {  	[tilespmem:v1+s10+$0x0] =	vst.idx.add.f32.msk vm2, v2  }
0xaa: {  	[tilespmem:v1+s10+$0x0] =	vst.idx.add.f32.msk vm3, v2  }
0xab: {  	[tilespmem:v1+s10+$0x0] =	vst.idx.add.f32.msk vm4, v2  }
0xac: {  	[tilespmem:v1+s10+$0x0] =	vst.idx.add.f32.msk vm5, v2  }
0xad: {  	[tilespmem:v1+s10+$0x0] =	vst.idx.add.f32.msk vm6, v2  }
0xae: {  	[tilespmem:v1+s10+$0x0] =	vst.idx.add.f32.msk vm7, v2  }
0xaf: {  	[tilespmem:v1+s10+$0x0] =	vst.idx.add.f32.msk vm8, v2  }
0xb0: {  	[tilespmem:v1+s10+$0x0] =	vst.idx.add.f32.msk vm9, v2  }
0xb1: {  	[tilespmem:v1+s10+$0x0] =	vst.idx.add.f32.msk vm10, v2  }
0xb2: {  	[tilespmem:v1+s10+$0x0] =	vst.idx.add.f32.msk vm11, v2  }
0xb3: {  	[tilespmem:v1+s10+$0x0] =	vst.idx.add.f32.msk vm12, v2  }
0xb4: {  	[tilespmem:v1+s10+$0x0] =	vst.idx.add.f32.msk vm13, v2  }
0xb5: {  	[tilespmem:v1+s10+$0x0] =	vst.idx.add.f32.msk vm14, v2  }
0xb6: {  	v1 =	vld [tilespmem:$0x80];
	_ =	sdelay $0x2  }
0xb7: {  	v2 =	vld [tilespmem:$0x180];
	_ =	sdelay $0x4  }
0xb8: {  	[tilespmem:v1+s10+$0x0] =	vst.idx.add.f32.msk $0x1, v2  }
0xb9: {  	[tilespmem:v1+s10+$0x0] =	vst.idx.add.f32.msk vm0, v2  }
0xba: {  	[tilespmem:v1+s10+$0x0] =	vst.idx.add.f32.msk vm1, v2  }
0xbb: {  	[tilespmem:v1+s10+$0x0] =	vst.idx.add.f32.msk vm2, v2  }
0xbc: {  	[tilespmem:v1+s10+$0x0] =	vst.idx.add.f32.msk vm3, v2  }
0xbd: {  	[tilespmem:v1+s10+$0x0] =	vst.idx.add.f32.msk vm4, v2  }
0xbe: {  	[tilespmem:v1+s10+$0x0] =	vst.idx.add.f32.msk vm5, v2  }
0xbf: {  	[tilespmem:v1+s10+$0x0] =	vst.idx.add.f32.msk vm6, v2  }
0xc0: {  	[tilespmem:v1+s10+$0x0] =	vst.idx.add.f32.msk vm7, v2  }
0xc1: {  	[tilespmem:v1+s10+$0x0] =	vst.idx.add.f32.msk vm8, v2  }
0xc2: {  	[tilespmem:v1+s10+$0x0] =	vst.idx.add.f32.msk vm9, v2  }
0xc3: {  	[tilespmem:v1+s10+$0x0] =	vst.idx.add.f32.msk vm10, v2  }
0xc4: {  	[tilespmem:v1+s10+$0x0] =	vst.idx.add.f32.msk vm11, v2  }
0xc5: {  	[tilespmem:v1+s10+$0x0] =	vst.idx.add.f32.msk vm12, v2  }
0xc6: {  	[tilespmem:v1+s10+$0x0] =	vst.idx.add.f32.msk vm13, v2  }
0xc7: {  	[tilespmem:v1+s10+$0x0] =	vst.idx.add.f32.msk vm14, v2  }
0xc8: {  	v1 =	vld [tilespmem:$0x90];
	_ =	sdelay $0x2  }
0xc9: {  	v2 =	vld [tilespmem:$0x190];
	_ =	sdelay $0x4  }
0xca: {  	[tilespmem:v1+s10+$0x0] =	vst.idx.add.f32.msk $0x1, v2  }
0xcb: {  	[tilespmem:v1+s10+$0x0] =	vst.idx.add.f32.msk vm0, v2  }
0xcc: {  	[tilespmem:v1+s10+$0x0] =	vst.idx.add.f32.msk vm1, v2  }
0xcd: {  	[tilespmem:v1+s10+$0x0] =	vst.idx.add.f32.msk vm2, v2  }
0xce: {  	[tilespmem:v1+s10+$0x0] =	vst.idx.add.f32.msk vm3, v2  }
0xcf: {  	[tilespmem:v1+s10+$0x0] =	vst.idx.add.f32.msk vm4, v2  }
0xd0: {  	[tilespmem:v1+s10+$0x0] =	vst.idx.add.f32.msk vm5, v2  }
0xd1: {  	[tilespmem:v1+s10+$0x0] =	vst.idx.add.f32.msk vm6, v2  }
0xd2: {  	[tilespmem:v1+s10+$0x0] =	vst.idx.add.f32.msk vm7, v2  }
0xd3: {  	[tilespmem:v1+s10+$0x0] =	vst.idx.add.f32.msk vm8, v2  }
0xd4: {  	[tilespmem:v1+s10+$0x0] =	vst.idx.add.f32.msk vm9, v2  }
0xd5: {  	[tilespmem:v1+s10+$0x0] =	vst.idx.add.f32.msk vm10, v2  }
0xd6: {  	[tilespmem:v1+s10+$0x0] =	vst.idx.add.f32.msk vm11, v2  }
0xd7: {  	[tilespmem:v1+s10+$0x0] =	vst.idx.add.f32.msk vm12, v2  }
0xd8: {  	[tilespmem:v1+s10+$0x0] =	vst.idx.add.f32.msk vm13, v2  }
0xd9: {  	[tilespmem:v1+s10+$0x0] =	vst.idx.add.f32.msk vm14, v2  }
0xda: {  	v1 =	vld [tilespmem:$0xA0];
	_ =	sdelay $0x2  }
0xdb: {  	v2 =	vld [tilespmem:$0x1A0];
	_ =	sdelay $0x4  }
0xdc: {  	[tilespmem:v1+s10+$0x0] =	vst.idx.add.f32.msk $0x1, v2  }
0xdd: {  	[tilespmem:v1+s10+$0x0] =	vst.idx.add.f32.msk vm0, v2  }
0xde: {  	[tilespmem:v1+s10+$0x0] =	vst.idx.add.f32.msk vm1, v2  }
0xdf: {  	[tilespmem:v1+s10+$0x0] =	vst.idx.add.f32.msk vm2, v2  }
0xe0: {  	[tilespmem:v1+s10+$0x0] =	vst.idx.add.f32.msk vm3, v2  }
0xe1: {  	[tilespmem:v1+s10+$0x0] =	vst.idx.add.f32.msk vm4, v2  }
0xe2: {  	[tilespmem:v1+s10+$0x0] =	vst.idx.add.f32.msk vm5, v2  }
0xe3: {  	[tilespmem:v1+s10+$0x0] =	vst.idx.add.f32.msk vm6, v2  }
0xe4: {  	[tilespmem:v1+s10+$0x0] =	vst.idx.add.f32.msk vm7, v2  }
0xe5: {  	[tilespmem:v1+s10+$0x0] =	vst.idx.add.f32.msk vm8, v2  }
0xe6: {  	[tilespmem:v1+s10+$0x0] =	vst.idx.add.f32.msk vm9, v2  }
0xe7: {  	[tilespmem:v1+s10+$0x0] =	vst.idx.add.f32.msk vm10, v2  }
0xe8: {  	[tilespmem:v1+s10+$0x0] =	vst.idx.add.f32.msk vm11, v2  }
0xe9: {  	[tilespmem:v1+s10+$0x0] =	vst.idx.add.f32.msk vm12, v2  }
0xea: {  	[tilespmem:v1+s10+$0x0] =	vst.idx.add.f32.msk vm13, v2  }
0xeb: {  	[tilespmem:v1+s10+$0x0] =	vst.idx.add.f32.msk vm14, v2  }
0xec: {  	v1 =	vld [tilespmem:$0xB0];
	_ =	sdelay $0x2  }
0xed: {  	v2 =	vld [tilespmem:$0x1B0];
	_ =	sdelay $0x4  }
0xee: {  	[tilespmem:v1+s10+$0x0] =	vst.idx.add.f32.msk $0x1, v2  }
0xef: {  	[tilespmem:v1+s10+$0x0] =	vst.idx.add.f32.msk vm0, v2  }
0xf0: {  	[tilespmem:v1+s10+$0x0] =	vst.idx.add.f32.msk vm1, v2  }
0xf1: {  	[tilespmem:v1+s10+$0x0] =	vst.idx.add.f32.msk vm2, v2  }
0xf2: {  	[tilespmem:v1+s10+$0x0] =	vst.idx.add.f32.msk vm3, v2  }
0xf3: {  	[tilespmem:v1+s10+$0x0] =	vst.idx.add.f32.msk vm4, v2  }
0xf4: {  	[tilespmem:v1+s10+$0x0] =	vst.idx.add.f32.msk vm5, v2  }
0xf5: {  	[tilespmem:v1+s10+$0x0] =	vst.idx.add.f32.msk vm6, v2  }
0xf6: {  	[tilespmem:v1+s10+$0x0] =	vst.idx.add.f32.msk vm7, v2  }
0xf7: {  	[tilespmem:v1+s10+$0x0] =	vst.idx.add.f32.msk vm8, v2  }
0xf8: {  	[tilespmem:v1+s10+$0x0] =	vst.idx.add.f32.msk vm9, v2  }
0xf9: {  	[tilespmem:v1+s10+$0x0] =	vst.idx.add.f32.msk vm10, v2  }
0xfa: {  	[tilespmem:v1+s10+$0x0] =	vst.idx.add.f32.msk vm11, v2  }
0xfb: {  	[tilespmem:v1+s10+$0x0] =	vst.idx.add.f32.msk vm12, v2  }
0xfc: {  	[tilespmem:v1+s10+$0x0] =	vst.idx.add.f32.msk vm13, v2  }
0xfd: {  	[tilespmem:v1+s10+$0x0] =	vst.idx.add.f32.msk vm14, v2  }
0xfe: {  	v1 =	vld [tilespmem:$0xC0];
	_ =	sdelay $0x2  }
0xff: {  	v2 =	vld [tilespmem:$0x1C0];
	_ =	sdelay $0x4  }
0x100: {  	[tilespmem:v1+s10+$0x0] =	vst.idx.add.f32.msk $0x1, v2  }
0x101: {  	[tilespmem:v1+s10+$0x0] =	vst.idx.add.f32.msk vm0, v2  }
0x102: {  	[tilespmem:v1+s10+$0x0] =	vst.idx.add.f32.msk vm1, v2  }
0x103: {  	[tilespmem:v1+s10+$0x0] =	vst.idx.add.f32.msk vm2, v2  }
0x104: {  	[tilespmem:v1+s10+$0x0] =	vst.idx.add.f32.msk vm3, v2  }
0x105: {  	[tilespmem:v1+s10+$0x0] =	vst.idx.add.f32.msk vm4, v2  }
0x106: {  	[tilespmem:v1+s10+$0x0] =	vst.idx.add.f32.msk vm5, v2  }
0x107: {  	[tilespmem:v1+s10+$0x0] =	vst.idx.add.f32.msk vm6, v2  }
0x108: {  	[tilespmem:v1+s10+$0x0] =	vst.idx.add.f32.msk vm7, v2  }
0x109: {  	[tilespmem:v1+s10+$0x0] =	vst.idx.add.f32.msk vm8, v2  }
0x10a: {  	[tilespmem:v1+s10+$0x0] =	vst.idx.add.f32.msk vm9, v2  }
0x10b: {  	[tilespmem:v1+s10+$0x0] =	vst.idx.add.f32.msk vm10, v2  }
0x10c: {  	[tilespmem:v1+s10+$0x0] =	vst.idx.add.f32.msk vm11, v2  }
0x10d: {  	[tilespmem:v1+s10+$0x0] =	vst.idx.add.f32.msk vm12, v2  }
0x10e: {  	[tilespmem:v1+s10+$0x0] =	vst.idx.add.f32.msk vm13, v2  }
0x10f: {  	[tilespmem:v1+s10+$0x0] =	vst.idx.add.f32.msk vm14, v2  }
0x110: {  	v1 =	vld [tilespmem:$0xD0];
	_ =	sdelay $0x2  }
0x111: {  	v2 =	vld [tilespmem:$0x1D0];
	_ =	sdelay $0x4  }
0x112: {  	[tilespmem:v1+s10+$0x0] =	vst.idx.add.f32.msk $0x1, v2  }
0x113: {  	[tilespmem:v1+s10+$0x0] =	vst.idx.add.f32.msk vm0, v2  }
0x114: {  	[tilespmem:v1+s10+$0x0] =	vst.idx.add.f32.msk vm1, v2  }
0x115: {  	[tilespmem:v1+s10+$0x0] =	vst.idx.add.f32.msk vm2, v2  }
0x116: {  	[tilespmem:v1+s10+$0x0] =	vst.idx.add.f32.msk vm3, v2  }
0x117: {  	[tilespmem:v1+s10+$0x0] =	vst.idx.add.f32.msk vm4, v2  }
0x118: {  	[tilespmem:v1+s10+$0x0] =	vst.idx.add.f32.msk vm5, v2  }
0x119: {  	[tilespmem:v1+s10+$0x0] =	vst.idx.add.f32.msk vm6, v2  }
0x11a: {  	[tilespmem:v1+s10+$0x0] =	vst.idx.add.f32.msk vm7, v2  }
0x11b: {  	[tilespmem:v1+s10+$0x0] =	vst.idx.add.f32.msk vm8, v2  }
0x11c: {  	[tilespmem:v1+s10+$0x0] =	vst.idx.add.f32.msk vm9, v2  }
0x11d: {  	[tilespmem:v1+s10+$0x0] =	vst.idx.add.f32.msk vm10, v2  }
0x11e: {  	[tilespmem:v1+s10+$0x0] =	vst.idx.add.f32.msk vm11, v2  }
0x11f: {  	[tilespmem:v1+s10+$0x0] =	vst.idx.add.f32.msk vm12, v2  }
0x120: {  	[tilespmem:v1+s10+$0x0] =	vst.idx.add.f32.msk vm13, v2  }
0x121: {  	[tilespmem:v1+s10+$0x0] =	vst.idx.add.f32.msk vm14, v2  }
0x122: {  	v1 =	vld [tilespmem:$0xE0];
	_ =	sdelay $0x2  }
0x123: {  	v2 =	vld [tilespmem:$0x1E0];
	_ =	sdelay $0x4  }
0x124: {  	[tilespmem:v1+s10+$0x0] =	vst.idx.add.f32.msk $0x1, v2  }
0x125: {  	[tilespmem:v1+s10+$0x0] =	vst.idx.add.f32.msk vm0, v2  }
0x126: {  	[tilespmem:v1+s10+$0x0] =	vst.idx.add.f32.msk vm1, v2  }
0x127: {  	[tilespmem:v1+s10+$0x0] =	vst.idx.add.f32.msk vm2, v2  }
0x128: {  	[tilespmem:v1+s10+$0x0] =	vst.idx.add.f32.msk vm3, v2  }
0x129: {  	[tilespmem:v1+s10+$0x0] =	vst.idx.add.f32.msk vm4, v2  }
0x12a: {  	[tilespmem:v1+s10+$0x0] =	vst.idx.add.f32.msk vm5, v2  }
0x12b: {  	[tilespmem:v1+s10+$0x0] =	vst.idx.add.f32.msk vm6, v2  }
0x12c: {  	[tilespmem:v1+s10+$0x0] =	vst.idx.add.f32.msk vm7, v2  }
0x12d: {  	[tilespmem:v1+s10+$0x0] =	vst.idx.add.f32.msk vm8, v2  }
0x12e: {  	[tilespmem:v1+s10+$0x0] =	vst.idx.add.f32.msk vm9, v2  }
0x12f: {  	[tilespmem:v1+s10+$0x0] =	vst.idx.add.f32.msk vm10, v2  }
0x130: {  	[tilespmem:v1+s10+$0x0] =	vst.idx.add.f32.msk vm11, v2  }
0x131: {  	[tilespmem:v1+s10+$0x0] =	vst.idx.add.f32.msk vm12, v2  }
0x132: {  	[tilespmem:v1+s10+$0x0] =	vst.idx.add.f32.msk vm13, v2  }
0x133: {  	[tilespmem:v1+s10+$0x0] =	vst.idx.add.f32.msk vm14, v2  }
0x134: {  	v1 =	vld [tilespmem:$0xF0];
	_ =	sdelay $0x2  }
0x135: {  	v2 =	vld [tilespmem:$0x1F0];
	_ =	sdelay $0x4  }
0x136: {  	[tilespmem:v1+s10+$0x0] =	vst.idx.add.f32.msk $0x1, v2  }
0x137: {  	[tilespmem:v1+s10+$0x0] =	vst.idx.add.f32.msk vm0, v2  }
0x138: {  	[tilespmem:v1+s10+$0x0] =	vst.idx.add.f32.msk vm1, v2  }
0x139: {  	[tilespmem:v1+s10+$0x0] =	vst.idx.add.f32.msk vm2, v2  }
0x13a: {  	[tilespmem:v1+s10+$0x0] =	vst.idx.add.f32.msk vm3, v2  }
0x13b: {  	s18 =	sadd.s32 s17, s7;
	s19 =	sand.u32 $0x7, s17;
	[tilespmem:v1+s10+$0x0] =	vst.idx.add.f32.msk vm4, v2  }
0x13c: {  	p0 =	seq.s32 s18, $0x0;
	p1 =	sne.s32 s19, $0x0;
	[tilespmem:v1+s10+$0x0] =	vst.idx.add.f32.msk vm5, v2  }
0x13d: {  	p0 =	por !p0, !p1;
	[tilespmem:v1+s10+$0x0] =	vst.idx.add.f32.msk vm6, v2  }
0x13e: {  	s19 =	simm.s32 $0x1;
	p0 =	por !p0, !p0;
	[tilespmem:v1+s10+$0x0] =	vst.idx.add.f32.msk vm7, v2  }
0x13f: {  	s18 =	sshrl.u32 s18, $0x3;
	s19 =	simm.s32 @!p0 $0x0;
	[tilespmem:v1+s10+$0x0] =	vst.idx.add.f32.msk vm8, v2  }
0x140: {  	s18 =	ssub.s32 s18, s19;
	[tilespmem:v1+s10+$0x0] =	vst.idx.add.f32.msk vm9, v2  }
0x141: {  	s18 =	smul.u32 $0xC3800, s18;
	[tilespmem:v1+s10+$0x0] =	vst.idx.add.f32.msk vm10, v2  }
0x142: {  	s31 =	sand.u32 $0x380, s14;
	[tilespmem:v1+s10+$0x0] =	vst.idx.add.f32.msk vm11, v2  }
0x143: {  	s18 =	sor.u32 s31, s18;
	[tilespmem:v1+s10+$0x0] =	vst.idx.add.f32.msk vm12, v2  }
0x144: {  	s18 =	sshrl.u32 s18, $0x3;
	[tilespmem:v1+s10+$0x0] =	vst.idx.add.f32.msk vm13, v2  }
0x145: {  	s18 =	sadd.s32 s3, s18;
	[tilespmem:v1+s10+$0x0] =	vst.idx.add.f32.msk vm14, v2  }
0x146: {  	[hbm4b:s18+s11] =	stream.strided.scatter [tilespmem:s10], [sflag:$0x1], $0x18700, s12, s11, $0x38;
	[tilespmem:$0x18A00] =	vst v63  }
0x147: {  	_ =	swait.ge [sflag:s8], $0x18700  }
0x148: {  	[sflag:s8] =	ssyncset.done $0x0  }
0x149: {  	[sflag:s8] =	ssyncadd.s32 $0xFFFE7900  }
0x14a: {  	v1 =	vld [tilespmem:$0x0];
	_ =	sdelay $0x7  }
0x14b: {  	[tilespmem:v1+s10+$0x0] =	vst.idx.msk $0x1, v0  }
0x14c: {  	[tilespmem:v1+s10+$0x0] =	vst.idx.msk vm0, v0  }
0x14d: {  	[tilespmem:v1+s10+$0x0] =	vst.idx.msk vm1, v0  }
0x14e: {  	[tilespmem:v1+s10+$0x0] =	vst.idx.msk vm2, v0  }
0x14f: {  	[tilespmem:v1+s10+$0x0] =	vst.idx.msk vm3, v0  }
0x150: {  	[tilespmem:v1+s10+$0x0] =	vst.idx.msk vm4, v0  }
0x151: {  	[tilespmem:v1+s10+$0x0] =	vst.idx.msk vm5, v0  }
0x152: {  	[tilespmem:v1+s10+$0x0] =	vst.idx.msk vm6, v0  }
0x153: {  	[tilespmem:v1+s10+$0x0] =	vst.idx.msk vm7, v0  }
0x154: {  	[tilespmem:v1+s10+$0x0] =	vst.idx.msk vm8, v0  }
0x155: {  	[tilespmem:v1+s10+$0x0] =	vst.idx.msk vm9, v0  }
0x156: {  	[tilespmem:v1+s10+$0x0] =	vst.idx.msk vm10, v0  }
0x157: {  	[tilespmem:v1+s10+$0x0] =	vst.idx.msk vm11, v0  }
0x158: {  	[tilespmem:v1+s10+$0x0] =	vst.idx.msk vm12, v0  }
0x159: {  	[tilespmem:v1+s10+$0x0] =	vst.idx.msk vm13, v0  }
0x15a: {  	[tilespmem:v1+s10+$0x0] =	vst.idx.msk vm14, v0  }
0x15b: {  	v1 =	vld [tilespmem:$0x10];
	_ =	sdelay $0x7  }
0x15c: {  	[tilespmem:v1+s10+$0x0] =	vst.idx.msk $0x1, v0  }
0x15d: {  	[tilespmem:v1+s10+$0x0] =	vst.idx.msk vm0, v0  }
0x15e: {  	[tilespmem:v1+s10+$0x0] =	vst.idx.msk vm1, v0  }
0x15f: {  	[tilespmem:v1+s10+$0x0] =	vst.idx.msk vm2, v0  }
0x160: {  	[tilespmem:v1+s10+$0x0] =	vst.idx.msk vm3, v0  }
0x161: {  	[tilespmem:v1+s10+$0x0] =	vst.idx.msk vm4, v0  }
0x162: {  	[tilespmem:v1+s10+$0x0] =	vst.idx.msk vm5, v0  }
0x163: {  	[tilespmem:v1+s10+$0x0] =	vst.idx.msk vm6, v0  }
0x164: {  	[tilespmem:v1+s10+$0x0] =	vst.idx.msk vm7, v0  }
0x165: {  	[tilespmem:v1+s10+$0x0] =	vst.idx.msk vm8, v0  }
0x166: {  	[tilespmem:v1+s10+$0x0] =	vst.idx.msk vm9, v0  }
0x167: {  	[tilespmem:v1+s10+$0x0] =	vst.idx.msk vm10, v0  }
0x168: {  	[tilespmem:v1+s10+$0x0] =	vst.idx.msk vm11, v0  }
0x169: {  	[tilespmem:v1+s10+$0x0] =	vst.idx.msk vm12, v0  }
0x16a: {  	[tilespmem:v1+s10+$0x0] =	vst.idx.msk vm13, v0  }
0x16b: {  	[tilespmem:v1+s10+$0x0] =	vst.idx.msk vm14, v0  }
0x16c: {  	v1 =	vld [tilespmem:$0x20];
	_ =	sdelay $0x7  }
0x16d: {  	[tilespmem:v1+s10+$0x0] =	vst.idx.msk $0x1, v0  }
0x16e: {  	[tilespmem:v1+s10+$0x0] =	vst.idx.msk vm0, v0  }
0x16f: {  	[tilespmem:v1+s10+$0x0] =	vst.idx.msk vm1, v0  }
0x170: {  	[tilespmem:v1+s10+$0x0] =	vst.idx.msk vm2, v0  }
0x171: {  	[tilespmem:v1+s10+$0x0] =	vst.idx.msk vm3, v0  }
0x172: {  	[tilespmem:v1+s10+$0x0] =	vst.idx.msk vm4, v0  }
0x173: {  	[tilespmem:v1+s10+$0x0] =	vst.idx.msk vm5, v0  }
0x174: {  	[tilespmem:v1+s10+$0x0] =	vst.idx.msk vm6, v0  }
0x175: {  	[tilespmem:v1+s10+$0x0] =	vst.idx.msk vm7, v0  }
0x176: {  	[tilespmem:v1+s10+$0x0] =	vst.idx.msk vm8, v0  }
0x177: {  	[tilespmem:v1+s10+$0x0] =	vst.idx.msk vm9, v0  }
0x178: {  	[tilespmem:v1+s10+$0x0] =	vst.idx.msk vm10, v0  }
0x179: {  	[tilespmem:v1+s10+$0x0] =	vst.idx.msk vm11, v0  }
0x17a: {  	[tilespmem:v1+s10+$0x0] =	vst.idx.msk vm12, v0  }
0x17b: {  	[tilespmem:v1+s10+$0x0] =	vst.idx.msk vm13, v0  }
0x17c: {  	[tilespmem:v1+s10+$0x0] =	vst.idx.msk vm14, v0  }
0x17d: {  	v1 =	vld [tilespmem:$0x30];
	_ =	sdelay $0x7  }
0x17e: {  	[tilespmem:v1+s10+$0x0] =	vst.idx.msk $0x1, v0  }
0x17f: {  	[tilespmem:v1+s10+$0x0] =	vst.idx.msk vm0, v0  }
0x180: {  	[tilespmem:v1+s10+$0x0] =	vst.idx.msk vm1, v0  }
0x181: {  	[tilespmem:v1+s10+$0x0] =	vst.idx.msk vm2, v0  }
0x182: {  	[tilespmem:v1+s10+$0x0] =	vst.idx.msk vm3, v0  }
0x183: {  	[tilespmem:v1+s10+$0x0] =	vst.idx.msk vm4, v0  }
0x184: {  	[tilespmem:v1+s10+$0x0] =	vst.idx.msk vm5, v0  }
0x185: {  	[tilespmem:v1+s10+$0x0] =	vst.idx.msk vm6, v0  }
0x186: {  	[tilespmem:v1+s10+$0x0] =	vst.idx.msk vm7, v0  }
0x187: {  	[tilespmem:v1+s10+$0x0] =	vst.idx.msk vm8, v0  }
0x188: {  	[tilespmem:v1+s10+$0x0] =	vst.idx.msk vm9, v0  }
0x189: {  	[tilespmem:v1+s10+$0x0] =	vst.idx.msk vm10, v0  }
0x18a: {  	[tilespmem:v1+s10+$0x0] =	vst.idx.msk vm11, v0  }
0x18b: {  	[tilespmem:v1+s10+$0x0] =	vst.idx.msk vm12, v0  }
0x18c: {  	[tilespmem:v1+s10+$0x0] =	vst.idx.msk vm13, v0  }
0x18d: {  	[tilespmem:v1+s10+$0x0] =	vst.idx.msk vm14, v0  }
0x18e: {  	v1 =	vld [tilespmem:$0x40];
	_ =	sdelay $0x7  }
0x18f: {  	[tilespmem:v1+s10+$0x0] =	vst.idx.msk $0x1, v0  }
0x190: {  	[tilespmem:v1+s10+$0x0] =	vst.idx.msk vm0, v0  }
0x191: {  	[tilespmem:v1+s10+$0x0] =	vst.idx.msk vm1, v0  }
0x192: {  	[tilespmem:v1+s10+$0x0] =	vst.idx.msk vm2, v0  }
0x193: {  	[tilespmem:v1+s10+$0x0] =	vst.idx.msk vm3, v0  }
0x194: {  	[tilespmem:v1+s10+$0x0] =	vst.idx.msk vm4, v0  }
0x195: {  	[tilespmem:v1+s10+$0x0] =	vst.idx.msk vm5, v0  }
0x196: {  	[tilespmem:v1+s10+$0x0] =	vst.idx.msk vm6, v0  }
0x197: {  	[tilespmem:v1+s10+$0x0] =	vst.idx.msk vm7, v0  }
0x198: {  	[tilespmem:v1+s10+$0x0] =	vst.idx.msk vm8, v0  }
0x199: {  	[tilespmem:v1+s10+$0x0] =	vst.idx.msk vm9, v0  }
0x19a: {  	[tilespmem:v1+s10+$0x0] =	vst.idx.msk vm10, v0  }
0x19b: {  	[tilespmem:v1+s10+$0x0] =	vst.idx.msk vm11, v0  }
0x19c: {  	[tilespmem:v1+s10+$0x0] =	vst.idx.msk vm12, v0  }
0x19d: {  	[tilespmem:v1+s10+$0x0] =	vst.idx.msk vm13, v0  }
0x19e: {  	[tilespmem:v1+s10+$0x0] =	vst.idx.msk vm14, v0  }
0x19f: {  	v1 =	vld [tilespmem:$0x50];
	_ =	sdelay $0x7  }
0x1a0: {  	[tilespmem:v1+s10+$0x0] =	vst.idx.msk $0x1, v0  }
0x1a1: {  	[tilespmem:v1+s10+$0x0] =	vst.idx.msk vm0, v0  }
0x1a2: {  	[tilespmem:v1+s10+$0x0] =	vst.idx.msk vm1, v0  }
0x1a3: {  	[tilespmem:v1+s10+$0x0] =	vst.idx.msk vm2, v0  }
0x1a4: {  	[tilespmem:v1+s10+$0x0] =	vst.idx.msk vm3, v0  }
0x1a5: {  	[tilespmem:v1+s10+$0x0] =	vst.idx.msk vm4, v0  }
0x1a6: {  	[tilespmem:v1+s10+$0x0] =	vst.idx.msk vm5, v0  }
0x1a7: {  	[tilespmem:v1+s10+$0x0] =	vst.idx.msk vm6, v0  }
0x1a8: {  	[tilespmem:v1+s10+$0x0] =	vst.idx.msk vm7, v0  }
0x1a9: {  	[tilespmem:v1+s10+$0x0] =	vst.idx.msk vm8, v0  }
0x1aa: {  	[tilespmem:v1+s10+$0x0] =	vst.idx.msk vm9, v0  }
0x1ab: {  	[tilespmem:v1+s10+$0x0] =	vst.idx.msk vm10, v0  }
0x1ac: {  	[tilespmem:v1+s10+$0x0] =	vst.idx.msk vm11, v0  }
0x1ad: {  	[tilespmem:v1+s10+$0x0] =	vst.idx.msk vm12, v0  }
0x1ae: {  	[tilespmem:v1+s10+$0x0] =	vst.idx.msk vm13, v0  }
0x1af: {  	[tilespmem:v1+s10+$0x0] =	vst.idx.msk vm14, v0  }
0x1b0: {  	v1 =	vld [tilespmem:$0x60];
	_ =	sdelay $0x7  }
0x1b1: {  	[tilespmem:v1+s10+$0x0] =	vst.idx.msk $0x1, v0  }
0x1b2: {  	[tilespmem:v1+s10+$0x0] =	vst.idx.msk vm0, v0  }
0x1b3: {  	[tilespmem:v1+s10+$0x0] =	vst.idx.msk vm1, v0  }
0x1b4: {  	[tilespmem:v1+s10+$0x0] =	vst.idx.msk vm2, v0  }
0x1b5: {  	[tilespmem:v1+s10+$0x0] =	vst.idx.msk vm3, v0  }
0x1b6: {  	[tilespmem:v1+s10+$0x0] =	vst.idx.msk vm4, v0  }
0x1b7: {  	[tilespmem:v1+s10+$0x0] =	vst.idx.msk vm5, v0  }
0x1b8: {  	[tilespmem:v1+s10+$0x0] =	vst.idx.msk vm6, v0  }
0x1b9: {  	[tilespmem:v1+s10+$0x0] =	vst.idx.msk vm7, v0  }
0x1ba: {  	[tilespmem:v1+s10+$0x0] =	vst.idx.msk vm8, v0  }
0x1bb: {  	[tilespmem:v1+s10+$0x0] =	vst.idx.msk vm9, v0  }
0x1bc: {  	[tilespmem:v1+s10+$0x0] =	vst.idx.msk vm10, v0  }
0x1bd: {  	[tilespmem:v1+s10+$0x0] =	vst.idx.msk vm11, v0  }
0x1be: {  	[tilespmem:v1+s10+$0x0] =	vst.idx.msk vm12, v0  }
0x1bf: {  	[tilespmem:v1+s10+$0x0] =	vst.idx.msk vm13, v0  }
0x1c0: {  	[tilespmem:v1+s10+$0x0] =	vst.idx.msk vm14, v0  }
0x1c1: {  	v1 =	vld [tilespmem:$0x70];
	_ =	sdelay $0x7  }
0x1c2: {  	[tilespmem:v1+s10+$0x0] =	vst.idx.msk $0x1, v0  }
0x1c3: {  	[tilespmem:v1+s10+$0x0] =	vst.idx.msk vm0, v0  }
0x1c4: {  	[tilespmem:v1+s10+$0x0] =	vst.idx.msk vm1, v0  }
0x1c5: {  	[tilespmem:v1+s10+$0x0] =	vst.idx.msk vm2, v0  }
0x1c6: {  	[tilespmem:v1+s10+$0x0] =	vst.idx.msk vm3, v0  }
0x1c7: {  	[tilespmem:v1+s10+$0x0] =	vst.idx.msk vm4, v0  }
0x1c8: {  	[tilespmem:v1+s10+$0x0] =	vst.idx.msk vm5, v0  }
0x1c9: {  	[tilespmem:v1+s10+$0x0] =	vst.idx.msk vm6, v0  }
0x1ca: {  	[tilespmem:v1+s10+$0x0] =	vst.idx.msk vm7, v0  }
0x1cb: {  	[tilespmem:v1+s10+$0x0] =	vst.idx.msk vm8, v0  }
0x1cc: {  	[tilespmem:v1+s10+$0x0] =	vst.idx.msk vm9, v0  }
0x1cd: {  	[tilespmem:v1+s10+$0x0] =	vst.idx.msk vm10, v0  }
0x1ce: {  	[tilespmem:v1+s10+$0x0] =	vst.idx.msk vm11, v0  }
0x1cf: {  	[tilespmem:v1+s10+$0x0] =	vst.idx.msk vm12, v0  }
0x1d0: {  	[tilespmem:v1+s10+$0x0] =	vst.idx.msk vm13, v0  }
0x1d1: {  	[tilespmem:v1+s10+$0x0] =	vst.idx.msk vm14, v0  }
0x1d2: {  	v1 =	vld [tilespmem:$0x80];
	_ =	sdelay $0x7  }
0x1d3: {  	[tilespmem:v1+s10+$0x0] =	vst.idx.msk $0x1, v0  }
0x1d4: {  	[tilespmem:v1+s10+$0x0] =	vst.idx.msk vm0, v0  }
0x1d5: {  	[tilespmem:v1+s10+$0x0] =	vst.idx.msk vm1, v0  }
0x1d6: {  	[tilespmem:v1+s10+$0x0] =	vst.idx.msk vm2, v0  }
0x1d7: {  	[tilespmem:v1+s10+$0x0] =	vst.idx.msk vm3, v0  }
0x1d8: {  	[tilespmem:v1+s10+$0x0] =	vst.idx.msk vm4, v0  }
0x1d9: {  	[tilespmem:v1+s10+$0x0] =	vst.idx.msk vm5, v0  }
0x1da: {  	[tilespmem:v1+s10+$0x0] =	vst.idx.msk vm6, v0  }
0x1db: {  	[tilespmem:v1+s10+$0x0] =	vst.idx.msk vm7, v0  }
0x1dc: {  	[tilespmem:v1+s10+$0x0] =	vst.idx.msk vm8, v0  }
0x1dd: {  	[tilespmem:v1+s10+$0x0] =	vst.idx.msk vm9, v0  }
0x1de: {  	[tilespmem:v1+s10+$0x0] =	vst.idx.msk vm10, v0  }
0x1df: {  	[tilespmem:v1+s10+$0x0] =	vst.idx.msk vm11, v0  }
0x1e0: {  	[tilespmem:v1+s10+$0x0] =	vst.idx.msk vm12, v0  }
0x1e1: {  	[tilespmem:v1+s10+$0x0] =	vst.idx.msk vm13, v0  }
0x1e2: {  	[tilespmem:v1+s10+$0x0] =	vst.idx.msk vm14, v0  }
0x1e3: {  	v1 =	vld [tilespmem:$0x90];
	_ =	sdelay $0x7  }
0x1e4: {  	[tilespmem:v1+s10+$0x0] =	vst.idx.msk $0x1, v0  }
0x1e5: {  	[tilespmem:v1+s10+$0x0] =	vst.idx.msk vm0, v0  }
0x1e6: {  	[tilespmem:v1+s10+$0x0] =	vst.idx.msk vm1, v0  }
0x1e7: {  	[tilespmem:v1+s10+$0x0] =	vst.idx.msk vm2, v0  }
0x1e8: {  	[tilespmem:v1+s10+$0x0] =	vst.idx.msk vm3, v0  }
0x1e9: {  	[tilespmem:v1+s10+$0x0] =	vst.idx.msk vm4, v0  }
0x1ea: {  	[tilespmem:v1+s10+$0x0] =	vst.idx.msk vm5, v0  }
0x1eb: {  	[tilespmem:v1+s10+$0x0] =	vst.idx.msk vm6, v0  }
0x1ec: {  	[tilespmem:v1+s10+$0x0] =	vst.idx.msk vm7, v0  }
0x1ed: {  	[tilespmem:v1+s10+$0x0] =	vst.idx.msk vm8, v0  }
0x1ee: {  	[tilespmem:v1+s10+$0x0] =	vst.idx.msk vm9, v0  }
0x1ef: {  	[tilespmem:v1+s10+$0x0] =	vst.idx.msk vm10, v0  }
0x1f0: {  	[tilespmem:v1+s10+$0x0] =	vst.idx.msk vm11, v0  }
0x1f1: {  	[tilespmem:v1+s10+$0x0] =	vst.idx.msk vm12, v0  }
0x1f2: {  	[tilespmem:v1+s10+$0x0] =	vst.idx.msk vm13, v0  }
0x1f3: {  	[tilespmem:v1+s10+$0x0] =	vst.idx.msk vm14, v0  }
0x1f4: {  	v1 =	vld [tilespmem:$0xA0];
	_ =	sdelay $0x7  }
0x1f5: {  	[tilespmem:v1+s10+$0x0] =	vst.idx.msk $0x1, v0  }
0x1f6: {  	[tilespmem:v1+s10+$0x0] =	vst.idx.msk vm0, v0  }
0x1f7: {  	[tilespmem:v1+s10+$0x0] =	vst.idx.msk vm1, v0  }
0x1f8: {  	[tilespmem:v1+s10+$0x0] =	vst.idx.msk vm2, v0  }
0x1f9: {  	[tilespmem:v1+s10+$0x0] =	vst.idx.msk vm3, v0  }
0x1fa: {  	[tilespmem:v1+s10+$0x0] =	vst.idx.msk vm4, v0  }
0x1fb: {  	[tilespmem:v1+s10+$0x0] =	vst.idx.msk vm5, v0  }
0x1fc: {  	[tilespmem:v1+s10+$0x0] =	vst.idx.msk vm6, v0  }
0x1fd: {  	[tilespmem:v1+s10+$0x0] =	vst.idx.msk vm7, v0  }
0x1fe: {  	[tilespmem:v1+s10+$0x0] =	vst.idx.msk vm8, v0  }
0x1ff: {  	[tilespmem:v1+s10+$0x0] =	vst.idx.msk vm9, v0  }
0x200: {  	[tilespmem:v1+s10+$0x0] =	vst.idx.msk vm10, v0  }
0x201: {  	[tilespmem:v1+s10+$0x0] =	vst.idx.msk vm11, v0  }
0x202: {  	[tilespmem:v1+s10+$0x0] =	vst.idx.msk vm12, v0  }
0x203: {  	[tilespmem:v1+s10+$0x0] =	vst.idx.msk vm13, v0  }
0x204: {  	[tilespmem:v1+s10+$0x0] =	vst.idx.msk vm14, v0  }
0x205: {  	v1 =	vld [tilespmem:$0xB0];
	_ =	sdelay $0x7  }
0x206: {  	[tilespmem:v1+s10+$0x0] =	vst.idx.msk $0x1, v0  }
0x207: {  	[tilespmem:v1+s10+$0x0] =	vst.idx.msk vm0, v0  }
0x208: {  	[tilespmem:v1+s10+$0x0] =	vst.idx.msk vm1, v0  }
0x209: {  	[tilespmem:v1+s10+$0x0] =	vst.idx.msk vm2, v0  }
0x20a: {  	[tilespmem:v1+s10+$0x0] =	vst.idx.msk vm3, v0  }
0x20b: {  	[tilespmem:v1+s10+$0x0] =	vst.idx.msk vm4, v0  }
0x20c: {  	[tilespmem:v1+s10+$0x0] =	vst.idx.msk vm5, v0  }
0x20d: {  	[tilespmem:v1+s10+$0x0] =	vst.idx.msk vm6, v0  }
0x20e: {  	[tilespmem:v1+s10+$0x0] =	vst.idx.msk vm7, v0  }
0x20f: {  	[tilespmem:v1+s10+$0x0] =	vst.idx.msk vm8, v0  }
0x210: {  	[tilespmem:v1+s10+$0x0] =	vst.idx.msk vm9, v0  }
0x211: {  	[tilespmem:v1+s10+$0x0] =	vst.idx.msk vm10, v0  }
0x212: {  	[tilespmem:v1+s10+$0x0] =	vst.idx.msk vm11, v0  }
0x213: {  	[tilespmem:v1+s10+$0x0] =	vst.idx.msk vm12, v0  }
0x214: {  	[tilespmem:v1+s10+$0x0] =	vst.idx.msk vm13, v0  }
0x215: {  	[tilespmem:v1+s10+$0x0] =	vst.idx.msk vm14, v0  }
0x216: {  	v1 =	vld [tilespmem:$0xC0];
	_ =	sdelay $0x7  }
0x217: {  	[tilespmem:v1+s10+$0x0] =	vst.idx.msk $0x1, v0  }
0x218: {  	[tilespmem:v1+s10+$0x0] =	vst.idx.msk vm0, v0  }
0x219: {  	[tilespmem:v1+s10+$0x0] =	vst.idx.msk vm1, v0  }
0x21a: {  	[tilespmem:v1+s10+$0x0] =	vst.idx.msk vm2, v0  }
0x21b: {  	[tilespmem:v1+s10+$0x0] =	vst.idx.msk vm3, v0  }
0x21c: {  	[tilespmem:v1+s10+$0x0] =	vst.idx.msk vm4, v0  }
0x21d: {  	[tilespmem:v1+s10+$0x0] =	vst.idx.msk vm5, v0  }
0x21e: {  	[tilespmem:v1+s10+$0x0] =	vst.idx.msk vm6, v0  }
0x21f: {  	[tilespmem:v1+s10+$0x0] =	vst.idx.msk vm7, v0  }
0x220: {  	[tilespmem:v1+s10+$0x0] =	vst.idx.msk vm8, v0  }
0x221: {  	[tilespmem:v1+s10+$0x0] =	vst.idx.msk vm9, v0  }
0x222: {  	[tilespmem:v1+s10+$0x0] =	vst.idx.msk vm10, v0  }
0x223: {  	[tilespmem:v1+s10+$0x0] =	vst.idx.msk vm11, v0  }
0x224: {  	[tilespmem:v1+s10+$0x0] =	vst.idx.msk vm12, v0  }
0x225: {  	[tilespmem:v1+s10+$0x0] =	vst.idx.msk vm13, v0  }
0x226: {  	[tilespmem:v1+s10+$0x0] =	vst.idx.msk vm14, v0  }
0x227: {  	v1 =	vld [tilespmem:$0xD0];
	_ =	sdelay $0x7  }
0x228: {  	[tilespmem:v1+s10+$0x0] =	vst.idx.msk $0x1, v0  }
0x229: {  	[tilespmem:v1+s10+$0x0] =	vst.idx.msk vm0, v0  }
0x22a: {  	[tilespmem:v1+s10+$0x0] =	vst.idx.msk vm1, v0  }
0x22b: {  	[tilespmem:v1+s10+$0x0] =	vst.idx.msk vm2, v0  }
0x22c: {  	[tilespmem:v1+s10+$0x0] =	vst.idx.msk vm3, v0  }
0x22d: {  	[tilespmem:v1+s10+$0x0] =	vst.idx.msk vm4, v0  }
0x22e: {  	[tilespmem:v1+s10+$0x0] =	vst.idx.msk vm5, v0  }
0x22f: {  	[tilespmem:v1+s10+$0x0] =	vst.idx.msk vm6, v0  }
0x230: {  	[tilespmem:v1+s10+$0x0] =	vst.idx.msk vm7, v0  }
0x231: {  	[tilespmem:v1+s10+$0x0] =	vst.idx.msk vm8, v0  }
0x232: {  	[tilespmem:v1+s10+$0x0] =	vst.idx.msk vm9, v0  }
0x233: {  	[tilespmem:v1+s10+$0x0] =	vst.idx.msk vm10, v0  }
0x234: {  	[tilespmem:v1+s10+$0x0] =	vst.idx.msk vm11, v0  }
0x235: {  	[tilespmem:v1+s10+$0x0] =	vst.idx.msk vm12, v0  }
0x236: {  	[tilespmem:v1+s10+$0x0] =	vst.idx.msk vm13, v0  }
0x237: {  	[tilespmem:v1+s10+$0x0] =	vst.idx.msk vm14, v0  }
0x238: {  	v1 =	vld [tilespmem:$0xE0];
	_ =	sdelay $0x7  }
0x239: {  	[tilespmem:v1+s10+$0x0] =	vst.idx.msk $0x1, v0  }
0x23a: {  	[tilespmem:v1+s10+$0x0] =	vst.idx.msk vm0, v0  }
0x23b: {  	[tilespmem:v1+s10+$0x0] =	vst.idx.msk vm1, v0  }
0x23c: {  	[tilespmem:v1+s10+$0x0] =	vst.idx.msk vm2, v0  }
0x23d: {  	[tilespmem:v1+s10+$0x0] =	vst.idx.msk vm3, v0  }
0x23e: {  	[tilespmem:v1+s10+$0x0] =	vst.idx.msk vm4, v0  }
0x23f: {  	[tilespmem:v1+s10+$0x0] =	vst.idx.msk vm5, v0  }
0x240: {  	[tilespmem:v1+s10+$0x0] =	vst.idx.msk vm6, v0  }
0x241: {  	[tilespmem:v1+s10+$0x0] =	vst.idx.msk vm7, v0  }
0x242: {  	[tilespmem:v1+s10+$0x0] =	vst.idx.msk vm8, v0  }
0x243: {  	[tilespmem:v1+s10+$0x0] =	vst.idx.msk vm9, v0  }
0x244: {  	[tilespmem:v1+s10+$0x0] =	vst.idx.msk vm10, v0  }
0x245: {  	[tilespmem:v1+s10+$0x0] =	vst.idx.msk vm11, v0  }
0x246: {  	[tilespmem:v1+s10+$0x0] =	vst.idx.msk vm12, v0  }
0x247: {  	[tilespmem:v1+s10+$0x0] =	vst.idx.msk vm13, v0  }
0x248: {  	[tilespmem:v1+s10+$0x0] =	vst.idx.msk vm14, v0  }
0x249: {  	v1 =	vld [tilespmem:$0xF0];
	_ =	sdelay $0x7  }
0x24a: {  	[tilespmem:v1+s10+$0x0] =	vst.idx.msk $0x1, v0  }
0x24b: {  	[tilespmem:v1+s10+$0x0] =	vst.idx.msk vm0, v0  }
0x24c: {  	[tilespmem:v1+s10+$0x0] =	vst.idx.msk vm1, v0  }
0x24d: {  	[tilespmem:v1+s10+$0x0] =	vst.idx.msk vm2, v0  }
0x24e: {  	[tilespmem:v1+s10+$0x0] =	vst.idx.msk vm3, v0  }
0x24f: {  	[tilespmem:v1+s10+$0x0] =	vst.idx.msk vm4, v0  }
0x250: {  	[tilespmem:v1+s10+$0x0] =	vst.idx.msk vm5, v0  }
0x251: {  	[tilespmem:v1+s10+$0x0] =	vst.idx.msk vm6, v0  }
0x252: {  	[tilespmem:v1+s10+$0x0] =	vst.idx.msk vm7, v0  }
0x253: {  	[tilespmem:v1+s10+$0x0] =	vst.idx.msk vm8, v0  }
0x254: {  	p0 =	sne.s32 s17, $0x1F;
	[tilespmem:v1+s10+$0x0] =	vst.idx.msk vm9, v0  }
.Ltmp1:
0x255: {  	[tilespmem:v1+s10+$0x0] =	vst.idx.msk vm10, v0;
	(pc) =	sbr.rel @p0 .LBB2_4-.Ltmp1, $4  }
0x256: {  	[tilespmem:v1+s10+$0x0] =	vst.idx.msk vm11, v0  }
0x257: {  	[tilespmem:v1+s10+$0x0] =	vst.idx.msk vm12, v0  }
0x258: {  	s14 =	sadd.s32 $0x80, s14;
	[tilespmem:v1+s10+$0x0] =	vst.idx.msk vm13, v0  }
0x259: {  	s15 =	sadd.s32 $0x20, s15;
	s16 =	sadd.s32 $0x20, s16;
	s17 =	sadd.s32 $0x1, s17;
	[tilespmem:v1+s10+$0x0] =	vst.idx.msk vm14, v0  }
0x25a: {  	s13 =	sadd.s32 $0x1, s13  }
0x25b: {  	p0 =	sne.s32 s13, s4  }
.Ltmp2:
0x25c: {  	_ = 	snop;
	(pc) =	sbr.rel @p0 .LBB2_1-.Ltmp2, $1  }
0x25d: {  	_ =	sdelay $0x3  }
0x25e: {  	_ =	sfence.sel $0x180000  }
0x25f: {  	[bflag:$0x0] =	sbarrier.arrive $0xFFFF  }
0x260: {  	p0 =	sne.s32 s1, $0x0;
	_ =	strace $0x90000047  }
0x261: {  	s0 =	sadd.s32 @!p0 $0x100000, s0;
	[bflag:$0x2] =	sbarrier.arrive $0xFFFF  }
0x262: {  	[sflag:s0] =	ssyncadd.tile.s32 @!p0 $0x1;
	_ =	shalt  }
.Lfunc_end2:
_tile_overlayer_lowered:
.L_overlay_start_2:
0x263: {  	(tag) =	ssettag $0x2  }
0x264: {  	s0 =	rddreg [dreg:$0x0];
	s2 =	stileid.u32  }
0x265: {  	s1 =	rddreg [dreg:$0x1];
	p0 =	sne.s32 s2, $0x0  }
0x266: {  	s3 =	rddreg [dreg:$0x2];
	[bflag:$0x3] =	sbarrier.arrive $0xFFFF;
	s2 =	simm.s32 @!p0 $0x1C01  }
0x267: {  	[timem:s3], [sflag:s2] =	dma.local @!p0 [hbm:s0], s1  }
0x268: {  	s0 =	simm.s32 @!p0 $0x1  }
0x269: {  	_ =	swait.ge @!p0 [sflag:s0], s1  }
0x26a: {  	s1 =	ssub.s32 @!p0 $0x0, s1;
	[sflag:s0] =	ssyncset.done @!p0 $0x0  }
0x26b: {  	[sflag:s0] =	ssyncadd.s32 @!p0 s1  }
0x26c: {  	[bflag:$0x3] =	sbarrier.arrive $0xFFFF  }
0x26d: {  	_ =	shalt  }

// kernel: sparse-core-data-format-call.cloned.1.call-start
scs
called_computation_lowered:
.L_overlay_start_0:
0x0: {  	s2 =	sld [smem:$0x3FD9]  }
0x1: {  	s3 =	sld [smem:$0x3FFE];
	_ =	sdelay $0x1  }
0x2: {  	s1 =	srdreg.scid  }
0x3: {  	s0 =	sand.u32 $0x1, s1  }
0x4: {  	s15 =	sshll.u32 s0, $0xA;
	s2 =	sadd.s32 s3, s2  }
0x5: {  	s2 =	sadd.s32 s2, s15  }
0x6: {  	[smem:$0x3FC0] =	sst s2  }
0x7: {  	_ = 	snop  }
0x8: {  	s2 =	sld [smem:$0x3FD0];
	_ =	sdelay $0x2  }
0x9: {  	s16 =	simm.s32 $0xA;
	s4 =	simm.s32 $0x10  }
0xa: {  	[smem:s4], [sflag:s16] =	dma.local [hbm:s2], $0x1  }
0xb: {  	_ =	swait.eq [sflag:s16], $0x1  }
0xc: {  	[sflag:s16] =	ssyncset.done $0x0  }
0xd: {  	[sflag:s16] =	ssyncadd.s32 $0xFFFFFFFF  }
0xe: {  	s17 =	sld [smem:$0x10];
	(tm) =	ssettm $0x1  }
0xf: {  	s18 =	sld [smem:$0x3FFB];
	_ =	sdelay $0x3  }
0x10: {  	_ =	strace s18  }
0x11: {  	s3 =	sld [smem:$0x3FFC];
	_ =	sdelay $0x3  }
0x12: {  	_ =	strace s3  }
0x13: {  	s3 =	sld [smem:$0x3FFD];
	_ =	sdelay $0x3  }
0x14: {  	_ =	strace s3  }
0x15: {  	_ =	strace $0x8FFFFFFF  }
0x16: {  	s19 =	sld [smem:$0x3FDB];
	_ =	sdelay $0x1  }
0x17: {  	s20 =	simm.s32 $_scs_section_size  }
0x18: {  	s5 =	simm.s32 $_size__tile_overlayer_lowered;
	s6 =	simm.s32 $_tile_overlayer_lowered  }
0x19: {  	s23 =	simm.s32 $0x1BFF;
	s22 =	sshll.u32 s6, $0x1;
	s3 =	sadd.s32 s20, s19  }
0x1a: {  	s7 =	simm.s32 $0x0;
	s21 =	sshll.u32 s5, $0x1;
	s5 =	sadd.s32 s22, s3  }
0x1b: {  	[timem:s7], [sflag:s23] =	dma.local [hbm:s5], s21  }
0x1c: {  	_ =	swait.ge [sflag:s23], s21  }
0x1d: {  	s4 =	ssub.s32 $0x0, s21;
	[sflag:s23] =	ssyncset.done $0x0  }
0x1e: {  	[sflag:s23] =	ssyncadd.s32 s4;
	_ =	sdelay $0x1  }
0x1f: {  	s24 =	simm.s32 $0x1B8B  }
0x20: {  	_ =	swait.ge [sflag:s24], $0x1  }
0x21: {  	[sflag:s24] =	ssyncset.done $0x0  }
0x22: {  	s26 =	simm.s32 $0x1B8E;
	s25 =	sld [smem:$0x3FFE];
	[sflag:s24] =	ssyncadd.s32 $0xFFFFFFFF  }
0x23: {  	s27 =	simm.s32 $execute0_lowered;
	[smem:$0x3FD2] =	sst s26  }
0x24: {  	s5 =	sshll.u32 s27, $0x1;
	_ =	strace $0x80000049;
	[dreg:$0x1] =	wrdreg $0xFFFFFFFF  }
0x25: {  	s28 =	simm.s32 $_size_execute0_lowered;
	s3 =	sadd.s32 s3, s5;
	[dreg:$0x0] =	wrdreg $0x0  }
0x26: {  	s5 =	sshll.u32 s28, $0x1;
	[dreg:$0x2] =	wrdreg s3  }
0x27: {  	[dreg:$0x3] =	wrdreg s5  }
0x28: {  	[dreg:$0x4] =	wrdreg $0xC0  }
0x29: {  	_ =	task [dreg:s7], $0x5FFFF  }
0x2a: {  	[dreg:$0x1] =	wrdreg $0xFFFFFFFF  }
0x2b: {  	[dreg:$0x0] =	wrdreg $0x60  }
0x2c: {  	[dreg:$0x2] =	wrdreg s25  }
0x2d: {  	[dreg:$0x3] =	wrdreg s17  }
0x2e: {  	[dreg:$0x4] =	wrdreg $0x9  }
0x2f: {  	_ =	task.clear_ibuf [dreg:s7], $0x5FFFF;
	_ =	strace $0x90000049  }
0x30: {  	s29 =	simm.s32 $0x9;
	_ =	strace $0x8000004B  }
0x31: {  	_ =	swait.ge [sflag:s29], $0x1  }
0x32: {  	[sflag:s29] =	ssyncadd.s32 $0xFFFFFFFF  }
0x33: {  	_ =	strace $0x9000004B  }
0x34: {  	_ =	sfence  }
0x35: {  	s30 =	sld [smem:$0x0];
	_ =	sdelay $0x2  }
0x36: {  	s31 =	sshll.u32 s1, $0xD;
	s1 =	sshrl.u32 s1, $0x2  }
0x37: {  	s3 =	sand.u32 $0x4000, s31;
	s1 =	sadd.s32 s1, s30  }
0x38: {  	s0 =	sor.u32 s3, s0;
	s1 =	sshll.u32 s1, $0x11  }
0x39: {  	s0 =	sor.u32 s1, s0  }
0x3a: {  	s0 =	sadd.s32 $0x8F2B, s0  }
0x3b: {  	[sflag:s0] =	ssyncadd.remote.s32 $0x1  }
0x3c: {  	_ =	sfence.sel $0xFFFF  }
0x3d: {  	[dreg:$0x0] =	wrdreg $0xFFFFFFFF;
	(pc) =	sbr.abs _section_cstart, $3  }
0x3e: {  	[dreg:$0x1] =	wrdreg $0xFFFFFFFF  }
0x3f: {  	_ =	task.clear_ibuf [dreg:s7], $0x2FFFF;
	_ =	strace $0x9FFFFFFF  }
0x40: {  	(tm) =	ssettm $0x7FFFFFFF  }
0x41: {  	_ =	shalt  }
tec
execute0_lowered:
.L_overlay_start_1:
0x0: {  	(tag) =	ssettag $0x1  }
0x1: {  	s0 =	stileid.u32  }
0x2: {  	s2 =	srdreg.scid;
	s7 =	rddreg [dreg:$0x0]  }
0x3: {  	s6 =	simm.s32 $0x1;
	s31 =	simm.s32 $0x2;
	s16 =	simm.s32 $0x0  }
0x4: {  	s9 =	simm.s32 $0x2000;
	s15 =	simm.s32 $0x0;
	s10 =	simm.s32 $0x0  }
0x5: {  	s11 =	simm.s32 $0x0;
	s14 =	simm.s32 $0x0;
	s1 =	sshll.u32 s0, $0x7  }
0x6: {  	s3 =	sshll.u32 s0, $0x4;
	s2 =	sshll.u32 s2, $0x8;
	s1 =	sand.u32 $0x380, s1  }
0x7: {  	s7 =	sadd.s32 $0x11400, s7;
	s2 =	sor.u32 s3, s2;
	s5 =	ssub.s32 $0x400, s1  }
0x8: {  	s3 =	rddreg [dreg:$0x1];
	s4 =	sand.u32 $0x180, s2;
	s29 =	sand.u32 $0x380, s5  }
0x9: {  	s30 =	ssub.s32 $0x18680, s4;
	s5 =	sshrl.u32 s5, $0xA;
	p0 =	sne.s32 s29, $0x0  }
.Ltmp0:
0xa: {  	s8 =	sshrl.u32 s30, $0x9;
	s6 =	simm.s32 @!p0 $0x0;
	(pc) =	sbr.rel .LBB1_1-.Ltmp0, $4  }
0xb: {  	s2 =	rddreg [dreg:$0x2];
	s8 =	sadd.s32 $0x1, s8;
	s6 =	sadd.s32 s6, s5  }
0xc: {  	_ =	strace $0x8000004A;
	s5 =	simm.s32 $0x1;
	s6 =	smul.u32 s6, s8  }
0xd: {  	s13 =	smov.u32 s1;
	s12 =	smov.u32 s4;
	[sflag:s5] =	ssyncpa.u1 $0x0  }
0xe: {  	p0 =	por $0x0, $0x0;
	[sflag:s31] =	ssyncpa.u1 $0x0;
	s8 =	sadd.s32 $0x1, s6  }
.LBB1_4:
0xf: {  	s21 =	sshra.s32 s21, $0x2;
	s27 =	sshll.u32 s10, $0xA;
	s22 =	sshll.u32 s11, $0x3  }
0x10: {  	s23 =	sshll.u32 s10, $0x7;
	s24 =	sand.u32 $0x78, s11;
	p1 =	sgt.s32 s10, $0x18620  }
0x11: {  	s25 =	sshra.s32 s10, $0x1F;
	s26 =	sshra.s32 s11, $0x1F;
	s20 =	sadd.s32 s21, s20  }
0x12: {  	v5 =	vld [tilespmem:s18+$0xFFFFFFD0];
	[tilespmem:s19+$0x2040 ss:$0x81] =	vst.msk $0xffff, v4;
	s21 =	sand.u32 $0xFFFFE000, s27;
	s22 =	sand.u32 $0xFFFFFC00, s22;
	s28 =	sand.u32 $0x380, s23  }
0x13: {  	v58 =	vld [tilespmem:s18+$0xFFFFFFE0];
	[tilespmem:s19+$0x2850 ss:$0x81] =	vst.msk $0xffff, v3;
	s23 =	smov.u32 s10;
	s30 =	sand.u32 s25, s10;
	s25 =	smov.u32 s11  }
0x14: {  	v59 =	vld [tilespmem:s18+$0xFFFFFFF0];
	[tilespmem:s19+$0x3060 ss:$0x81] =	vst.msk $0xffff, v2;
	s31 =	sand.u32 s26, s11;
	s21 =	sadd.s32 s22, s21;
	s22 =	sor.u32 s24, s28  }
0x15: {  	v60 =	vld [tilespmem:s18+$0x0];
	[tilespmem:s19+$0x0 ss:$0x81] =	vst.msk $0xffff, v1;
	s23 =	simm.s32 @!p1 $0x18620;
	p1 =	sgt.s32 s11, $0x380;
	s21 =	sshrl.u32 s21, $0xA  }
0x16: {  	v61 =	vld [tilespmem:s18+$0x10];
	[tilespmem:s20+$0x3870 ss:$0x81] =	vst.msk $0xffff, v0;
	s19 =	ssub.s32 s23, s30;
	s25 =	simm.s32 @!p1 $0x380;
	s29 =	smulhi.u32 $0x53E2D7, s21  }
0x17: {  	v62 =	vld [tilespmem:s18+$0x20];
	s23 =	ssub.s32 s25, s31;
	s26 =	sadd.s32 $0xFFFE79E0, s19;
	s19 =	ssub.s32 $0x186A0, s19;
	[tilespmem:s20+$0x810 ss:$0x81] =	vst.msk $0xffff, v5  }
0x18: {  	v63 =	vld [tilespmem:s18+$0xFFFFFFC0];
	[tilespmem:s20+$0x1020 ss:$0x81] =	vst.msk $0xffff, v58;
	p1 =	sgt.s32 s26, $0x7F;
	s28 =	sadd.s32 $0xFFFFFC80, s23;
	s24 =	sshrl.u32 s29, $0x7  }
0x19: {  	[tilespmem:s20+$0x1830 ss:$0x81] =	vst.msk $0xffff, v59;
	s23 =	ssub.s32 $0x400, s23;
	p2 =	sgt.s32 s28, $0x7F;
	s27 =	smul.u32 $0x186A0, s24  }
0x1a: {  	s30 =	sand.u32 $0x7, s11;
	[tilespmem:s20+$0x2040 ss:$0x81] =	vst.msk $0xffff, v60;
	s19 =	simm.s32 @p1 $0x0;
	s23 =	simm.s32 @p2 $0x0  }
0x1b: {  	[tilespmem:s20+$0x2850 ss:$0x81] =	vst.msk $0xffff, v61;
	s29 =	sshrl.u32 s22, $0x3;
	s19 =	smul.u32 s23, s19;
	s18 =	ssub.s32 s21, s27  }
0x1c: {  	[tilespmem:s20+$0x3060 ss:$0x81] =	vst.msk $0xffff, v62;
	s22 =	sshll.u32 s30, $0x12;
	s21 =	sadd.s32 s3, s29;
	s18 =	sshll.u32 s18, $0x7  }
0x1d: {  	[tilespmem:s20+$0x0 ss:$0x81] =	vst.msk $0xffff, v63;
	s31 =	sor.u32 $0x400, s22;
	s19 =	sand.u32 $0x3FFFFFFF, s19;
	s18 =	sadd.s32 s18, s21  }
0x1e: {  	[hbm4b:s18+s31] =	stream.strided.scatter [tilespmem:s17], [sflag:$0x2], s19, s9, s31, $0x20;
	[tilespmem:$0x10100] =	vst v63  }
.LBB1_5:
0x1f: {  	p1 =	slt.u32 s14, $0x2  }
0x20: {  	s18 =	smov.u32 s16;
	p2 =	sgt.s32 @!p1 s16, $0x18620;
	s17 =	sshra.s32 @!p1 s16, $0x1F  }
0x21: {  	p3 =	sgt.s32 @!p1 s15, $0x380;
	s19 =	sshra.s32 @!p1 s15, $0x1F;
	p2 =	por !p2, p1  }
0x22: {  	s16 =	sand.u32 @!p1 s17, s16;
	p3 =	por !p3, p1;
	s17 =	smov.u32 s15  }
0x23: {  	s15 =	sand.u32 @!p1 s19, s15;
	s18 =	simm.s32 @p2 $0x18620;
	s17 =	simm.s32 @p3 $0x380  }
0x24: {  	s16 =	ssub.s32 @!p1 s18, s16;
	s15 =	ssub.s32 @!p1 s17, s15  }
0x25: {  	s19 =	smov.u32 s13;
	s17 =	sadd.s32 @!p1 $0xFFFE79E0, s16;
	s18 =	sadd.s32 @!p1 $0xFFFFFC80, s15  }
0x26: {  	s16 =	ssub.s32 @!p1 $0x186A0, s16;
	p2 =	sgt.s32 @!p1 s17, $0x7F;
	p3 =	sgt.s32 @!p1 s18, $0x7F  }
0x27: {  	s15 =	ssub.s32 @!p1 $0x400, s15;
	p2 =	por !p2, p1;
	p3 =	por !p3, p1  }
0x28: {  	s17 =	sadd.s32 $0x200, s12;
	s16 =	simm.s32 @!p2 $0x0;
	s15 =	simm.s32 @!p3 $0x0  }
0x29: {  	p2 =	sgt.s32 s17, $0x1869F;
	s15 =	smul.u32 @!p1 s15, s16;
	s16 =	sadd.s32 $0x400, s13  }
0x2a: {  	s19 =	smov.u32 @p2 s16  }
0x2b: {  	s17 =	smov.u32 @p2 s4;
	p2 =	sgt.s32 s19, $0x3FF  }
0x2c: {  	s19 =	smov.u32 @p2 s1;
	p2 =	sne.s32 s14, s8  }
.Ltmp1:
0x2d: {  	p0 =	por !p0, !p0;
	s18 =	simm.s32 @!p1 $0x2;
	(pc) =	sbr.rel @!p2 .LBB1_6-.Ltmp1, $4  }
0x2e: {  	s16 =	smov.u32 s10;
	s10 =	smov.u32 s12;
	s15 =	sand.u32 @!p1 $0x3FFFFFFF, s15  }
0x2f: {  	s12 =	smov.u32 s17;
	_ =	swait.ge @!p1 [sflag:s18], s15;
	s20 =	ssub.s32 @!p1 $0x0, s15  }
0x30: {  	s15 =	smov.u32 s11;
	s14 =	sadd.s32 $0x1, s14;
	[sflag:s18] =	ssyncset.done @!p1 $0x0  }
0x31: {  	s11 =	smov.u32 s13;
	s13 =	smov.u32 s19;
	[sflag:s18] =	ssyncadd.s32 @!p1 s20  }
.LBB1_1:
0x32: {  	p1 =	sge.u32 s14, s6  }
0x33: {  	s17 =	sshrl.u32 @!p1 s13, $0x3  }
0x34: {  	s18 =	sshll.u32 @!p1 s12, $0x3;
	s17 =	smul.u32 @!p1 $0xC3800, s17  }
0x35: {  	s19 =	sshll.u32 @!p1 s13, $0x7;
	s18 =	sand.u32 @!p1 $0xFFFFFC00, s18  }
0x36: {  	s17 =	sadd.s32 @!p1 s17, s18;
	s18 =	sand.u32 @!p1 $0x380, s19  }
0x37: {  	s19 =	sand.u32 @!p1 $0x7F, s12;
	s17 =	sor.u32 @!p1 s18, s17  }
0x38: {  	s18 =	sor.u32 @!p1 s19, s17  }
0x39: {  	s19 =	smulhi.u32 @!p1 $0xA79C7B17, s18;
	_ =	sdelay $0x1  }
0x3a: {  	s17 =	smulhi.u32 @!p1 $0xA79C7B17, s17;
	s19 =	sshrl.u32 @!p1 s19, $0x10  }
0x3b: {  	s19 =	smul.u32 @!p1 $0x18700, s19  }
0x3c: {  	s31 =	sadd.s32 $0xFFFFFFFF, s14;
	s20 =	sxor.u32 @!p1 $0xFFFFFFFF, s14;
	s17 =	sshrl.u32 @!p1 s17, $0x10  }
0x3d: {  	s20 =	sshll.u32 @!p1 s20, $0xE;
	s17 =	sand.u32 @!p1 $0x3FF, s17;
	s18 =	ssub.s32 @!p1 s18, s19  }
0x3e: {  	s17 =	smul.u32 @!p1 $0x30E0, s17;
	s19 =	sshrl.u32 @!p1 s18, $0x3;
	s18 =	sand.u32 @!p1 $0x7, s18  }
0x3f: {  	s20 =	sand.u32 @!p1 $0x4000, s20;
	s19 =	sadd.s32 @!p1 s7, s19;
	s18 =	sshll.u32 @!p1 s18, $0x12  }
0x40: {  	s17 =	sadd.s32 @!p1 s17, s19;
	s18 =	sor.u32 @!p1 $0x400, s18;
	s19 =	simm.s32 @!p1 $0xC3800  }
0x41: {  	[tilespmem:s20], [sflag:$0x1] =	stream.strided.gather @!p1 [hbm4b:s17+s18], $0x4000, s19, s18, $0x38;
	[tilespmem:$0x10100] =	vst v63  }
0x42: {  	p1 =	sge.u32 s31, s6  }
.Ltmp2:
0x43: {  	_ = 	snop;
	(pc) =	sbr.rel @p1 .LBB1_5-.Ltmp2, $1  }
0x44: {  	_ =	sdelay $0x3  }
0x45: {  	s17 =	simm.s32 $0x1  }
0x46: {  	_ =	swait.ge [sflag:s5], $0x4000;
	s17 =	simm.s32 @!p0 $0x0  }
0x47: {  	[sflag:s5] =	ssyncset.done $0x0;
	s18 =	sshll.u32 s17, $0xE  }
0x48: {  	[sflag:s5] =	ssyncadd.s32 $0xFFFFC000;
	s18 =	sor.u32 $0x40, s18  }
0x49: {  	s17 =	smul.u32 $0x10200, s17;
	v0 =	vld [tilespmem:s18+$0x30]  }
0x4a: {  	v1 =	vld [tilespmem:s18+$0xFFFFFFD0]  }
0x4b: {  	s17 =	sshrl.u32 s17, $0x2;
	v5 =	vld [tilespmem:s18+$0xFFFFFFE0]  }
0x4c: {  	v6 =	vld [tilespmem:s18+$0xFFFFFFF0];
	s20 =	sor.u32 $0x8000, s17  }
0x4d: {  	s31 =	sand.u32 $0x1, s14;
	v4 =	vld [tilespmem:s18+$0x0];
	s19 =	sadd.s32 $0x0, s20  }
0x4e: {  	v3 =	vld [tilespmem:s18+$0x10];
	s17 =	smul.u32 $0x10200, s31;
	[tilespmem:s19+$0x3870 ss:$0x81] =	vst.msk $0xffff, v0  }
0x4f: {  	v2 =	vld [tilespmem:s18+$0x20];
	[tilespmem:s19+$0x810 ss:$0x81] =	vst.msk $0xffff, v1  }
0x50: {  	s17 =	sshrl.u32 s17, $0x2;
	v1 =	vld [tilespmem:s18+$0xFFFFFFC0];
	[tilespmem:s19+$0x1020 ss:$0x81] =	vst.msk $0xffff, v5;
	s18 =	sadd.s32 $0x80, s18  }
0x51: {  	s21 =	simm.s32 $0x4;
	s22 =	simm.s32 $0x8;
	s17 =	sor.u32 $0x8000, s17;
	[tilespmem:s19+$0x1830 ss:$0x81] =	vst.msk $0xffff, v6;
	v0 =	vld [tilespmem:s18+$0x30]  }
.LBB1_3:
0x52: {  	p1 =	sne.s32 s22, $0x1FC;
	v5 =	vld [tilespmem:s18+$0xFFFFFFD0];
	[tilespmem:s19+$0x2040 ss:$0x81] =	vst.msk $0xffff, v4  }
0x53: {  	v6 =	vld [tilespmem:s18+$0xFFFFFFE0];
	[tilespmem:s19+$0x2850 ss:$0x81] =	vst.msk $0xffff, v3  }
0x54: {  	s23 =	sshra.s32 s21, $0x2;
	s21 =	smov.u32 s22;
	v7 =	vld [tilespmem:s18+$0xFFFFFFF0];
	[tilespmem:s19+$0x3060 ss:$0x81] =	vst.msk $0xffff, v2  }
.Ltmp3:
0x55: {  	v4 =	vld [tilespmem:s18+$0x0];
	[tilespmem:s19+$0x0 ss:$0x81] =	vst.msk $0xffff, v1;
	s19 =	sadd.s32 s23, s20;
	(pc) =	sbr.rel @p1 .LBB1_3-.Ltmp3, $4  }
0x56: {  	v3 =	vld [tilespmem:s18+$0x10];
	[tilespmem:s19+$0x3870 ss:$0x81] =	vst.msk $0xffff, v0  }
0x57: {  	[tilespmem:s19+$0x810 ss:$0x81] =	vst.msk $0xffff, v5;
	v2 =	vld [tilespmem:s18+$0x20]  }
0x58: {  	v1 =	vld [tilespmem:s18+$0xFFFFFFC0];
	[tilespmem:s19+$0x1020 ss:$0x81] =	vst.msk $0xffff, v6;
	s18 =	sadd.s32 $0x80, s18  }
0x59: {  	s22 =	sadd.s32 $0x4, s22;
	v0 =	vld [tilespmem:s18+$0x30];
	[tilespmem:s19+$0x1830 ss:$0x81] =	vst.msk $0xffff, v7  }
.Ltmp4:
0x5a: {  	_ = 	snop;
	(pc) =	sbr.rel .LBB1_4-.Ltmp4, $1  }
0x5b: {  	_ =	sdelay $0x3  }
.LBB1_6:
0x5c: {  	_ =	sfence.sel $0x180000  }
0x5d: {  	s1 =	simm.s32 $0x1;
	[bflag:$0x0] =	sbarrier.arrive $0xFFFF  }
0x5e: {  	s31 =	simm.s32 $0x2;
	[sflag:s1] =	ssyncpa.u1 $0x1  }
0x5f: {  	[sflag:s31] =	ssyncpa.u1 $0x1  }
0x60: {  	p0 =	sne.s32 s0, $0x0;
	_ =	strace $0x9000004A  }
0x61: {  	s0 =	sadd.s32 @!p0 $0x100000, s2;
	[bflag:$0x2] =	sbarrier.arrive $0xFFFF  }
0x62: {  	[sflag:s0] =	ssyncadd.tile.s32 @!p0 $0x1;
	_ =	shalt  }
.Lfunc_end1:
_tile_overlayer_lowered:
.L_overlay_start_2:
0x63: {  	(tag) =	ssettag $0x2  }
0x64: {  	s0 =	rddreg [dreg:$0x0];
	s2 =	stileid.u32  }
0x65: {  	s1 =	rddreg [dreg:$0x1];
	p0 =	sne.s32 s2, $0x0  }
0x66: {  	s3 =	rddreg [dreg:$0x2];
	[bflag:$0x3] =	sbarrier.arrive $0xFFFF;
	s2 =	simm.s32 @!p0 $0x1C01  }
0x67: {  	[timem:s3], [sflag:s2] =	dma.local @!p0 [hbm:s0], s1  }
0x68: {  	s0 =	simm.s32 @!p0 $0x1  }
0x69: {  	_ =	swait.ge @!p0 [sflag:s0], s1  }
0x6a: {  	s1 =	ssub.s32 @!p0 $0x0, s1;
	[sflag:s0] =	ssyncset.done @!p0 $0x0  }
0x6b: {  	[sflag:s0] =	ssyncadd.s32 @!p0 s1  }
0x6c: {  	[bflag:$0x3] =	sbarrier.arrive $0xFFFF  }
0x6d: {  	_ =	shalt  }

</sc_bundles>
